<compile_context>
chip_gen: v7x
topology: tpu7x:2x2x1
jax: 0.10.2.dev20260603
libtpu: 0.0.44.dev20260713+nightly
codegen_flags: <defaults>
</compile_context>

<pallas_src>
import functools

import jax
import jax.numpy as jnp
from jax import lax
from jax.experimental import pallas as pl
from jax.experimental.pallas import tpu as pltpu
from jax.experimental.pallas import tpu_sc as plsc

N_NODES = 10000
N_EDGES = 320000
D_FEAT = 128
D_EDGE = 16
N_GRAPHS = 64

D_MSG = 32
N_ACC = 10240
E_PAD = 327680
NW = 32
EPT = E_PAD // NW
CH = 128
NCHUNK = EPT // CH
ZCOPY = N_ACC // (NW // 2) // CH

_HI = jax.lax.Precision.HIGHEST


def _node_mm_body(x_ref, w_ref, o_ref):
    o_ref[...] = jnp.dot(x_ref[...], w_ref[...])


def _node_mm(node_attr, w_top):
    blk = 1000
    return pl.pallas_call(
        _node_mm_body,
        grid=(N_NODES // blk,),
        in_specs=[
            pl.BlockSpec((blk, D_FEAT), lambda i: (i, 0)),
            pl.BlockSpec((D_FEAT, D_MSG), lambda i: (0, 0)),
        ],
        out_specs=pl.BlockSpec((blk, D_MSG), lambda i: (i, 0)),
        out_shape=jax.ShapeDtypeStruct((N_NODES, D_MSG), jnp.float32),
    )(node_attr, w_top)


def _edge_mm_body(x_ref, w_ref, b_ref, o_ref):
    y = jnp.dot(x_ref[...], w_ref[...]) + b_ref[...]
    o_ref[...] = y.reshape(o_ref.shape)


def _edge_mm(edge_attr8, w_big, b_big):
    blk = 2000
    rows = N_EDGES // 8
    return pl.pallas_call(
        _edge_mm_body,
        grid=(rows // blk,),
        in_specs=[
            pl.BlockSpec((blk, 128), lambda i: (i, 0)),
            pl.BlockSpec((128, 256), lambda i: (0, 0)),
            pl.BlockSpec((1, 256), lambda i: (0, 0)),
        ],
        out_specs=pl.BlockSpec((2 * blk, 128), lambda i: (i, 0)),
        out_shape=jax.ShapeDtypeStruct((2 * rows, 128), jnp.float32),
    )(edge_attr8, w_big, b_big)


N_REAL_CHUNKS = N_EDGES // CH
LASTN = N_REAL_CHUNKS - (NW - 1) * NCHUNK


def _sc_body(t_hbm, e_hbm, ei3_hbm, out_hbm,
             sidx_all, didx_all, tb0, tb1, tb2, tb3, eb0, eb1, eb2, eb3,
             mbuf, acc_sh, st0, st1, st2, st3, se0, se1, se2, se3):
    c = lax.axis_index("c")
    s = lax.axis_index("s")
    w = c * 16 + s
    base = w * NCHUNK
    nreal = jnp.minimum(NCHUNK, N_REAL_CHUNKS - base)

    @pl.when(w < NW - 1)
    def _():
        pltpu.sync_copy(ei3_hbm.at[0, pl.ds(base, NCHUNK)], sidx_all)
        pltpu.sync_copy(ei3_hbm.at[1, pl.ds(base, NCHUNK)], didx_all)

    @pl.when(w == NW - 1)
    def _():
        pltpu.sync_copy(ei3_hbm.at[0, pl.ds(base, LASTN)],
                        sidx_all.at[pl.ds(0, LASTN)])
        pltpu.sync_copy(ei3_hbm.at[1, pl.ds(base, LASTN)],
                        didx_all.at[pl.ds(0, LASTN)])

    @plsc.parallel_loop(0, CH, unroll=8)
    def _zrow(k):
        tb0[k, 0:16] = jnp.zeros((16,), jnp.float32)
        tb0[k, 16:32] = jnp.zeros((16,), jnp.float32)
    row0 = s * (N_ACC // 16)
    for z in range(ZCOPY):
        pltpu.sync_copy(tb0, acc_sh.at[pl.ds(row0 + z * CH, CH)])
    plsc.subcore_barrier()

    tb = (tb0, tb1, tb2, tb3)
    eb = (eb0, eb1, eb2, eb3)
    st = (st0, st1, st2, st3)
    se = (se0, se1, se2, se3)

    def issue(j, b):
        @pl.when(j < nreal)
        def _():
            pltpu.async_copy(t_hbm.at[sidx_all.at[j]], tb[b], st[b])
            pltpu.async_copy(e_hbm.at[pl.ds((base + j) * (CH // 4), CH // 4)],
                             eb[b], se[b])

    def process(j, b):
        @pl.when(j < nreal)
        def _():
            pltpu.make_async_copy(t_hbm.at[sidx_all.at[j]], tb[b],
                                  st[b]).wait()
            pltpu.make_async_copy(
                e_hbm.at[pl.ds((base + j) * (CH // 4), CH // 4)],
                eb[b], se[b]).wait()

            @plsc.parallel_loop(0, CH // 4, unroll=8)
            def _row(r):
                for q in range(4):
                    k = r * 4 + q
                    col = q * 32
                    a = tb[b][k, 0:16] + eb[b][r, col:col + 16]
                    mbuf[k, 0:16] = jnp.maximum(a, 0.0)
                    d = tb[b][k, 16:32] + eb[b][r, col + 16:col + 32]
                    mbuf[k, 16:32] = jnp.maximum(d, 0.0)

            pltpu.sync_copy(mbuf, acc_sh.at[didx_all.at[j]], add=True)

    issue(0, 0)
    issue(1, 1)

    def group(g, _):
        j0 = g * 4
        for b in range(4):
            process(j0 + b, b)
            issue(j0 + b + 2, (b + 2) % 4)
        return 0

    lax.fori_loop(0, NCHUNK // 4, group, 0)
    plsc.subcore_barrier()
    pltpu.sync_copy(acc_sh.at[pl.ds(row0, N_ACC // 16)],
                    out_hbm.at[c, pl.ds(row0, N_ACC // 16)])


def _sc_scatter(t, e, ei3):
    mesh = plsc.VectorSubcoreMesh(core_axis_name="c", subcore_axis_name="s")
    fn = functools.partial(
        pl.kernel,
        mesh=mesh,
        out_type=jax.ShapeDtypeStruct((2, N_ACC, D_MSG), jnp.float32),
        scratch_types=(
            [pltpu.VMEM((NCHUNK, CH), jnp.int32)] * 2
            + [pltpu.VMEM((CH, D_MSG), jnp.float32)] * 4
            + [pltpu.VMEM((CH // 4, 128), jnp.float32)] * 4
            + [pltpu.VMEM((CH, D_MSG), jnp.float32)]
            + [pltpu.VMEM_SHARED((N_ACC, D_MSG), jnp.float32)]
            + [pltpu.SemaphoreType.DMA] * 8
        ),
        compiler_params=pltpu.CompilerParams(use_tc_tiling_on_sc=False),
    )(_sc_body)
    return fn(t, e, ei3)


def _tail_body(parts_ref, batch_ref, w1_ref, b1_ref, w2_ref, b2_ref,
               w3_ref, b3_ref, o_ref, accum_ref):
    i = pl.program_id(0)
    acc = parts_ref[0] + parts_ref[1]
    x1 = jnp.maximum(
        jnp.dot(acc, w1_ref[...]) + b1_ref[...], 0.0)
    bids = batch_ref[0, 0, :]
    oh = (bids[:, None]
          == lax.broadcasted_iota(jnp.int32, (bids.shape[0], N_GRAPHS), 1)
          ).astype(jnp.float32)
    part = lax.dot_general(oh, x1, (((0,), (0,)), ((), ())),
                           precision=_HI)

    @pl.when(i == 0)
    def _():
        accum_ref[...] = jnp.zeros_like(accum_ref)

    accum_ref[...] += part

    @pl.when(i == pl.num_programs(0) - 1)
    def _():
        g = jnp.maximum(
            jnp.dot(accum_ref[...], w2_ref[...])
            + b2_ref[...], 0.0)
        o_ref[...] = jnp.dot(g, w3_ref[...]) + b3_ref[...]


def _tail(parts, batch3d, w1p, b1p, w2p, b2p, w3p, b3p):
    blk = 1024
    nb = N_ACC // blk
    return pl.pallas_call(
        _tail_body,
        grid=(nb,),
        in_specs=[
            pl.BlockSpec((2, blk, D_MSG), lambda i: (0, i, 0)),
            pl.BlockSpec((1, 1, blk), lambda i: (i, 0, 0)),
            pl.BlockSpec((D_MSG, D_MSG), lambda i: (0, 0)),
            pl.BlockSpec((1, D_MSG), lambda i: (0, 0)),
            pl.BlockSpec((D_MSG, D_MSG), lambda i: (0, 0)),
            pl.BlockSpec((1, D_MSG), lambda i: (0, 0)),
            pl.BlockSpec((D_MSG, 128), lambda i: (0, 0)),
            pl.BlockSpec((1, 128), lambda i: (0, 0)),
        ],
        out_specs=pl.BlockSpec((N_GRAPHS, 128), lambda i: (0, 0)),
        out_shape=jax.ShapeDtypeStruct((N_GRAPHS, 128), jnp.float32),
        scratch_shapes=[pltpu.VMEM((N_GRAPHS, D_MSG), jnp.float32)],
    )(parts, batch3d, w1p, b1p, w2p, b2p, w3p, b3p)


def kernel(edge_index, node_attr, edge_attr, batch,
           W_mpl, b_mpl, W1, b1, W2, b2, W3, b3):
    ei3 = edge_index.astype(jnp.int32).reshape(2, N_EDGES // CH, CH)
    batch_pad = jnp.concatenate(
        [batch.astype(jnp.int32),
         jnp.full((N_ACC - N_NODES,), N_GRAPHS, jnp.int32)])
    batch3d = batch_pad.reshape(N_ACC // 1024, 1, 1024)

    w_top = jnp.zeros((D_FEAT, D_MSG), jnp.float32).at[:, :30].set(
        W_mpl[:D_FEAT])
    w_bot = jnp.zeros((D_EDGE, D_MSG), jnp.float32).at[:, :30].set(
        W_mpl[D_FEAT:])
    b_pad = jnp.zeros((1, D_MSG), jnp.float32).at[0, :30].set(b_mpl)
    w_big = jnp.zeros((128, 256), jnp.float32)
    for i in range(8):
        w_big = w_big.at[i * D_EDGE:(i + 1) * D_EDGE,
                         i * D_MSG:(i + 1) * D_MSG].set(w_bot)
    b_big = jnp.tile(b_pad, (1, 8))
    edge_attr8 = edge_attr.reshape(N_EDGES // 8, 128)
    w1p = jnp.zeros((D_MSG, D_MSG), jnp.float32).at[:30, :20].set(W1)
    b1p = jnp.zeros((1, D_MSG), jnp.float32).at[0, :20].set(b1)
    w2p = jnp.zeros((D_MSG, D_MSG), jnp.float32).at[:20, :10].set(W2)
    b2p = jnp.zeros((1, D_MSG), jnp.float32).at[0, :10].set(b2)
    w3p = jnp.zeros((D_MSG, 128), jnp.float32).at[:10, :1].set(W3)
    b3p = jnp.zeros((1, 128), jnp.float32).at[0, :1].set(b3)

    t = _node_mm(node_attr, w_top)
    e = _edge_mm(edge_attr8, w_big, b_big)
    parts = _sc_scatter(t, e, ei3)
    out = _tail(parts, batch3d, w1p, b1p, w2p, b2p, w3p, b3p)
    return out[:, :1]

# --- scband reference (transcript-rebuilt; emitter-appended) ---
"""Pipeline reference for scband-model12-64630667870281 (READ-ONLY COPY).

The authoritative reference and input builder live on the scoring server;
editing this copy changes nothing except your own understanding.
"""

import jax, jax.numpy as jnp
import numpy as np

N_NODES = 10000
N_EDGES = 320000
D_FEAT = 128
D_EDGE = 16
N_GRAPHS = 64


def setup_inputs(seed: int = 0) -> dict:
    key = jax.random.key(seed)
    ks = [jax.random.fold_in(key, i) for i in range(12)]
    edge_index = jax.random.randint(ks[0], (2, N_EDGES), 0, N_NODES, dtype=jnp.int64) if jax.config.jax_enable_x64 else jax.random.randint(ks[0], (2, N_EDGES), 0, N_NODES).astype(jnp.int32)
    node_attr = jax.random.normal(ks[1], (N_NODES, D_FEAT), dtype=jnp.float32)
    edge_attr = jax.random.normal(ks[2], (N_EDGES, D_EDGE), dtype=jnp.float32)
    batch = jnp.sort(jax.random.randint(ks[3], (N_NODES,), 0, N_GRAPHS))
    # parameters: MPL_1 (message-passing linear over [x_src, edge_attr]) -> 30
    W_mpl = jax.random.normal(ks[4], (D_FEAT + D_EDGE, 30), dtype=jnp.float32) * 0.05
    b_mpl = jnp.zeros((30,), dtype=jnp.float32)
    W1 = jax.random.normal(ks[5], (30, 20), dtype=jnp.float32) * 0.1
    b1 = jnp.zeros((20,), dtype=jnp.float32)
    W2 = jax.random.normal(ks[6], (20, 10), dtype=jnp.float32) * 0.1
    b2 = jnp.zeros((10,), dtype=jnp.float32)
    W3 = jax.random.normal(ks[7], (10, 1), dtype=jnp.float32) * 0.1
    b3 = jnp.zeros((1,), dtype=jnp.float32)
    return {"edge_index": edge_index, "node_attr": node_attr, "edge_attr": edge_attr, "batch": batch,
            "W_mpl": W_mpl, "b_mpl": b_mpl, "W1": W1, "b1": b1, "W2": W2, "b2": b2, "W3": W3, "b3": b3}


def reference(edge_index, node_attr, edge_attr, batch, W_mpl, b_mpl, W1, b1, W2, b2, W3, b3):
    src = edge_index[0]
    dst = edge_index[1]
    # MPL_1: per-edge message from gathered source node features + edge features,
    # linear transform + relu, scatter-sum aggregated to destination nodes.
    msg = jnp.concatenate([jnp.take(node_attr, src, axis=0), edge_attr], axis=1)
    msg = jax.nn.relu(msg @ W_mpl + b_mpl)
    x = jax.ops.segment_sum(msg, dst, num_segments=node_attr.shape[0])
    # lin1 + act1
    x = jax.nn.relu(x @ W1 + b1)
    # segment_coo(x, batch, reduce='sum') -> graph-level pooling
    x = jax.ops.segment_sum(x, batch, num_segments=N_GRAPHS)
    # lin2 + act2
    x = jax.nn.relu(x @ W2 + b2)
    # lin3
    x = x @ W3 + b3
    return x

if __name__ == "__main__":
    import jax
    _d = setup_inputs()
    print(jax.jit(kernel)(*tuple(_d.values())))

</pallas_src>

<mosaic_0001>
#map = affine_map<(d0, d1) -> (0, 0)>
#map1 = affine_map<(d0, d1) -> (0, 0, 0)>
module attributes {stable_mosaic.version = 14 : i64} {
  func.func @_sc_body(%arg0: i32, %arg1: i32, %arg2: memref<10000x32xf32, #tpu.memory_space<hbm>>, %arg3: memref<80000x128xf32, #tpu.memory_space<hbm>>, %arg4: memref<2x2500x128xi32, #tpu.memory_space<hbm>>, %arg5: memref<2x10240x32xf32, #tpu.memory_space<hbm>>, %arg6: memref<80x128xi32, #tpu.memory_space<vmem>>, %arg7: memref<80x128xi32, #tpu.memory_space<vmem>>, %arg8: memref<128x32xf32, #tpu.memory_space<vmem>>, %arg9: memref<128x32xf32, #tpu.memory_space<vmem>>, %arg10: memref<128x32xf32, #tpu.memory_space<vmem>>, %arg11: memref<128x32xf32, #tpu.memory_space<vmem>>, %arg12: memref<32x128xf32, #tpu.memory_space<vmem>>, %arg13: memref<32x128xf32, #tpu.memory_space<vmem>>, %arg14: memref<32x128xf32, #tpu.memory_space<vmem>>, %arg15: memref<32x128xf32, #tpu.memory_space<vmem>>, %arg16: memref<128x32xf32, #tpu.memory_space<vmem>>, %arg17: memref<10240x32xf32, #tpu.memory_space<vmem_shared>>, %arg18: memref<!tpu.dma_semaphore, #tpu.memory_space<semaphore_mem>>, %arg19: memref<!tpu.dma_semaphore, #tpu.memory_space<semaphore_mem>>, %arg20: memref<!tpu.dma_semaphore, #tpu.memory_space<semaphore_mem>>, %arg21: memref<!tpu.dma_semaphore, #tpu.memory_space<semaphore_mem>>, %arg22: memref<!tpu.dma_semaphore, #tpu.memory_space<semaphore_mem>>, %arg23: memref<!tpu.dma_semaphore, #tpu.memory_space<semaphore_mem>>, %arg24: memref<!tpu.dma_semaphore, #tpu.memory_space<semaphore_mem>>, %arg25: memref<!tpu.dma_semaphore, #tpu.memory_space<semaphore_mem>>) attributes {dimension_semantics = [#tpu.dimension_semantics<core_parallel>, #tpu.dimension_semantics<subcore_parallel>], iteration_bounds = array<i64: 2, 16>, scalar_prefetch = 0 : i64, scratch_operands = 20 : i64, tpu.core_type = #tpu.core_type<sc_vector_subcore>, window_params = [{transform_indices = #map}, {transform_indices = #map}, {transform_indices = #map1}, {transform_indices = #map1}]} {
    %mul3A = arith.constant 16 : i32
    %mul3A_0 = arith.muli %arg0, %mul3A : i32
    %add3A = arith.addi %mul3A_0, %arg1 : i32
    %mul3A_1 = arith.constant 80 : i32
    %mul3A_2 = arith.muli %add3A, %mul3A_1 : i32
    %sub3A = arith.constant 2500 : i32
    %sub3A_3 = arith.subi %sub3A, %mul3A_2 : i32
    %min3A = arith.constant 80 : i32
    %min3A_4 = arith.minsi %min3A, %sub3A_3 : i32
    %lt3A = arith.constant 31 : i32
    %lt3A_5 = arith.cmpi slt, %add3A, %lt3A : i32
    %convert_element_type3A = arith.extui %lt3A_5 : i1 to i32
    %cond3A = arith.constant 0 : i32
    %cond3A_6 = arith.cmpi ne, %convert_element_type3A, %cond3A : i32
    scf.if %cond3A_6 {
      %run_scoped3A = arith.constant 0 : i32
      "tpu.region"() ({
        %run_scoped3A_42 = tpu.sem_alloc : memref<!tpu.dma_semaphore, #tpu.memory_space<semaphore_mem>>
        %dma_start3A = arith.constant 0 : i32
        %dma_start3A_43 = tpu.memref_slice %arg4[%run_scoped3A, %mul3A_2, %dma_start3A] : memref<2x2500x128xi32, #tpu.memory_space<hbm>> -> memref<1x80x128xi32, #tpu.memory_space<hbm>>
        %dma_start3A_44 = tpu.memref_squeeze %dma_start3A_43 : memref<1x80x128xi32, #tpu.memory_space<hbm>> -> memref<80x128xi32, #tpu.memory_space<hbm>>
        %dma_start3A_45 = arith.constant 0 : i32
        %dma_start3A_46 = tpu.memref_slice %arg4[%run_scoped3A, %mul3A_2, %dma_start3A_45] : memref<2x2500x128xi32, #tpu.memory_space<hbm>> -> memref<1x80x128xi32, #tpu.memory_space<hbm>>
        %dma_start3A_47 = tpu.memref_squeeze %dma_start3A_46 : memref<1x80x128xi32, #tpu.memory_space<hbm>> -> memref<80x128xi32, #tpu.memory_space<hbm>>
        tpu.enqueue_dma source(%dma_start3A_47 : memref<80x128xi32, #tpu.memory_space<hbm>>) target(%arg6 : memref<80x128xi32, #tpu.memory_space<vmem>>) target_semaphore(%run_scoped3A_42 : memref<!tpu.dma_semaphore, #tpu.memory_space<semaphore_mem>>)
        %dma_wait3A = arith.constant 0 : i32
        %dma_wait3A_48 = tpu.memref_slice %arg4[%run_scoped3A, %mul3A_2, %dma_wait3A] : memref<2x2500x128xi32, #tpu.memory_space<hbm>> -> memref<1x80x128xi32, #tpu.memory_space<hbm>>
        %dma_wait3A_49 = tpu.memref_squeeze %dma_wait3A_48 : memref<1x80x128xi32, #tpu.memory_space<hbm>> -> memref<80x128xi32, #tpu.memory_space<hbm>>
        %dma_wait3A_50 = arith.constant 0 : i32
        %dma_wait3A_51 = tpu.memref_slice %arg4[%run_scoped3A, %mul3A_2, %dma_wait3A_50] : memref<2x2500x128xi32, #tpu.memory_space<hbm>> -> memref<1x80x128xi32, #tpu.memory_space<hbm>>
        %dma_wait3A_52 = tpu.memref_squeeze %dma_wait3A_51 : memref<1x80x128xi32, #tpu.memory_space<hbm>> -> memref<80x128xi32, #tpu.memory_space<hbm>>
        tpu.wait_dma2 semaphore(%run_scoped3A_42 : memref<!tpu.dma_semaphore, #tpu.memory_space<semaphore_mem>>) src(%dma_wait3A_52 : memref<80x128xi32, #tpu.memory_space<hbm>>) dst(%arg6 : memref<80x128xi32, #tpu.memory_space<vmem>>)
        tpu.yield
      }) : () -> ()
      %run_scoped3A_41 = arith.constant 1 : i32
      "tpu.region"() ({
        %run_scoped3A_42 = tpu.sem_alloc : memref<!tpu.dma_semaphore, #tpu.memory_space<semaphore_mem>>
        %dma_start3A = arith.constant 0 : i32
        %dma_start3A_43 = tpu.memref_slice %arg4[%run_scoped3A_41, %mul3A_2, %dma_start3A] : memref<2x2500x128xi32, #tpu.memory_space<hbm>> -> memref<1x80x128xi32, #tpu.memory_space<hbm>>
        %dma_start3A_44 = tpu.memref_squeeze %dma_start3A_43 : memref<1x80x128xi32, #tpu.memory_space<hbm>> -> memref<80x128xi32, #tpu.memory_space<hbm>>
        %dma_start3A_45 = arith.constant 0 : i32
        %dma_start3A_46 = tpu.memref_slice %arg4[%run_scoped3A_41, %mul3A_2, %dma_start3A_45] : memref<2x2500x128xi32, #tpu.memory_space<hbm>> -> memref<1x80x128xi32, #tpu.memory_space<hbm>>
        %dma_start3A_47 = tpu.memref_squeeze %dma_start3A_46 : memref<1x80x128xi32, #tpu.memory_space<hbm>> -> memref<80x128xi32, #tpu.memory_space<hbm>>
        tpu.enqueue_dma source(%dma_start3A_47 : memref<80x128xi32, #tpu.memory_space<hbm>>) target(%arg7 : memref<80x128xi32, #tpu.memory_space<vmem>>) target_semaphore(%run_scoped3A_42 : memref<!tpu.dma_semaphore, #tpu.memory_space<semaphore_mem>>)
        %dma_wait3A = arith.constant 0 : i32
        %dma_wait3A_48 = tpu.memref_slice %arg4[%run_scoped3A_41, %mul3A_2, %dma_wait3A] : memref<2x2500x128xi32, #tpu.memory_space<hbm>> -> memref<1x80x128xi32, #tpu.memory_space<hbm>>
        %dma_wait3A_49 = tpu.memref_squeeze %dma_wait3A_48 : memref<1x80x128xi32, #tpu.memory_space<hbm>> -> memref<80x128xi32, #tpu.memory_space<hbm>>
        %dma_wait3A_50 = arith.constant 0 : i32
        %dma_wait3A_51 = tpu.memref_slice %arg4[%run_scoped3A_41, %mul3A_2, %dma_wait3A_50] : memref<2x2500x128xi32, #tpu.memory_space<hbm>> -> memref<1x80x128xi32, #tpu.memory_space<hbm>>
        %dma_wait3A_52 = tpu.memref_squeeze %dma_wait3A_51 : memref<1x80x128xi32, #tpu.memory_space<hbm>> -> memref<80x128xi32, #tpu.memory_space<hbm>>
        tpu.wait_dma2 semaphore(%run_scoped3A_42 : memref<!tpu.dma_semaphore, #tpu.memory_space<semaphore_mem>>) src(%dma_wait3A_52 : memref<80x128xi32, #tpu.memory_space<hbm>>) dst(%arg7 : memref<80x128xi32, #tpu.memory_space<vmem>>)
        tpu.yield
      }) : () -> ()
    } else {
    }
    %eq3A = arith.constant 31 : i32
    %eq3A_7 = arith.cmpi eq, %add3A, %eq3A : i32
    %convert_element_type3A_8 = arith.extui %eq3A_7 : i1 to i32
    %cond3A_9 = arith.constant 0 : i32
    %cond3A_10 = arith.cmpi ne, %convert_element_type3A_8, %cond3A_9 : i32
    scf.if %cond3A_10 {
      %run_scoped3A = arith.constant 0 : i32
      "tpu.region"() ({
        %run_scoped3A_42 = tpu.sem_alloc : memref<!tpu.dma_semaphore, #tpu.memory_space<semaphore_mem>>
        %dma_start3A = arith.constant 0 : i32
        %dma_start3A_43 = arith.constant 0 : i32
        %dma_start3A_44 = tpu.memref_slice %arg6[%dma_start3A, %dma_start3A_43] : memref<80x128xi32, #tpu.memory_space<vmem>> -> memref<20x128xi32, #tpu.memory_space<vmem>>
        %dma_start3A_45 = arith.constant 0 : i32
        %dma_start3A_46 = tpu.memref_slice %arg4[%run_scoped3A, %mul3A_2, %dma_start3A_45] : memref<2x2500x128xi32, #tpu.memory_space<hbm>> -> memref<1x20x128xi32, #tpu.memory_space<hbm>>
        %dma_start3A_47 = tpu.memref_squeeze %dma_start3A_46 : memref<1x20x128xi32, #tpu.memory_space<hbm>> -> memref<20x128xi32, #tpu.memory_space<hbm>>
        %dma_start3A_48 = arith.constant 0 : i32
        %dma_start3A_49 = arith.constant 0 : i32
        %dma_start3A_50 = tpu.memref_slice %arg6[%dma_start3A_48, %dma_start3A_49] : memref<80x128xi32, #tpu.memory_space<vmem>> -> memref<20x128xi32, #tpu.memory_space<vmem>>
        %dma_start3A_51 = arith.constant 0 : i32
        %dma_start3A_52 = tpu.memref_slice %arg4[%run_scoped3A, %mul3A_2, %dma_start3A_51] : memref<2x2500x128xi32, #tpu.memory_space<hbm>> -> memref<1x20x128xi32, #tpu.memory_space<hbm>>
        %dma_start3A_53 = tpu.memref_squeeze %dma_start3A_52 : memref<1x20x128xi32, #tpu.memory_space<hbm>> -> memref<20x128xi32, #tpu.memory_space<hbm>>
        tpu.enqueue_dma source(%dma_start3A_53 : memref<20x128xi32, #tpu.memory_space<hbm>>) target(%dma_start3A_50 : memref<20x128xi32, #tpu.memory_space<vmem>>) target_semaphore(%run_scoped3A_42 : memref<!tpu.dma_semaphore, #tpu.memory_space<semaphore_mem>>)
        %dma_wait3A = arith.constant 0 : i32
        %dma_wait3A_54 = arith.constant 0 : i32
        %dma_wait3A_55 = tpu.memref_slice %arg6[%dma_wait3A, %dma_wait3A_54] : memref<80x128xi32, #tpu.memory_space<vmem>> -> memref<20x128xi32, #tpu.memory_space<vmem>>
        %dma_wait3A_56 = arith.constant 0 : i32
        %dma_wait3A_57 = tpu.memref_slice %arg4[%run_scoped3A, %mul3A_2, %dma_wait3A_56] : memref<2x2500x128xi32, #tpu.memory_space<hbm>> -> memref<1x20x128xi32, #tpu.memory_space<hbm>>
        %dma_wait3A_58 = tpu.memref_squeeze %dma_wait3A_57 : memref<1x20x128xi32, #tpu.memory_space<hbm>> -> memref<20x128xi32, #tpu.memory_space<hbm>>
        %dma_wait3A_59 = arith.constant 0 : i32
        %dma_wait3A_60 = arith.constant 0 : i32
        %dma_wait3A_61 = tpu.memref_slice %arg6[%dma_wait3A_59, %dma_wait3A_60] : memref<80x128xi32, #tpu.memory_space<vmem>> -> memref<20x128xi32, #tpu.memory_space<vmem>>
        %dma_wait3A_62 = arith.constant 0 : i32
        %dma_wait3A_63 = tpu.memref_slice %arg4[%run_scoped3A, %mul3A_2, %dma_wait3A_62] : memref<2x2500x128xi32, #tpu.memory_space<hbm>> -> memref<1x20x128xi32, #tpu.memory_space<hbm>>
        %dma_wait3A_64 = tpu.memref_squeeze %dma_wait3A_63 : memref<1x20x128xi32, #tpu.memory_space<hbm>> -> memref<20x128xi32, #tpu.memory_space<hbm>>
        tpu.wait_dma2 semaphore(%run_scoped3A_42 : memref<!tpu.dma_semaphore, #tpu.memory_space<semaphore_mem>>) src(%dma_wait3A_64 : memref<20x128xi32, #tpu.memory_space<hbm>>) dst(%dma_wait3A_61 : memref<20x128xi32, #tpu.memory_space<vmem>>)
        tpu.yield
      }) : () -> ()
      %run_scoped3A_41 = arith.constant 1 : i32
      "tpu.region"() ({
        %run_scoped3A_42 = tpu.sem_alloc : memref<!tpu.dma_semaphore, #tpu.memory_space<semaphore_mem>>
        %dma_start3A = arith.constant 0 : i32
        %dma_start3A_43 = arith.constant 0 : i32
        %dma_start3A_44 = tpu.memref_slice %arg7[%dma_start3A, %dma_start3A_43] : memref<80x128xi32, #tpu.memory_space<vmem>> -> memref<20x128xi32, #tpu.memory_space<vmem>>
        %dma_start3A_45 = arith.constant 0 : i32
        %dma_start3A_46 = tpu.memref_slice %arg4[%run_scoped3A_41, %mul3A_2, %dma_start3A_45] : memref<2x2500x128xi32, #tpu.memory_space<hbm>> -> memref<1x20x128xi32, #tpu.memory_space<hbm>>
        %dma_start3A_47 = tpu.memref_squeeze %dma_start3A_46 : memref<1x20x128xi32, #tpu.memory_space<hbm>> -> memref<20x128xi32, #tpu.memory_space<hbm>>
        %dma_start3A_48 = arith.constant 0 : i32
        %dma_start3A_49 = arith.constant 0 : i32
        %dma_start3A_50 = tpu.memref_slice %arg7[%dma_start3A_48, %dma_start3A_49] : memref<80x128xi32, #tpu.memory_space<vmem>> -> memref<20x128xi32, #tpu.memory_space<vmem>>
        %dma_start3A_51 = arith.constant 0 : i32
        %dma_start3A_52 = tpu.memref_slice %arg4[%run_scoped3A_41, %mul3A_2, %dma_start3A_51] : memref<2x2500x128xi32, #tpu.memory_space<hbm>> -> memref<1x20x128xi32, #tpu.memory_space<hbm>>
        %dma_start3A_53 = tpu.memref_squeeze %dma_start3A_52 : memref<1x20x128xi32, #tpu.memory_space<hbm>> -> memref<20x128xi32, #tpu.memory_space<hbm>>
        tpu.enqueue_dma source(%dma_start3A_53 : memref<20x128xi32, #tpu.memory_space<hbm>>) target(%dma_start3A_50 : memref<20x128xi32, #tpu.memory_space<vmem>>) target_semaphore(%run_scoped3A_42 : memref<!tpu.dma_semaphore, #tpu.memory_space<semaphore_mem>>)
        %dma_wait3A = arith.constant 0 : i32
        %dma_wait3A_54 = arith.constant 0 : i32
        %dma_wait3A_55 = tpu.memref_slice %arg7[%dma_wait3A, %dma_wait3A_54] : memref<80x128xi32, #tpu.memory_space<vmem>> -> memref<20x128xi32, #tpu.memory_space<vmem>>
        %dma_wait3A_56 = arith.constant 0 : i32
        %dma_wait3A_57 = tpu.memref_slice %arg4[%run_scoped3A_41, %mul3A_2, %dma_wait3A_56] : memref<2x2500x128xi32, #tpu.memory_space<hbm>> -> memref<1x20x128xi32, #tpu.memory_space<hbm>>
        %dma_wait3A_58 = tpu.memref_squeeze %dma_wait3A_57 : memref<1x20x128xi32, #tpu.memory_space<hbm>> -> memref<20x128xi32, #tpu.memory_space<hbm>>
        %dma_wait3A_59 = arith.constant 0 : i32
        %dma_wait3A_60 = arith.constant 0 : i32
        %dma_wait3A_61 = tpu.memref_slice %arg7[%dma_wait3A_59, %dma_wait3A_60] : memref<80x128xi32, #tpu.memory_space<vmem>> -> memref<20x128xi32, #tpu.memory_space<vmem>>
        %dma_wait3A_62 = arith.constant 0 : i32
        %dma_wait3A_63 = tpu.memref_slice %arg4[%run_scoped3A_41, %mul3A_2, %dma_wait3A_62] : memref<2x2500x128xi32, #tpu.memory_space<hbm>> -> memref<1x20x128xi32, #tpu.memory_space<hbm>>
        %dma_wait3A_64 = tpu.memref_squeeze %dma_wait3A_63 : memref<1x20x128xi32, #tpu.memory_space<hbm>> -> memref<20x128xi32, #tpu.memory_space<hbm>>
        tpu.wait_dma2 semaphore(%run_scoped3A_42 : memref<!tpu.dma_semaphore, #tpu.memory_space<semaphore_mem>>) src(%dma_wait3A_64 : memref<20x128xi32, #tpu.memory_space<hbm>>) dst(%dma_wait3A_61 : memref<20x128xi32, #tpu.memory_space<vmem>>)
        tpu.yield
      }) : () -> ()
    } else {
    }
    %parallel_loop3A = arith.constant 0 : i32
    %parallel_loop3A_11 = arith.constant 128 : i32
    %parallel_loop3A_12 = arith.constant 1 : i32
    scf.for %parallel_loop3A_41 = %parallel_loop3A to %parallel_loop3A_11 step %parallel_loop3A_12  : i32 {
      %parallel_loop3A_42 = arith.constant 0.000000e+00 : f32
      %parallel_loop3A_43 = vector.broadcast %parallel_loop3A_42 : f32 to vector<16xf32>
      %parallel_loop3A_44 = arith.index_cast %parallel_loop3A_41 : i32 to index
      %parallel_loop3A_45 = arith.constant 0 : index
      %parallel_loop3A_46 = tpu.vector_load %arg8[%parallel_loop3A_44, %parallel_loop3A_45] {strides = array<i32>} : memref<128x32xf32, #tpu.memory_space<vmem>>, vector<1x16xf32>,
      %parallel_loop3A_47 = vector.shape_cast %parallel_loop3A_46 : vector<1x16xf32> to vector<16xf32>
      %parallel_loop3A_48 = vector.shape_cast %parallel_loop3A_43 : vector<16xf32> to vector<1x16xf32>
      tpu.vector_store %arg8[%parallel_loop3A_44, %parallel_loop3A_45], %parallel_loop3A_48 {strides = array<i32>} : memref<128x32xf32, #tpu.memory_space<vmem>>, vector<1x16xf32>,
      %parallel_loop3A_49 = arith.constant 0.000000e+00 : f32
      %parallel_loop3A_50 = vector.broadcast %parallel_loop3A_49 : f32 to vector<16xf32>
      %parallel_loop3A_51 = arith.index_cast %parallel_loop3A_41 : i32 to index
      %parallel_loop3A_52 = arith.constant 16 : index
      %parallel_loop3A_53 = tpu.vector_load %arg8[%parallel_loop3A_51, %parallel_loop3A_52] {strides = array<i32>} : memref<128x32xf32, #tpu.memory_space<vmem>>, vector<1x16xf32>,
      %parallel_loop3A_54 = vector.shape_cast %parallel_loop3A_53 : vector<1x16xf32> to vector<16xf32>
      %parallel_loop3A_55 = vector.shape_cast %parallel_loop3A_50 : vector<16xf32> to vector<1x16xf32>
      tpu.vector_store %arg8[%parallel_loop3A_51, %parallel_loop3A_52], %parallel_loop3A_55 {strides = array<i32>} : memref<128x32xf32, #tpu.memory_space<vmem>>, vector<1x16xf32>,
    } {sc.loop_unroll_factor = 8 : i64, sc.parallel_access}
    %mul3A_13 = arith.constant 640 : i32
    %mul3A_14 = arith.muli %arg1, %mul3A_13 : i32
    %add3A_15 = arith.constant 0 : i32
    %add3A_16 = arith.addi %mul3A_14, %add3A_15 : i32
    "tpu.region"() ({
      %run_scoped3A = tpu.sem_alloc : memref<!tpu.dma_semaphore, #tpu.memory_space<semaphore_mem>>
      %dma_start3A = arith.constant 0 : i32
      %dma_start3A_41 = tpu.memref_slice %arg17[%add3A_16, %dma_start3A] : memref<10240x32xf32, #tpu.memory_space<vmem_shared>> -> memref<128x32xf32, #tpu.memory_space<vmem_shared>>
      %dma_start3A_42 = arith.constant 0 : i32
      %dma_start3A_43 = tpu.memref_slice %arg17[%add3A_16, %dma_start3A_42] : memref<10240x32xf32, #tpu.memory_space<vmem_shared>> -> memref<128x32xf32, #tpu.memory_space<vmem_shared>>
      tpu.enqueue_dma source(%arg8 : memref<128x32xf32, #tpu.memory_space<vmem>>) target(%dma_start3A_43 : memref<128x32xf32, #tpu.memory_space<vmem_shared>>) target_semaphore(%run_scoped3A : memref<!tpu.dma_semaphore, #tpu.memory_space<semaphore_mem>>)
      %dma_wait3A = arith.constant 0 : i32
      %dma_wait3A_44 = tpu.memref_slice %arg17[%add3A_16, %dma_wait3A] : memref<10240x32xf32, #tpu.memory_space<vmem_shared>> -> memref<128x32xf32, #tpu.memory_space<vmem_shared>>
      %dma_wait3A_45 = arith.constant 0 : i32
      %dma_wait3A_46 = tpu.memref_slice %arg17[%add3A_16, %dma_wait3A_45] : memref<10240x32xf32, #tpu.memory_space<vmem_shared>> -> memref<128x32xf32, #tpu.memory_space<vmem_shared>>
      tpu.wait_dma2 semaphore(%run_scoped3A : memref<!tpu.dma_semaphore, #tpu.memory_space<semaphore_mem>>) src(%arg8 : memref<128x32xf32, #tpu.memory_space<vmem>>) dst(%dma_wait3A_46 : memref<128x32xf32, #tpu.memory_space<vmem_shared>>)
      tpu.yield
    }) : () -> ()
    %add3A_17 = arith.constant 128 : i32
    %add3A_18 = arith.addi %mul3A_14, %add3A_17 : i32
    "tpu.region"() ({
      %run_scoped3A = tpu.sem_alloc : memref<!tpu.dma_semaphore, #tpu.memory_space<semaphore_mem>>
      %dma_start3A = arith.constant 0 : i32
      %dma_start3A_41 = tpu.memref_slice %arg17[%add3A_18, %dma_start3A] : memref<10240x32xf32, #tpu.memory_space<vmem_shared>> -> memref<128x32xf32, #tpu.memory_space<vmem_shared>>
      %dma_start3A_42 = arith.constant 0 : i32
      %dma_start3A_43 = tpu.memref_slice %arg17[%add3A_18, %dma_start3A_42] : memref<10240x32xf32, #tpu.memory_space<vmem_shared>> -> memref<128x32xf32, #tpu.memory_space<vmem_shared>>
      tpu.enqueue_dma source(%arg8 : memref<128x32xf32, #tpu.memory_space<vmem>>) target(%dma_start3A_43 : memref<128x32xf32, #tpu.memory_space<vmem_shared>>) target_semaphore(%run_scoped3A : memref<!tpu.dma_semaphore, #tpu.memory_space<semaphore_mem>>)
      %dma_wait3A = arith.constant 0 : i32
      %dma_wait3A_44 = tpu.memref_slice %arg17[%add3A_18, %dma_wait3A] : memref<10240x32xf32, #tpu.memory_space<vmem_shared>> -> memref<128x32xf32, #tpu.memory_space<vmem_shared>>
      %dma_wait3A_45 = arith.constant 0 : i32
      %dma_wait3A_46 = tpu.memref_slice %arg17[%add3A_18, %dma_wait3A_45] : memref<10240x32xf32, #tpu.memory_space<vmem_shared>> -> memref<128x32xf32, #tpu.memory_space<vmem_shared>>
      tpu.wait_dma2 semaphore(%run_scoped3A : memref<!tpu.dma_semaphore, #tpu.memory_space<semaphore_mem>>) src(%arg8 : memref<128x32xf32, #tpu.memory_space<vmem>>) dst(%dma_wait3A_46 : memref<128x32xf32, #tpu.memory_space<vmem_shared>>)
      tpu.yield
    }) : () -> ()
    %add3A_19 = arith.constant 256 : i32
    %add3A_20 = arith.addi %mul3A_14, %add3A_19 : i32
    "tpu.region"() ({
      %run_scoped3A = tpu.sem_alloc : memref<!tpu.dma_semaphore, #tpu.memory_space<semaphore_mem>>
      %dma_start3A = arith.constant 0 : i32
      %dma_start3A_41 = tpu.memref_slice %arg17[%add3A_20, %dma_start3A] : memref<10240x32xf32, #tpu.memory_space<vmem_shared>> -> memref<128x32xf32, #tpu.memory_space<vmem_shared>>
      %dma_start3A_42 = arith.constant 0 : i32
      %dma_start3A_43 = tpu.memref_slice %arg17[%add3A_20, %dma_start3A_42] : memref<10240x32xf32, #tpu.memory_space<vmem_shared>> -> memref<128x32xf32, #tpu.memory_space<vmem_shared>>
      tpu.enqueue_dma source(%arg8 : memref<128x32xf32, #tpu.memory_space<vmem>>) target(%dma_start3A_43 : memref<128x32xf32, #tpu.memory_space<vmem_shared>>) target_semaphore(%run_scoped3A : memref<!tpu.dma_semaphore, #tpu.memory_space<semaphore_mem>>)
      %dma_wait3A = arith.constant 0 : i32
      %dma_wait3A_44 = tpu.memref_slice %arg17[%add3A_20, %dma_wait3A] : memref<10240x32xf32, #tpu.memory_space<vmem_shared>> -> memref<128x32xf32, #tpu.memory_space<vmem_shared>>
      %dma_wait3A_45 = arith.constant 0 : i32
      %dma_wait3A_46 = tpu.memref_slice %arg17[%add3A_20, %dma_wait3A_45] : memref<10240x32xf32, #tpu.memory_space<vmem_shared>> -> memref<128x32xf32, #tpu.memory_space<vmem_shared>>
      tpu.wait_dma2 semaphore(%run_scoped3A : memref<!tpu.dma_semaphore, #tpu.memory_space<semaphore_mem>>) src(%arg8 : memref<128x32xf32, #tpu.memory_space<vmem>>) dst(%dma_wait3A_46 : memref<128x32xf32, #tpu.memory_space<vmem_shared>>)
      tpu.yield
    }) : () -> ()
    %add3A_21 = arith.constant 384 : i32
    %add3A_22 = arith.addi %mul3A_14, %add3A_21 : i32
    "tpu.region"() ({
      %run_scoped3A = tpu.sem_alloc : memref<!tpu.dma_semaphore, #tpu.memory_space<semaphore_mem>>
      %dma_start3A = arith.constant 0 : i32
      %dma_start3A_41 = tpu.memref_slice %arg17[%add3A_22, %dma_start3A] : memref<10240x32xf32, #tpu.memory_space<vmem_shared>> -> memref<128x32xf32, #tpu.memory_space<vmem_shared>>
      %dma_start3A_42 = arith.constant 0 : i32
      %dma_start3A_43 = tpu.memref_slice %arg17[%add3A_22, %dma_start3A_42] : memref<10240x32xf32, #tpu.memory_space<vmem_shared>> -> memref<128x32xf32, #tpu.memory_space<vmem_shared>>
      tpu.enqueue_dma source(%arg8 : memref<128x32xf32, #tpu.memory_space<vmem>>) target(%dma_start3A_43 : memref<128x32xf32, #tpu.memory_space<vmem_shared>>) target_semaphore(%run_scoped3A : memref<!tpu.dma_semaphore, #tpu.memory_space<semaphore_mem>>)
      %dma_wait3A = arith.constant 0 : i32
      %dma_wait3A_44 = tpu.memref_slice %arg17[%add3A_22, %dma_wait3A] : memref<10240x32xf32, #tpu.memory_space<vmem_shared>> -> memref<128x32xf32, #tpu.memory_space<vmem_shared>>
      %dma_wait3A_45 = arith.constant 0 : i32
      %dma_wait3A_46 = tpu.memref_slice %arg17[%add3A_22, %dma_wait3A_45] : memref<10240x32xf32, #tpu.memory_space<vmem_shared>> -> memref<128x32xf32, #tpu.memory_space<vmem_shared>>
      tpu.wait_dma2 semaphore(%run_scoped3A : memref<!tpu.dma_semaphore, #tpu.memory_space<semaphore_mem>>) src(%arg8 : memref<128x32xf32, #tpu.memory_space<vmem>>) dst(%dma_wait3A_46 : memref<128x32xf32, #tpu.memory_space<vmem_shared>>)
      tpu.yield
    }) : () -> ()
    %add3A_23 = arith.constant 512 : i32
    %add3A_24 = arith.addi %mul3A_14, %add3A_23 : i32
    "tpu.region"() ({
      %run_scoped3A = tpu.sem_alloc : memref<!tpu.dma_semaphore, #tpu.memory_space<semaphore_mem>>
      %dma_start3A = arith.constant 0 : i32
      %dma_start3A_41 = tpu.memref_slice %arg17[%add3A_24, %dma_start3A] : memref<10240x32xf32, #tpu.memory_space<vmem_shared>> -> memref<128x32xf32, #tpu.memory_space<vmem_shared>>
      %dma_start3A_42 = arith.constant 0 : i32
      %dma_start3A_43 = tpu.memref_slice %arg17[%add3A_24, %dma_start3A_42] : memref<10240x32xf32, #tpu.memory_space<vmem_shared>> -> memref<128x32xf32, #tpu.memory_space<vmem_shared>>
      tpu.enqueue_dma source(%arg8 : memref<128x32xf32, #tpu.memory_space<vmem>>) target(%dma_start3A_43 : memref<128x32xf32, #tpu.memory_space<vmem_shared>>) target_semaphore(%run_scoped3A : memref<!tpu.dma_semaphore, #tpu.memory_space<semaphore_mem>>)
      %dma_wait3A = arith.constant 0 : i32
      %dma_wait3A_44 = tpu.memref_slice %arg17[%add3A_24, %dma_wait3A] : memref<10240x32xf32, #tpu.memory_space<vmem_shared>> -> memref<128x32xf32, #tpu.memory_space<vmem_shared>>
      %dma_wait3A_45 = arith.constant 0 : i32
      %dma_wait3A_46 = tpu.memref_slice %arg17[%add3A_24, %dma_wait3A_45] : memref<10240x32xf32, #tpu.memory_space<vmem_shared>> -> memref<128x32xf32, #tpu.memory_space<vmem_shared>>
      tpu.wait_dma2 semaphore(%run_scoped3A : memref<!tpu.dma_semaphore, #tpu.memory_space<semaphore_mem>>) src(%arg8 : memref<128x32xf32, #tpu.memory_space<vmem>>) dst(%dma_wait3A_46 : memref<128x32xf32, #tpu.memory_space<vmem_shared>>)
      tpu.yield
    }) : () -> ()
    %barrier3A = arith.constant 0 : index
    tpu.barrier barrier_id(%barrier3A)
    %gt3A = arith.constant 0 : i32
    %gt3A_25 = arith.cmpi sgt, %min3A_4, %gt3A : i32
    %convert_element_type3A_26 = arith.extui %gt3A_25 : i1 to i32
    %cond3A_27 = arith.constant 0 : i32
    %cond3A_28 = arith.cmpi ne, %convert_element_type3A_26, %cond3A_27 : i32
    scf.if %cond3A_28 {
      %dma_start3A = arith.constant 0 : i32
      %dma_start3A_41 = arith.constant 0 : i32
      %dma_start3A_42 = tpu.memref_slice %arg6[%dma_start3A, %dma_start3A_41] : memref<80x128xi32, #tpu.memory_space<vmem>> -> memref<1x128xi32, #tpu.memory_space<vmem>>
      %dma_start3A_43 = tpu.memref_squeeze %dma_start3A_42 : memref<1x128xi32, #tpu.memory_space<vmem>> -> memref<128xi32, #tpu.memory_space<vmem>>
      %dma_start3A_44 = arith.constant 0 : i32
      %dma_start3A_45 = arith.constant 0 : i32
      %dma_start3A_46 = tpu.memref_slice %arg2[%dma_start3A_44, %dma_start3A_45] : memref<10000x32xf32, #tpu.memory_space<hbm>> -> memref<10000x32xf32, #tpu.memory_space<hbm>>
      tpu.enqueue_indirect_dma source(%dma_start3A_46 : memref<10000x32xf32, #tpu.memory_space<hbm>>) target(%arg8 : memref<128x32xf32, #tpu.memory_space<vmem>>) offsets(%dma_start3A_43 : memref<128xi32, #tpu.memory_space<vmem>>) semaphore(%arg18 : memref<!tpu.dma_semaphore, #tpu.memory_space<semaphore_mem>>)
      %add3A_47 = arith.constant 0 : i32
      %add3A_48 = arith.addi %mul3A_2, %add3A_47 : i32
      %mul3A_49 = arith.constant 32 : i32
      %mul3A_50 = arith.muli %add3A_48, %mul3A_49 : i32
      %dma_start3A_51 = arith.constant 0 : i32
      %dma_start3A_52 = tpu.memref_slice %arg3[%mul3A_50, %dma_start3A_51] : memref<80000x128xf32, #tpu.memory_space<hbm>> -> memref<32x128xf32, #tpu.memory_space<hbm>>
      %dma_start3A_53 = arith.constant 0 : i32
      %dma_start3A_54 = tpu.memref_slice %arg3[%mul3A_50, %dma_start3A_53] : memref<80000x128xf32, #tpu.memory_space<hbm>> -> memref<32x128xf32, #tpu.memory_space<hbm>>
      tpu.enqueue_dma source(%dma_start3A_54 : memref<32x128xf32, #tpu.memory_space<hbm>>) target(%arg12 : memref<32x128xf32, #tpu.memory_space<vmem>>) target_semaphore(%arg22 : memref<!tpu.dma_semaphore, #tpu.memory_space<semaphore_mem>>)
    } else {
    }
    %gt3A_29 = arith.constant 1 : i32
    %gt3A_30 = arith.cmpi sgt, %min3A_4, %gt3A_29 : i32
    %convert_element_type3A_31 = arith.extui %gt3A_30 : i1 to i32
    %cond3A_32 = arith.constant 0 : i32
    %cond3A_33 = arith.cmpi ne, %convert_element_type3A_31, %cond3A_32 : i32
    scf.if %cond3A_33 {
      %dma_start3A = arith.constant 1 : i32
      %dma_start3A_41 = arith.constant 0 : i32
      %dma_start3A_42 = tpu.memref_slice %arg6[%dma_start3A, %dma_start3A_41] : memref<80x128xi32, #tpu.memory_space<vmem>> -> memref<1x128xi32, #tpu.memory_space<vmem>>
      %dma_start3A_43 = tpu.memref_squeeze %dma_start3A_42 : memref<1x128xi32, #tpu.memory_space<vmem>> -> memref<128xi32, #tpu.memory_space<vmem>>
      %dma_start3A_44 = arith.constant 0 : i32
      %dma_start3A_45 = arith.constant 0 : i32
      %dma_start3A_46 = tpu.memref_slice %arg2[%dma_start3A_44, %dma_start3A_45] : memref<10000x32xf32, #tpu.memory_space<hbm>> -> memref<10000x32xf32, #tpu.memory_space<hbm>>
      tpu.enqueue_indirect_dma source(%dma_start3A_46 : memref<10000x32xf32, #tpu.memory_space<hbm>>) target(%arg9 : memref<128x32xf32, #tpu.memory_space<vmem>>) offsets(%dma_start3A_43 : memref<128xi32, #tpu.memory_space<vmem>>) semaphore(%arg19 : memref<!tpu.dma_semaphore, #tpu.memory_space<semaphore_mem>>)
      %add3A_47 = arith.constant 1 : i32
      %add3A_48 = arith.addi %mul3A_2, %add3A_47 : i32
      %mul3A_49 = arith.constant 32 : i32
      %mul3A_50 = arith.muli %add3A_48, %mul3A_49 : i32
      %dma_start3A_51 = arith.constant 0 : i32
      %dma_start3A_52 = tpu.memref_slice %arg3[%mul3A_50, %dma_start3A_51] : memref<80000x128xf32, #tpu.memory_space<hbm>> -> memref<32x128xf32, #tpu.memory_space<hbm>>
      %dma_start3A_53 = arith.constant 0 : i32
      %dma_start3A_54 = tpu.memref_slice %arg3[%mul3A_50, %dma_start3A_53] : memref<80000x128xf32, #tpu.memory_space<hbm>> -> memref<32x128xf32, #tpu.memory_space<hbm>>
      tpu.enqueue_dma source(%dma_start3A_54 : memref<32x128xf32, #tpu.memory_space<hbm>>) target(%arg13 : memref<32x128xf32, #tpu.memory_space<vmem>>) target_semaphore(%arg23 : memref<!tpu.dma_semaphore, #tpu.memory_space<semaphore_mem>>)
    } else {
    }
    %scan3A = arith.constant 0 : i32
    %scan3A_34 = arith.constant 0 : i32
    %scan3A_35 = arith.constant 20 : i32
    %scan3A_36 = arith.addi %scan3A_34, %scan3A_35 : i32
    %scan3A_37 = arith.constant 1 : i32
    %scan3A_38 = scf.for %scan3A_41 = %scan3A_34 to %scan3A_36 step %scan3A_37 iter_args(%scan3A_42 = %scan3A) -> (i32)  : i32 {
      %mul3A_43 = arith.constant 4 : i32
      %mul3A_44 = arith.muli %scan3A_41, %mul3A_43 : i32
      %add3A_45 = arith.constant 0 : i32
      %add3A_46 = arith.addi %mul3A_44, %add3A_45 : i32
      %lt3A_47 = arith.cmpi slt, %add3A_46, %min3A_4 : i32
      %convert_element_type3A_48 = arith.extui %lt3A_47 : i1 to i32
      %cond3A_49 = arith.constant 0 : i32
      %cond3A_50 = arith.cmpi ne, %convert_element_type3A_48, %cond3A_49 : i32
      scf.if %cond3A_50 {
        %dma_wait3A = arith.constant 0 : i32
        %dma_wait3A_102 = tpu.memref_slice %arg6[%add3A_46, %dma_wait3A] : memref<80x128xi32, #tpu.memory_space<vmem>> -> memref<1x128xi32, #tpu.memory_space<vmem>>
        %dma_wait3A_103 = tpu.memref_squeeze %dma_wait3A_102 : memref<1x128xi32, #tpu.memory_space<vmem>> -> memref<128xi32, #tpu.memory_space<vmem>>
        %dma_wait3A_104 = arith.constant 0 : i32
        %dma_wait3A_105 = arith.constant 0 : i32
        %dma_wait3A_106 = tpu.memref_slice %arg2[%dma_wait3A_104, %dma_wait3A_105] : memref<10000x32xf32, #tpu.memory_space<hbm>> -> memref<10000x32xf32, #tpu.memory_space<hbm>>
        tpu.wait_indirect_dma semaphore(%arg18 : memref<!tpu.dma_semaphore, #tpu.memory_space<semaphore_mem>>) src(%dma_wait3A_106 : memref<10000x32xf32, #tpu.memory_space<hbm>>) dst(%arg8 : memref<128x32xf32, #tpu.memory_space<vmem>>)
        %add3A_107 = arith.addi %mul3A_2, %add3A_46 : i32
        %mul3A_108 = arith.constant 32 : i32
        %mul3A_109 = arith.muli %add3A_107, %mul3A_108 : i32
        %dma_wait3A_110 = arith.constant 0 : i32
        %dma_wait3A_111 = tpu.memref_slice %arg3[%mul3A_109, %dma_wait3A_110] : memref<80000x128xf32, #tpu.memory_space<hbm>> -> memref<32x128xf32, #tpu.memory_space<hbm>>
        %dma_wait3A_112 = arith.constant 0 : i32
        %dma_wait3A_113 = tpu.memref_slice %arg3[%mul3A_109, %dma_wait3A_112] : memref<80000x128xf32, #tpu.memory_space<hbm>> -> memref<32x128xf32, #tpu.memory_space<hbm>>
        tpu.wait_dma2 semaphore(%arg22 : memref<!tpu.dma_semaphore, #tpu.memory_space<semaphore_mem>>) src(%dma_wait3A_113 : memref<32x128xf32, #tpu.memory_space<hbm>>) dst(%arg12 : memref<32x128xf32, #tpu.memory_space<vmem>>)
        %parallel_loop3A_114 = arith.constant 0 : i32
        %parallel_loop3A_115 = arith.constant 32 : i32
        %parallel_loop3A_116 = arith.constant 1 : i32
        scf.for %parallel_loop3A_117 = %parallel_loop3A_114 to %parallel_loop3A_115 step %parallel_loop3A_116  : i32 {
          %parallel_loop3A_118 = arith.constant 4 : i32
          %parallel_loop3A_119 = arith.muli %parallel_loop3A_117, %parallel_loop3A_118 : i32
          %parallel_loop3A_120 = arith.constant 0 : i32
          %parallel_loop3A_121 = arith.addi %parallel_loop3A_119, %parallel_loop3A_120 : i32
          %parallel_loop3A_122 = arith.index_cast %parallel_loop3A_121 : i32 to index
          %parallel_loop3A_123 = arith.constant 0 : index
          %parallel_loop3A_124 = tpu.vector_load %arg8[%parallel_loop3A_122, %parallel_loop3A_123] {strides = array<i32>} : memref<128x32xf32, #tpu.memory_space<vmem>>, vector<1x16xf32>,
          %parallel_loop3A_125 = vector.shape_cast %parallel_loop3A_124 : vector<1x16xf32> to vector<16xf32>
          %parallel_loop3A_126 = arith.index_cast %parallel_loop3A_117 : i32 to index
          %parallel_loop3A_127 = arith.constant 0 : index
          %parallel_loop3A_128 = tpu.vector_load %arg12[%parallel_loop3A_126, %parallel_loop3A_127] {strides = array<i32>} : memref<32x128xf32, #tpu.memory_space<vmem>>, vector<1x16xf32>,
          %parallel_loop3A_129 = vector.shape_cast %parallel_loop3A_128 : vector<1x16xf32> to vector<16xf32>
          %parallel_loop3A_130 = arith.addf %parallel_loop3A_125, %parallel_loop3A_129 : vector<16xf32>
          %parallel_loop3A_131 = arith.constant 0.000000e+00 : f32
          %parallel_loop3A_132 = vector.broadcast %parallel_loop3A_131 : f32 to vector<16xf32>
          %parallel_loop3A_133 = arith.maximumf %parallel_loop3A_130, %parallel_loop3A_132 : vector<16xf32>
          %parallel_loop3A_134 = arith.index_cast %parallel_loop3A_121 : i32 to index
          %parallel_loop3A_135 = arith.constant 0 : index
          %parallel_loop3A_136 = tpu.vector_load %arg16[%parallel_loop3A_134, %parallel_loop3A_135] {strides = array<i32>} : memref<128x32xf32, #tpu.memory_space<vmem>>, vector<1x16xf32>,
          %parallel_loop3A_137 = vector.shape_cast %parallel_loop3A_136 : vector<1x16xf32> to vector<16xf32>
          %parallel_loop3A_138 = vector.shape_cast %parallel_loop3A_133 : vector<16xf32> to vector<1x16xf32>
          tpu.vector_store %arg16[%parallel_loop3A_134, %parallel_loop3A_135], %parallel_loop3A_138 {strides = array<i32>} : memref<128x32xf32, #tpu.memory_space<vmem>>, vector<1x16xf32>,
          %parallel_loop3A_139 = arith.index_cast %parallel_loop3A_121 : i32 to index
          %parallel_loop3A_140 = arith.constant 16 : index
          %parallel_loop3A_141 = tpu.vector_load %arg8[%parallel_loop3A_139, %parallel_loop3A_140] {strides = array<i32>} : memref<128x32xf32, #tpu.memory_space<vmem>>, vector<1x16xf32>,
          %parallel_loop3A_142 = vector.shape_cast %parallel_loop3A_141 : vector<1x16xf32> to vector<16xf32>
          %parallel_loop3A_143 = arith.index_cast %parallel_loop3A_117 : i32 to index
          %parallel_loop3A_144 = arith.constant 16 : index
          %parallel_loop3A_145 = tpu.vector_load %arg12[%parallel_loop3A_143, %parallel_loop3A_144] {strides = array<i32>} : memref<32x128xf32, #tpu.memory_space<vmem>>, vector<1x16xf32>,
          %parallel_loop3A_146 = vector.shape_cast %parallel_loop3A_145 : vector<1x16xf32> to vector<16xf32>
          %parallel_loop3A_147 = arith.addf %parallel_loop3A_142, %parallel_loop3A_146 : vector<16xf32>
          %parallel_loop3A_148 = arith.constant 0.000000e+00 : f32
          %parallel_loop3A_149 = vector.broadcast %parallel_loop3A_148 : f32 to vector<16xf32>
          %parallel_loop3A_150 = arith.maximumf %parallel_loop3A_147, %parallel_loop3A_149 : vector<16xf32>
          %parallel_loop3A_151 = arith.index_cast %parallel_loop3A_121 : i32 to index
          %parallel_loop3A_152 = arith.constant 16 : index
          %parallel_loop3A_153 = tpu.vector_load %arg16[%parallel_loop3A_151, %parallel_loop3A_152] {strides = array<i32>} : memref<128x32xf32, #tpu.memory_space<vmem>>, vector<1x16xf32>,
          %parallel_loop3A_154 = vector.shape_cast %parallel_loop3A_153 : vector<1x16xf32> to vector<16xf32>
          %parallel_loop3A_155 = vector.shape_cast %parallel_loop3A_150 : vector<16xf32> to vector<1x16xf32>
          tpu.vector_store %arg16[%parallel_loop3A_151, %parallel_loop3A_152], %parallel_loop3A_155 {strides = array<i32>} : memref<128x32xf32, #tpu.memory_space<vmem>>, vector<1x16xf32>,
          %parallel_loop3A_156 = arith.constant 4 : i32
          %parallel_loop3A_157 = arith.muli %parallel_loop3A_117, %parallel_loop3A_156 : i32
          %parallel_loop3A_158 = arith.constant 1 : i32
          %parallel_loop3A_159 = arith.addi %parallel_loop3A_157, %parallel_loop3A_158 : i32
          %parallel_loop3A_160 = arith.index_cast %parallel_loop3A_159 : i32 to index
          %parallel_loop3A_161 = arith.constant 0 : index
          %parallel_loop3A_162 = tpu.vector_load %arg8[%parallel_loop3A_160, %parallel_loop3A_161] {strides = array<i32>} : memref<128x32xf32, #tpu.memory_space<vmem>>, vector<1x16xf32>,
          %parallel_loop3A_163 = vector.shape_cast %parallel_loop3A_162 : vector<1x16xf32> to vector<16xf32>
          %parallel_loop3A_164 = arith.index_cast %parallel_loop3A_117 : i32 to index
          %parallel_loop3A_165 = arith.constant 32 : index
          %parallel_loop3A_166 = tpu.vector_load %arg12[%parallel_loop3A_164, %parallel_loop3A_165] {strides = array<i32>} : memref<32x128xf32, #tpu.memory_space<vmem>>, vector<1x16xf32>,
          %parallel_loop3A_167 = vector.shape_cast %parallel_loop3A_166 : vector<1x16xf32> to vector<16xf32>
          %parallel_loop3A_168 = arith.addf %parallel_loop3A_163, %parallel_loop3A_167 : vector<16xf32>
          %parallel_loop3A_169 = arith.constant 0.000000e+00 : f32
          %parallel_loop3A_170 = vector.broadcast %parallel_loop3A_169 : f32 to vector<16xf32>
          %parallel_loop3A_171 = arith.maximumf %parallel_loop3A_168, %parallel_loop3A_170 : vector<16xf32>
          %parallel_loop3A_172 = arith.index_cast %parallel_loop3A_159 : i32 to index
          %parallel_loop3A_173 = arith.constant 0 : index
          %parallel_loop3A_174 = tpu.vector_load %arg16[%parallel_loop3A_172, %parallel_loop3A_173] {strides = array<i32>} : memref<128x32xf32, #tpu.memory_space<vmem>>, vector<1x16xf32>,
          %parallel_loop3A_175 = vector.shape_cast %parallel_loop3A_174 : vector<1x16xf32> to vector<16xf32>
          %parallel_loop3A_176 = vector.shape_cast %parallel_loop3A_171 : vector<16xf32> to vector<1x16xf32>
          tpu.vector_store %arg16[%parallel_loop3A_172, %parallel_loop3A_173], %parallel_loop3A_176 {strides = array<i32>} : memref<128x32xf32, #tpu.memory_space<vmem>>, vector<1x16xf32>,
          %parallel_loop3A_177 = arith.index_cast %parallel_loop3A_159 : i32 to index
          %parallel_loop3A_178 = arith.constant 16 : index
          %parallel_loop3A_179 = tpu.vector_load %arg8[%parallel_loop3A_177, %parallel_loop3A_178] {strides = array<i32>} : memref<128x32xf32, #tpu.memory_space<vmem>>, vector<1x16xf32>,
          %parallel_loop3A_180 = vector.shape_cast %parallel_loop3A_179 : vector<1x16xf32> to vector<16xf32>
          %parallel_loop3A_181 = arith.index_cast %parallel_loop3A_117 : i32 to index
          %parallel_loop3A_182 = arith.constant 48 : index
          %parallel_loop3A_183 = tpu.vector_load %arg12[%parallel_loop3A_181, %parallel_loop3A_182] {strides = array<i32>} : memref<32x128xf32, #tpu.memory_space<vmem>>, vector<1x16xf32>,
          %parallel_loop3A_184 = vector.shape_cast %parallel_loop3A_183 : vector<1x16xf32> to vector<16xf32>
          %parallel_loop3A_185 = arith.addf %parallel_loop3A_180, %parallel_loop3A_184 : vector<16xf32>
          %parallel_loop3A_186 = arith.constant 0.000000e+00 : f32
          %parallel_loop3A_187 = vector.broadcast %parallel_loop3A_186 : f32 to vector<16xf32>
          %parallel_loop3A_188 = arith.maximumf %parallel_loop3A_185, %parallel_loop3A_187 : vector<16xf32>
          %parallel_loop3A_189 = arith.index_cast %parallel_loop3A_159 : i32 to index
          %parallel_loop3A_190 = arith.constant 16 : index
          %parallel_loop3A_191 = tpu.vector_load %arg16[%parallel_loop3A_189, %parallel_loop3A_190] {strides = array<i32>} : memref<128x32xf32, #tpu.memory_space<vmem>>, vector<1x16xf32>,
          %parallel_loop3A_192 = vector.shape_cast %parallel_loop3A_191 : vector<1x16xf32> to vector<16xf32>
          %parallel_loop3A_193 = vector.shape_cast %parallel_loop3A_188 : vector<16xf32> to vector<1x16xf32>
          tpu.vector_store %arg16[%parallel_loop3A_189, %parallel_loop3A_190], %parallel_loop3A_193 {strides = array<i32>} : memref<128x32xf32, #tpu.memory_space<vmem>>, vector<1x16xf32>,
          %parallel_loop3A_194 = arith.constant 4 : i32
          %parallel_loop3A_195 = arith.muli %parallel_loop3A_117, %parallel_loop3A_194 : i32
          %parallel_loop3A_196 = arith.constant 2 : i32
          %parallel_loop3A_197 = arith.addi %parallel_loop3A_195, %parallel_loop3A_196 : i32
          %parallel_loop3A_198 = arith.index_cast %parallel_loop3A_197 : i32 to index
          %parallel_loop3A_199 = arith.constant 0 : index
          %parallel_loop3A_200 = tpu.vector_load %arg8[%parallel_loop3A_198, %parallel_loop3A_199] {strides = array<i32>} : memref<128x32xf32, #tpu.memory_space<vmem>>, vector<1x16xf32>,
          %parallel_loop3A_201 = vector.shape_cast %parallel_loop3A_200 : vector<1x16xf32> to vector<16xf32>
          %parallel_loop3A_202 = arith.index_cast %parallel_loop3A_117 : i32 to index
          %parallel_loop3A_203 = arith.constant 64 : index
          %parallel_loop3A_204 = tpu.vector_load %arg12[%parallel_loop3A_202, %parallel_loop3A_203] {strides = array<i32>} : memref<32x128xf32, #tpu.memory_space<vmem>>, vector<1x16xf32>,
          %parallel_loop3A_205 = vector.shape_cast %parallel_loop3A_204 : vector<1x16xf32> to vector<16xf32>
          %parallel_loop3A_206 = arith.addf %parallel_loop3A_201, %parallel_loop3A_205 : vector<16xf32>
          %parallel_loop3A_207 = arith.constant 0.000000e+00 : f32
          %parallel_loop3A_208 = vector.broadcast %parallel_loop3A_207 : f32 to vector<16xf32>
          %parallel_loop3A_209 = arith.maximumf %parallel_loop3A_206, %parallel_loop3A_208 : vector<16xf32>
          %parallel_loop3A_210 = arith.index_cast %parallel_loop3A_197 : i32 to index
          %parallel_loop3A_211 = arith.constant 0 : index
          %parallel_loop3A_212 = tpu.vector_load %arg16[%parallel_loop3A_210, %parallel_loop3A_211] {strides = array<i32>} : memref<128x32xf32, #tpu.memory_space<vmem>>, vector<1x16xf32>,
          %parallel_loop3A_213 = vector.shape_cast %parallel_loop3A_212 : vector<1x16xf32> to vector<16xf32>
          %parallel_loop3A_214 = vector.shape_cast %parallel_loop3A_209 : vector<16xf32> to vector<1x16xf32>
          tpu.vector_store %arg16[%parallel_loop3A_210, %parallel_loop3A_211], %parallel_loop3A_214 {strides = array<i32>} : memref<128x32xf32, #tpu.memory_space<vmem>>, vector<1x16xf32>,
          %parallel_loop3A_215 = arith.index_cast %parallel_loop3A_197 : i32 to index
          %parallel_loop3A_216 = arith.constant 16 : index
          %parallel_loop3A_217 = tpu.vector_load %arg8[%parallel_loop3A_215, %parallel_loop3A_216] {strides = array<i32>} : memref<128x32xf32, #tpu.memory_space<vmem>>, vector<1x16xf32>,
          %parallel_loop3A_218 = vector.shape_cast %parallel_loop3A_217 : vector<1x16xf32> to vector<16xf32>
          %parallel_loop3A_219 = arith.index_cast %parallel_loop3A_117 : i32 to index
          %parallel_loop3A_220 = arith.constant 80 : index
          %parallel_loop3A_221 = tpu.vector_load %arg12[%parallel_loop3A_219, %parallel_loop3A_220] {strides = array<i32>} : memref<32x128xf32, #tpu.memory_space<vmem>>, vector<1x16xf32>,
          %parallel_loop3A_222 = vector.shape_cast %parallel_loop3A_221 : vector<1x16xf32> to vector<16xf32>
          %parallel_loop3A_223 = arith.addf %parallel_loop3A_218, %parallel_loop3A_222 : vector<16xf32>
          %parallel_loop3A_224 = arith.constant 0.000000e+00 : f32
          %parallel_loop3A_225 = vector.broadcast %parallel_loop3A_224 : f32 to vector<16xf32>
          %parallel_loop3A_226 = arith.maximumf %parallel_loop3A_223, %parallel_loop3A_225 : vector<16xf32>
          %parallel_loop3A_227 = arith.index_cast %parallel_loop3A_197 : i32 to index
          %parallel_loop3A_228 = arith.constant 16 : index
          %parallel_loop3A_229 = tpu.vector_load %arg16[%parallel_loop3A_227, %parallel_loop3A_228] {strides = array<i32>} : memref<128x32xf32, #tpu.memory_space<vmem>>, vector<1x16xf32>,
          %parallel_loop3A_230 = vector.shape_cast %parallel_loop3A_229 : vector<1x16xf32> to vector<16xf32>
          %parallel_loop3A_231 = vector.shape_cast %parallel_loop3A_226 : vector<16xf32> to vector<1x16xf32>
          tpu.vector_store %arg16[%parallel_loop3A_227, %parallel_loop3A_228], %parallel_loop3A_231 {strides = array<i32>} : memref<128x32xf32, #tpu.memory_space<vmem>>, vector<1x16xf32>,
          %parallel_loop3A_232 = arith.constant 4 : i32
          %parallel_loop3A_233 = arith.muli %parallel_loop3A_117, %parallel_loop3A_232 : i32
          %parallel_loop3A_234 = arith.constant 3 : i32
          %parallel_loop3A_235 = arith.addi %parallel_loop3A_233, %parallel_loop3A_234 : i32
          %parallel_loop3A_236 = arith.index_cast %parallel_loop3A_235 : i32 to index
          %parallel_loop3A_237 = arith.constant 0 : index
          %parallel_loop3A_238 = tpu.vector_load %arg8[%parallel_loop3A_236, %parallel_loop3A_237] {strides = array<i32>} : memref<128x32xf32, #tpu.memory_space<vmem>>, vector<1x16xf32>,
          %parallel_loop3A_239 = vector.shape_cast %parallel_loop3A_238 : vector<1x16xf32> to vector<16xf32>
          %parallel_loop3A_240 = arith.index_cast %parallel_loop3A_117 : i32 to index
          %parallel_loop3A_241 = arith.constant 96 : index
          %parallel_loop3A_242 = tpu.vector_load %arg12[%parallel_loop3A_240, %parallel_loop3A_241] {strides = array<i32>} : memref<32x128xf32, #tpu.memory_space<vmem>>, vector<1x16xf32>,
          %parallel_loop3A_243 = vector.shape_cast %parallel_loop3A_242 : vector<1x16xf32> to vector<16xf32>
          %parallel_loop3A_244 = arith.addf %parallel_loop3A_239, %parallel_loop3A_243 : vector<16xf32>
          %parallel_loop3A_245 = arith.constant 0.000000e+00 : f32
          %parallel_loop3A_246 = vector.broadcast %parallel_loop3A_245 : f32 to vector<16xf32>
          %parallel_loop3A_247 = arith.maximumf %parallel_loop3A_244, %parallel_loop3A_246 : vector<16xf32>
          %parallel_loop3A_248 = arith.index_cast %parallel_loop3A_235 : i32 to index
          %parallel_loop3A_249 = arith.constant 0 : index
          %parallel_loop3A_250 = tpu.vector_load %arg16[%parallel_loop3A_248, %parallel_loop3A_249] {strides = array<i32>} : memref<128x32xf32, #tpu.memory_space<vmem>>, vector<1x16xf32>,
          %parallel_loop3A_251 = vector.shape_cast %parallel_loop3A_250 : vector<1x16xf32> to vector<16xf32>
          %parallel_loop3A_252 = vector.shape_cast %parallel_loop3A_247 : vector<16xf32> to vector<1x16xf32>
          tpu.vector_store %arg16[%parallel_loop3A_248, %parallel_loop3A_249], %parallel_loop3A_252 {strides = array<i32>} : memref<128x32xf32, #tpu.memory_space<vmem>>, vector<1x16xf32>,
          %parallel_loop3A_253 = arith.index_cast %parallel_loop3A_235 : i32 to index
          %parallel_loop3A_254 = arith.constant 16 : index
          %parallel_loop3A_255 = tpu.vector_load %arg8[%parallel_loop3A_253, %parallel_loop3A_254] {strides = array<i32>} : memref<128x32xf32, #tpu.memory_space<vmem>>, vector<1x16xf32>,
          %parallel_loop3A_256 = vector.shape_cast %parallel_loop3A_255 : vector<1x16xf32> to vector<16xf32>
          %parallel_loop3A_257 = arith.index_cast %parallel_loop3A_117 : i32 to index
          %parallel_loop3A_258 = arith.constant 112 : index
          %parallel_loop3A_259 = tpu.vector_load %arg12[%parallel_loop3A_257, %parallel_loop3A_258] {strides = array<i32>} : memref<32x128xf32, #tpu.memory_space<vmem>>, vector<1x16xf32>,
          %parallel_loop3A_260 = vector.shape_cast %parallel_loop3A_259 : vector<1x16xf32> to vector<16xf32>
          %parallel_loop3A_261 = arith.addf %parallel_loop3A_256, %parallel_loop3A_260 : vector<16xf32>
          %parallel_loop3A_262 = arith.constant 0.000000e+00 : f32
          %parallel_loop3A_263 = vector.broadcast %parallel_loop3A_262 : f32 to vector<16xf32>
          %parallel_loop3A_264 = arith.maximumf %parallel_loop3A_261, %parallel_loop3A_263 : vector<16xf32>
          %parallel_loop3A_265 = arith.index_cast %parallel_loop3A_235 : i32 to index
          %parallel_loop3A_266 = arith.constant 16 : index
          %parallel_loop3A_267 = tpu.vector_load %arg16[%parallel_loop3A_265, %parallel_loop3A_266] {strides = array<i32>} : memref<128x32xf32, #tpu.memory_space<vmem>>, vector<1x16xf32>,
          %parallel_loop3A_268 = vector.shape_cast %parallel_loop3A_267 : vector<1x16xf32> to vector<16xf32>
          %parallel_loop3A_269 = vector.shape_cast %parallel_loop3A_264 : vector<16xf32> to vector<1x16xf32>
          tpu.vector_store %arg16[%parallel_loop3A_265, %parallel_loop3A_266], %parallel_loop3A_269 {strides = array<i32>} : memref<128x32xf32, #tpu.memory_space<vmem>>, vector<1x16xf32>,
        } {sc.loop_unroll_factor = 8 : i64, sc.parallel_access}
        "tpu.region"() ({
          %run_scoped3A = tpu.sem_alloc : memref<!tpu.dma_semaphore, #tpu.memory_space<semaphore_mem>>
          %dma_start3A = arith.constant 0 : i32
          %dma_start3A_117 = tpu.memref_slice %arg7[%add3A_46, %dma_start3A] : memref<80x128xi32, #tpu.memory_space<vmem>> -> memref<1x128xi32, #tpu.memory_space<vmem>>
          %dma_start3A_118 = tpu.memref_squeeze %dma_start3A_117 : memref<1x128xi32, #tpu.memory_space<vmem>> -> memref<128xi32, #tpu.memory_space<vmem>>
          %dma_start3A_119 = arith.constant 0 : i32
          %dma_start3A_120 = arith.constant 0 : i32
          %dma_start3A_121 = tpu.memref_slice %arg17[%dma_start3A_119, %dma_start3A_120] : memref<10240x32xf32, #tpu.memory_space<vmem_shared>> -> memref<10240x32xf32, #tpu.memory_space<vmem_shared>>
          tpu.enqueue_indirect_dma source(%arg16 : memref<128x32xf32, #tpu.memory_space<vmem>>) target(%dma_start3A_121 : memref<10240x32xf32, #tpu.memory_space<vmem_shared>>) offsets(%dma_start3A_118 : memref<128xi32, #tpu.memory_space<vmem>>) semaphore(%run_scoped3A : memref<!tpu.dma_semaphore, #tpu.memory_space<semaphore_mem>>) {add = true}
          %dma_wait3A_122 = arith.constant 0 : i32
          %dma_wait3A_123 = tpu.memref_slice %arg7[%add3A_46, %dma_wait3A_122] : memref<80x128xi32, #tpu.memory_space<vmem>> -> memref<1x128xi32, #tpu.memory_space<vmem>>
          %dma_wait3A_124 = tpu.memref_squeeze %dma_wait3A_123 : memref<1x128xi32, #tpu.memory_space<vmem>> -> memref<128xi32, #tpu.memory_space<vmem>>
          %dma_wait3A_125 = arith.constant 0 : i32
          %dma_wait3A_126 = arith.constant 0 : i32
          %dma_wait3A_127 = tpu.memref_slice %arg17[%dma_wait3A_125, %dma_wait3A_126] : memref<10240x32xf32, #tpu.memory_space<vmem_shared>> -> memref<10240x32xf32, #tpu.memory_space<vmem_shared>>
          tpu.wait_indirect_dma semaphore(%run_scoped3A : memref<!tpu.dma_semaphore, #tpu.memory_space<semaphore_mem>>) src(%arg16 : memref<128x32xf32, #tpu.memory_space<vmem>>) dst(%dma_wait3A_127 : memref<10240x32xf32, #tpu.memory_space<vmem_shared>>)
          tpu.yield
        }) : () -> ()
      } else {
      }
      %add3A_51 = arith.constant 0 : i32
      %add3A_52 = arith.addi %mul3A_44, %add3A_51 : i32
      %add3A_53 = arith.constant 2 : i32
      %add3A_54 = arith.addi %add3A_52, %add3A_53 : i32
      %lt3A_55 = arith.cmpi slt, %add3A_54, %min3A_4 : i32
      %convert_element_type3A_56 = arith.extui %lt3A_55 : i1 to i32
      %cond3A_57 = arith.constant 0 : i32
      %cond3A_58 = arith.cmpi ne, %convert_element_type3A_56, %cond3A_57 : i32
      scf.if %cond3A_58 {
        %dma_start3A = arith.constant 0 : i32
        %dma_start3A_102 = tpu.memref_slice %arg6[%add3A_54, %dma_start3A] : memref<80x128xi32, #tpu.memory_space<vmem>> -> memref<1x128xi32, #tpu.memory_space<vmem>>
        %dma_start3A_103 = tpu.memref_squeeze %dma_start3A_102 : memref<1x128xi32, #tpu.memory_space<vmem>> -> memref<128xi32, #tpu.memory_space<vmem>>
        %dma_start3A_104 = arith.constant 0 : i32
        %dma_start3A_105 = arith.constant 0 : i32
        %dma_start3A_106 = tpu.memref_slice %arg2[%dma_start3A_104, %dma_start3A_105] : memref<10000x32xf32, #tpu.memory_space<hbm>> -> memref<10000x32xf32, #tpu.memory_space<hbm>>
        tpu.enqueue_indirect_dma source(%dma_start3A_106 : memref<10000x32xf32, #tpu.memory_space<hbm>>) target(%arg10 : memref<128x32xf32, #tpu.memory_space<vmem>>) offsets(%dma_start3A_103 : memref<128xi32, #tpu.memory_space<vmem>>) semaphore(%arg20 : memref<!tpu.dma_semaphore, #tpu.memory_space<semaphore_mem>>)
        %add3A_107 = arith.addi %mul3A_2, %add3A_54 : i32
        %mul3A_108 = arith.constant 32 : i32
        %mul3A_109 = arith.muli %add3A_107, %mul3A_108 : i32
        %dma_start3A_110 = arith.constant 0 : i32
        %dma_start3A_111 = tpu.memref_slice %arg3[%mul3A_109, %dma_start3A_110] : memref<80000x128xf32, #tpu.memory_space<hbm>> -> memref<32x128xf32, #tpu.memory_space<hbm>>
        %dma_start3A_112 = arith.constant 0 : i32
        %dma_start3A_113 = tpu.memref_slice %arg3[%mul3A_109, %dma_start3A_112] : memref<80000x128xf32, #tpu.memory_space<hbm>> -> memref<32x128xf32, #tpu.memory_space<hbm>>
        tpu.enqueue_dma source(%dma_start3A_113 : memref<32x128xf32, #tpu.memory_space<hbm>>) target(%arg14 : memref<32x128xf32, #tpu.memory_space<vmem>>) target_semaphore(%arg24 : memref<!tpu.dma_semaphore, #tpu.memory_space<semaphore_mem>>)
      } else {
      }
      %add3A_59 = arith.constant 1 : i32
      %add3A_60 = arith.addi %mul3A_44, %add3A_59 : i32
      %lt3A_61 = arith.cmpi slt, %add3A_60, %min3A_4 : i32
      %convert_element_type3A_62 = arith.extui %lt3A_61 : i1 to i32
      %cond3A_63 = arith.constant 0 : i32
      %cond3A_64 = arith.cmpi ne, %convert_element_type3A_62, %cond3A_63 : i32
      scf.if %cond3A_64 {
        %dma_wait3A = arith.constant 0 : i32
        %dma_wait3A_102 = tpu.memref_slice %arg6[%add3A_60, %dma_wait3A] : memref<80x128xi32, #tpu.memory_space<vmem>> -> memref<1x128xi32, #tpu.memory_space<vmem>>
        %dma_wait3A_103 = tpu.memref_squeeze %dma_wait3A_102 : memref<1x128xi32, #tpu.memory_space<vmem>> -> memref<128xi32, #tpu.memory_space<vmem>>
        %dma_wait3A_104 = arith.constant 0 : i32
        %dma_wait3A_105 = arith.constant 0 : i32
        %dma_wait3A_106 = tpu.memref_slice %arg2[%dma_wait3A_104, %dma_wait3A_105] : memref<10000x32xf32, #tpu.memory_space<hbm>> -> memref<10000x32xf32, #tpu.memory_space<hbm>>
        tpu.wait_indirect_dma semaphore(%arg19 : memref<!tpu.dma_semaphore, #tpu.memory_space<semaphore_mem>>) src(%dma_wait3A_106 : memref<10000x32xf32, #tpu.memory_space<hbm>>) dst(%arg9 : memref<128x32xf32, #tpu.memory_space<vmem>>)
        %add3A_107 = arith.addi %mul3A_2, %add3A_60 : i32
        %mul3A_108 = arith.constant 32 : i32
        %mul3A_109 = arith.muli %add3A_107, %mul3A_108 : i32
        %dma_wait3A_110 = arith.constant 0 : i32
        %dma_wait3A_111 = tpu.memref_slice %arg3[%mul3A_109, %dma_wait3A_110] : memref<80000x128xf32, #tpu.memory_space<hbm>> -> memref<32x128xf32, #tpu.memory_space<hbm>>
        %dma_wait3A_112 = arith.constant 0 : i32
        %dma_wait3A_113 = tpu.memref_slice %arg3[%mul3A_109, %dma_wait3A_112] : memref<80000x128xf32, #tpu.memory_space<hbm>> -> memref<32x128xf32, #tpu.memory_space<hbm>>
        tpu.wait_dma2 semaphore(%arg23 : memref<!tpu.dma_semaphore, #tpu.memory_space<semaphore_mem>>) src(%dma_wait3A_113 : memref<32x128xf32, #tpu.memory_space<hbm>>) dst(%arg13 : memref<32x128xf32, #tpu.memory_space<vmem>>)
        %parallel_loop3A_114 = arith.constant 0 : i32
        %parallel_loop3A_115 = arith.constant 32 : i32
        %parallel_loop3A_116 = arith.constant 1 : i32
        scf.for %parallel_loop3A_117 = %parallel_loop3A_114 to %parallel_loop3A_115 step %parallel_loop3A_116  : i32 {
          %parallel_loop3A_118 = arith.constant 4 : i32
          %parallel_loop3A_119 = arith.muli %parallel_loop3A_117, %parallel_loop3A_118 : i32
          %parallel_loop3A_120 = arith.constant 0 : i32
          %parallel_loop3A_121 = arith.addi %parallel_loop3A_119, %parallel_loop3A_120 : i32
          %parallel_loop3A_122 = arith.index_cast %parallel_loop3A_121 : i32 to index
          %parallel_loop3A_123 = arith.constant 0 : index
          %parallel_loop3A_124 = tpu.vector_load %arg9[%parallel_loop3A_122, %parallel_loop3A_123] {strides = array<i32>} : memref<128x32xf32, #tpu.memory_space<vmem>>, vector<1x16xf32>,
          %parallel_loop3A_125 = vector.shape_cast %parallel_loop3A_124 : vector<1x16xf32> to vector<16xf32>
          %parallel_loop3A_126 = arith.index_cast %parallel_loop3A_117 : i32 to index
          %parallel_loop3A_127 = arith.constant 0 : index
          %parallel_loop3A_128 = tpu.vector_load %arg13[%parallel_loop3A_126, %parallel_loop3A_127] {strides = array<i32>} : memref<32x128xf32, #tpu.memory_space<vmem>>, vector<1x16xf32>,
          %parallel_loop3A_129 = vector.shape_cast %parallel_loop3A_128 : vector<1x16xf32> to vector<16xf32>
          %parallel_loop3A_130 = arith.addf %parallel_loop3A_125, %parallel_loop3A_129 : vector<16xf32>
          %parallel_loop3A_131 = arith.constant 0.000000e+00 : f32
          %parallel_loop3A_132 = vector.broadcast %parallel_loop3A_131 : f32 to vector<16xf32>
          %parallel_loop3A_133 = arith.maximumf %parallel_loop3A_130, %parallel_loop3A_132 : vector<16xf32>
          %parallel_loop3A_134 = arith.index_cast %parallel_loop3A_121 : i32 to index
          %parallel_loop3A_135 = arith.constant 0 : index
          %parallel_loop3A_136 = tpu.vector_load %arg16[%parallel_loop3A_134, %parallel_loop3A_135] {strides = array<i32>} : memref<128x32xf32, #tpu.memory_space<vmem>>, vector<1x16xf32>,
          %parallel_loop3A_137 = vector.shape_cast %parallel_loop3A_136 : vector<1x16xf32> to vector<16xf32>
          %parallel_loop3A_138 = vector.shape_cast %parallel_loop3A_133 : vector<16xf32> to vector<1x16xf32>
          tpu.vector_store %arg16[%parallel_loop3A_134, %parallel_loop3A_135], %parallel_loop3A_138 {strides = array<i32>} : memref<128x32xf32, #tpu.memory_space<vmem>>, vector<1x16xf32>,
          %parallel_loop3A_139 = arith.index_cast %parallel_loop3A_121 : i32 to index
          %parallel_loop3A_140 = arith.constant 16 : index
          %parallel_loop3A_141 = tpu.vector_load %arg9[%parallel_loop3A_139, %parallel_loop3A_140] {strides = array<i32>} : memref<128x32xf32, #tpu.memory_space<vmem>>, vector<1x16xf32>,
          %parallel_loop3A_142 = vector.shape_cast %parallel_loop3A_141 : vector<1x16xf32> to vector<16xf32>
          %parallel_loop3A_143 = arith.index_cast %parallel_loop3A_117 : i32 to index
          %parallel_loop3A_144 = arith.constant 16 : index
          %parallel_loop3A_145 = tpu.vector_load %arg13[%parallel_loop3A_143, %parallel_loop3A_144] {strides = array<i32>} : memref<32x128xf32, #tpu.memory_space<vmem>>, vector<1x16xf32>,
          %parallel_loop3A_146 = vector.shape_cast %parallel_loop3A_145 : vector<1x16xf32> to vector<16xf32>
          %parallel_loop3A_147 = arith.addf %parallel_loop3A_142, %parallel_loop3A_146 : vector<16xf32>
          %parallel_loop3A_148 = arith.constant 0.000000e+00 : f32
          %parallel_loop3A_149 = vector.broadcast %parallel_loop3A_148 : f32 to vector<16xf32>
          %parallel_loop3A_150 = arith.maximumf %parallel_loop3A_147, %parallel_loop3A_149 : vector<16xf32>
          %parallel_loop3A_151 = arith.index_cast %parallel_loop3A_121 : i32 to index
          %parallel_loop3A_152 = arith.constant 16 : index
          %parallel_loop3A_153 = tpu.vector_load %arg16[%parallel_loop3A_151, %parallel_loop3A_152] {strides = array<i32>} : memref<128x32xf32, #tpu.memory_space<vmem>>, vector<1x16xf32>,
          %parallel_loop3A_154 = vector.shape_cast %parallel_loop3A_153 : vector<1x16xf32> to vector<16xf32>
          %parallel_loop3A_155 = vector.shape_cast %parallel_loop3A_150 : vector<16xf32> to vector<1x16xf32>
          tpu.vector_store %arg16[%parallel_loop3A_151, %parallel_loop3A_152], %parallel_loop3A_155 {strides = array<i32>} : memref<128x32xf32, #tpu.memory_space<vmem>>, vector<1x16xf32>,
          %parallel_loop3A_156 = arith.constant 4 : i32
          %parallel_loop3A_157 = arith.muli %parallel_loop3A_117, %parallel_loop3A_156 : i32
          %parallel_loop3A_158 = arith.constant 1 : i32
          %parallel_loop3A_159 = arith.addi %parallel_loop3A_157, %parallel_loop3A_158 : i32
          %parallel_loop3A_160 = arith.index_cast %parallel_loop3A_159 : i32 to index
          %parallel_loop3A_161 = arith.constant 0 : index
          %parallel_loop3A_162 = tpu.vector_load %arg9[%parallel_loop3A_160, %parallel_loop3A_161] {strides = array<i32>} : memref<128x32xf32, #tpu.memory_space<vmem>>, vector<1x16xf32>,
          %parallel_loop3A_163 = vector.shape_cast %parallel_loop3A_162 : vector<1x16xf32> to vector<16xf32>
          %parallel_loop3A_164 = arith.index_cast %parallel_loop3A_117 : i32 to index
          %parallel_loop3A_165 = arith.constant 32 : index
          %parallel_loop3A_166 = tpu.vector_load %arg13[%parallel_loop3A_164, %parallel_loop3A_165] {strides = array<i32>} : memref<32x128xf32, #tpu.memory_space<vmem>>, vector<1x16xf32>,
          %parallel_loop3A_167 = vector.shape_cast %parallel_loop3A_166 : vector<1x16xf32> to vector<16xf32>
          %parallel_loop3A_168 = arith.addf %parallel_loop3A_163, %parallel_loop3A_167 : vector<16xf32>
          %parallel_loop3A_169 = arith.constant 0.000000e+00 : f32
          %parallel_loop3A_170 = vector.broadcast %parallel_loop3A_169 : f32 to vector<16xf32>
          %parallel_loop3A_171 = arith.maximumf %parallel_loop3A_168, %parallel_loop3A_170 : vector<16xf32>
          %parallel_loop3A_172 = arith.index_cast %parallel_loop3A_159 : i32 to index
          %parallel_loop3A_173 = arith.constant 0 : index
          %parallel_loop3A_174 = tpu.vector_load %arg16[%parallel_loop3A_172, %parallel_loop3A_173] {strides = array<i32>} : memref<128x32xf32, #tpu.memory_space<vmem>>, vector<1x16xf32>,
          %parallel_loop3A_175 = vector.shape_cast %parallel_loop3A_174 : vector<1x16xf32> to vector<16xf32>
          %parallel_loop3A_176 = vector.shape_cast %parallel_loop3A_171 : vector<16xf32> to vector<1x16xf32>
          tpu.vector_store %arg16[%parallel_loop3A_172, %parallel_loop3A_173], %parallel_loop3A_176 {strides = array<i32>} : memref<128x32xf32, #tpu.memory_space<vmem>>, vector<1x16xf32>,
          %parallel_loop3A_177 = arith.index_cast %parallel_loop3A_159 : i32 to index
          %parallel_loop3A_178 = arith.constant 16 : index
          %parallel_loop3A_179 = tpu.vector_load %arg9[%parallel_loop3A_177, %parallel_loop3A_178] {strides = array<i32>} : memref<128x32xf32, #tpu.memory_space<vmem>>, vector<1x16xf32>,
          %parallel_loop3A_180 = vector.shape_cast %parallel_loop3A_179 : vector<1x16xf32> to vector<16xf32>
          %parallel_loop3A_181 = arith.index_cast %parallel_loop3A_117 : i32 to index
          %parallel_loop3A_182 = arith.constant 48 : index
          %parallel_loop3A_183 = tpu.vector_load %arg13[%parallel_loop3A_181, %parallel_loop3A_182] {strides = array<i32>} : memref<32x128xf32, #tpu.memory_space<vmem>>, vector<1x16xf32>,
          %parallel_loop3A_184 = vector.shape_cast %parallel_loop3A_183 : vector<1x16xf32> to vector<16xf32>
          %parallel_loop3A_185 = arith.addf %parallel_loop3A_180, %parallel_loop3A_184 : vector<16xf32>
          %parallel_loop3A_186 = arith.constant 0.000000e+00 : f32
          %parallel_loop3A_187 = vector.broadcast %parallel_loop3A_186 : f32 to vector<16xf32>
          %parallel_loop3A_188 = arith.maximumf %parallel_loop3A_185, %parallel_loop3A_187 : vector<16xf32>
          %parallel_loop3A_189 = arith.index_cast %parallel_loop3A_159 : i32 to index
          %parallel_loop3A_190 = arith.constant 16 : index
          %parallel_loop3A_191 = tpu.vector_load %arg16[%parallel_loop3A_189, %parallel_loop3A_190] {strides = array<i32>} : memref<128x32xf32, #tpu.memory_space<vmem>>, vector<1x16xf32>,
          %parallel_loop3A_192 = vector.shape_cast %parallel_loop3A_191 : vector<1x16xf32> to vector<16xf32>
          %parallel_loop3A_193 = vector.shape_cast %parallel_loop3A_188 : vector<16xf32> to vector<1x16xf32>
          tpu.vector_store %arg16[%parallel_loop3A_189, %parallel_loop3A_190], %parallel_loop3A_193 {strides = array<i32>} : memref<128x32xf32, #tpu.memory_space<vmem>>, vector<1x16xf32>,
          %parallel_loop3A_194 = arith.constant 4 : i32
          %parallel_loop3A_195 = arith.muli %parallel_loop3A_117, %parallel_loop3A_194 : i32
          %parallel_loop3A_196 = arith.constant 2 : i32
          %parallel_loop3A_197 = arith.addi %parallel_loop3A_195, %parallel_loop3A_196 : i32
          %parallel_loop3A_198 = arith.index_cast %parallel_loop3A_197 : i32 to index
          %parallel_loop3A_199 = arith.constant 0 : index
          %parallel_loop3A_200 = tpu.vector_load %arg9[%parallel_loop3A_198, %parallel_loop3A_199] {strides = array<i32>} : memref<128x32xf32, #tpu.memory_space<vmem>>, vector<1x16xf32>,
          %parallel_loop3A_201 = vector.shape_cast %parallel_loop3A_200 : vector<1x16xf32> to vector<16xf32>
          %parallel_loop3A_202 = arith.index_cast %parallel_loop3A_117 : i32 to index
          %parallel_loop3A_203 = arith.constant 64 : index
          %parallel_loop3A_204 = tpu.vector_load %arg13[%parallel_loop3A_202, %parallel_loop3A_203] {strides = array<i32>} : memref<32x128xf32, #tpu.memory_space<vmem>>, vector<1x16xf32>,
          %parallel_loop3A_205 = vector.shape_cast %parallel_loop3A_204 : vector<1x16xf32> to vector<16xf32>
          %parallel_loop3A_206 = arith.addf %parallel_loop3A_201, %parallel_loop3A_205 : vector<16xf32>
          %parallel_loop3A_207 = arith.constant 0.000000e+00 : f32
          %parallel_loop3A_208 = vector.broadcast %parallel_loop3A_207 : f32 to vector<16xf32>
          %parallel_loop3A_209 = arith.maximumf %parallel_loop3A_206, %parallel_loop3A_208 : vector<16xf32>
          %parallel_loop3A_210 = arith.index_cast %parallel_loop3A_197 : i32 to index
          %parallel_loop3A_211 = arith.constant 0 : index
          %parallel_loop3A_212 = tpu.vector_load %arg16[%parallel_loop3A_210, %parallel_loop3A_211] {strides = array<i32>} : memref<128x32xf32, #tpu.memory_space<vmem>>, vector<1x16xf32>,
          %parallel_loop3A_213 = vector.shape_cast %parallel_loop3A_212 : vector<1x16xf32> to vector<16xf32>
          %parallel_loop3A_214 = vector.shape_cast %parallel_loop3A_209 : vector<16xf32> to vector<1x16xf32>
          tpu.vector_store %arg16[%parallel_loop3A_210, %parallel_loop3A_211], %parallel_loop3A_214 {strides = array<i32>} : memref<128x32xf32, #tpu.memory_space<vmem>>, vector<1x16xf32>,
          %parallel_loop3A_215 = arith.index_cast %parallel_loop3A_197 : i32 to index
          %parallel_loop3A_216 = arith.constant 16 : index
          %parallel_loop3A_217 = tpu.vector_load %arg9[%parallel_loop3A_215, %parallel_loop3A_216] {strides = array<i32>} : memref<128x32xf32, #tpu.memory_space<vmem>>, vector<1x16xf32>,
          %parallel_loop3A_218 = vector.shape_cast %parallel_loop3A_217 : vector<1x16xf32> to vector<16xf32>
          %parallel_loop3A_219 = arith.index_cast %parallel_loop3A_117 : i32 to index
          %parallel_loop3A_220 = arith.constant 80 : index
          %parallel_loop3A_221 = tpu.vector_load %arg13[%parallel_loop3A_219, %parallel_loop3A_220] {strides = array<i32>} : memref<32x128xf32, #tpu.memory_space<vmem>>, vector<1x16xf32>,
          %parallel_loop3A_222 = vector.shape_cast %parallel_loop3A_221 : vector<1x16xf32> to vector<16xf32>
          %parallel_loop3A_223 = arith.addf %parallel_loop3A_218, %parallel_loop3A_222 : vector<16xf32>
          %parallel_loop3A_224 = arith.constant 0.000000e+00 : f32
          %parallel_loop3A_225 = vector.broadcast %parallel_loop3A_224 : f32 to vector<16xf32>
          %parallel_loop3A_226 = arith.maximumf %parallel_loop3A_223, %parallel_loop3A_225 : vector<16xf32>
          %parallel_loop3A_227 = arith.index_cast %parallel_loop3A_197 : i32 to index
          %parallel_loop3A_228 = arith.constant 16 : index
          %parallel_loop3A_229 = tpu.vector_load %arg16[%parallel_loop3A_227, %parallel_loop3A_228] {strides = array<i32>} : memref<128x32xf32, #tpu.memory_space<vmem>>, vector<1x16xf32>,
          %parallel_loop3A_230 = vector.shape_cast %parallel_loop3A_229 : vector<1x16xf32> to vector<16xf32>
          %parallel_loop3A_231 = vector.shape_cast %parallel_loop3A_226 : vector<16xf32> to vector<1x16xf32>
          tpu.vector_store %arg16[%parallel_loop3A_227, %parallel_loop3A_228], %parallel_loop3A_231 {strides = array<i32>} : memref<128x32xf32, #tpu.memory_space<vmem>>, vector<1x16xf32>,
          %parallel_loop3A_232 = arith.constant 4 : i32
          %parallel_loop3A_233 = arith.muli %parallel_loop3A_117, %parallel_loop3A_232 : i32
          %parallel_loop3A_234 = arith.constant 3 : i32
          %parallel_loop3A_235 = arith.addi %parallel_loop3A_233, %parallel_loop3A_234 : i32
          %parallel_loop3A_236 = arith.index_cast %parallel_loop3A_235 : i32 to index
          %parallel_loop3A_237 = arith.constant 0 : index
          %parallel_loop3A_238 = tpu.vector_load %arg9[%parallel_loop3A_236, %parallel_loop3A_237] {strides = array<i32>} : memref<128x32xf32, #tpu.memory_space<vmem>>, vector<1x16xf32>,
          %parallel_loop3A_239 = vector.shape_cast %parallel_loop3A_238 : vector<1x16xf32> to vector<16xf32>
          %parallel_loop3A_240 = arith.index_cast %parallel_loop3A_117 : i32 to index
          %parallel_loop3A_241 = arith.constant 96 : index
          %parallel_loop3A_242 = tpu.vector_load %arg13[%parallel_loop3A_240, %parallel_loop3A_241] {strides = array<i32>} : memref<32x128xf32, #tpu.memory_space<vmem>>, vector<1x16xf32>,
          %parallel_loop3A_243 = vector.shape_cast %parallel_loop3A_242 : vector<1x16xf32> to vector<16xf32>
          %parallel_loop3A_244 = arith.addf %parallel_loop3A_239, %parallel_loop3A_243 : vector<16xf32>
          %parallel_loop3A_245 = arith.constant 0.000000e+00 : f32
          %parallel_loop3A_246 = vector.broadcast %parallel_loop3A_245 : f32 to vector<16xf32>
          %parallel_loop3A_247 = arith.maximumf %parallel_loop3A_244, %parallel_loop3A_246 : vector<16xf32>
          %parallel_loop3A_248 = arith.index_cast %parallel_loop3A_235 : i32 to index
          %parallel_loop3A_249 = arith.constant 0 : index
          %parallel_loop3A_250 = tpu.vector_load %arg16[%parallel_loop3A_248, %parallel_loop3A_249] {strides = array<i32>} : memref<128x32xf32, #tpu.memory_space<vmem>>, vector<1x16xf32>,
          %parallel_loop3A_251 = vector.shape_cast %parallel_loop3A_250 : vector<1x16xf32> to vector<16xf32>
          %parallel_loop3A_252 = vector.shape_cast %parallel_loop3A_247 : vector<16xf32> to vector<1x16xf32>
          tpu.vector_store %arg16[%parallel_loop3A_248, %parallel_loop3A_249], %parallel_loop3A_252 {strides = array<i32>} : memref<128x32xf32, #tpu.memory_space<vmem>>, vector<1x16xf32>,
          %parallel_loop3A_253 = arith.index_cast %parallel_loop3A_235 : i32 to index
          %parallel_loop3A_254 = arith.constant 16 : index
          %parallel_loop3A_255 = tpu.vector_load %arg9[%parallel_loop3A_253, %parallel_loop3A_254] {strides = array<i32>} : memref<128x32xf32, #tpu.memory_space<vmem>>, vector<1x16xf32>,
          %parallel_loop3A_256 = vector.shape_cast %parallel_loop3A_255 : vector<1x16xf32> to vector<16xf32>
          %parallel_loop3A_257 = arith.index_cast %parallel_loop3A_117 : i32 to index
          %parallel_loop3A_258 = arith.constant 112 : index
          %parallel_loop3A_259 = tpu.vector_load %arg13[%parallel_loop3A_257, %parallel_loop3A_258] {strides = array<i32>} : memref<32x128xf32, #tpu.memory_space<vmem>>, vector<1x16xf32>,
          %parallel_loop3A_260 = vector.shape_cast %parallel_loop3A_259 : vector<1x16xf32> to vector<16xf32>
          %parallel_loop3A_261 = arith.addf %parallel_loop3A_256, %parallel_loop3A_260 : vector<16xf32>
          %parallel_loop3A_262 = arith.constant 0.000000e+00 : f32
          %parallel_loop3A_263 = vector.broadcast %parallel_loop3A_262 : f32 to vector<16xf32>
          %parallel_loop3A_264 = arith.maximumf %parallel_loop3A_261, %parallel_loop3A_263 : vector<16xf32>
          %parallel_loop3A_265 = arith.index_cast %parallel_loop3A_235 : i32 to index
          %parallel_loop3A_266 = arith.constant 16 : index
          %parallel_loop3A_267 = tpu.vector_load %arg16[%parallel_loop3A_265, %parallel_loop3A_266] {strides = array<i32>} : memref<128x32xf32, #tpu.memory_space<vmem>>, vector<1x16xf32>,
          %parallel_loop3A_268 = vector.shape_cast %parallel_loop3A_267 : vector<1x16xf32> to vector<16xf32>
          %parallel_loop3A_269 = vector.shape_cast %parallel_loop3A_264 : vector<16xf32> to vector<1x16xf32>
          tpu.vector_store %arg16[%parallel_loop3A_265, %parallel_loop3A_266], %parallel_loop3A_269 {strides = array<i32>} : memref<128x32xf32, #tpu.memory_space<vmem>>, vector<1x16xf32>,
        } {sc.loop_unroll_factor = 8 : i64, sc.parallel_access}
        "tpu.region"() ({
          %run_scoped3A = tpu.sem_alloc : memref<!tpu.dma_semaphore, #tpu.memory_space<semaphore_mem>>
          %dma_start3A = arith.constant 0 : i32
          %dma_start3A_117 = tpu.memref_slice %arg7[%add3A_60, %dma_start3A] : memref<80x128xi32, #tpu.memory_space<vmem>> -> memref<1x128xi32, #tpu.memory_space<vmem>>
          %dma_start3A_118 = tpu.memref_squeeze %dma_start3A_117 : memref<1x128xi32, #tpu.memory_space<vmem>> -> memref<128xi32, #tpu.memory_space<vmem>>
          %dma_start3A_119 = arith.constant 0 : i32
          %dma_start3A_120 = arith.constant 0 : i32
          %dma_start3A_121 = tpu.memref_slice %arg17[%dma_start3A_119, %dma_start3A_120] : memref<10240x32xf32, #tpu.memory_space<vmem_shared>> -> memref<10240x32xf32, #tpu.memory_space<vmem_shared>>
          tpu.enqueue_indirect_dma source(%arg16 : memref<128x32xf32, #tpu.memory_space<vmem>>) target(%dma_start3A_121 : memref<10240x32xf32, #tpu.memory_space<vmem_shared>>) offsets(%dma_start3A_118 : memref<128xi32, #tpu.memory_space<vmem>>) semaphore(%run_scoped3A : memref<!tpu.dma_semaphore, #tpu.memory_space<semaphore_mem>>) {add = true}
          %dma_wait3A_122 = arith.constant 0 : i32
          %dma_wait3A_123 = tpu.memref_slice %arg7[%add3A_60, %dma_wait3A_122] : memref<80x128xi32, #tpu.memory_space<vmem>> -> memref<1x128xi32, #tpu.memory_space<vmem>>
          %dma_wait3A_124 = tpu.memref_squeeze %dma_wait3A_123 : memref<1x128xi32, #tpu.memory_space<vmem>> -> memref<128xi32, #tpu.memory_space<vmem>>
          %dma_wait3A_125 = arith.constant 0 : i32
          %dma_wait3A_126 = arith.constant 0 : i32
          %dma_wait3A_127 = tpu.memref_slice %arg17[%dma_wait3A_125, %dma_wait3A_126] : memref<10240x32xf32, #tpu.memory_space<vmem_shared>> -> memref<10240x32xf32, #tpu.memory_space<vmem_shared>>
          tpu.wait_indirect_dma semaphore(%run_scoped3A : memref<!tpu.dma_semaphore, #tpu.memory_space<semaphore_mem>>) src(%arg16 : memref<128x32xf32, #tpu.memory_space<vmem>>) dst(%dma_wait3A_127 : memref<10240x32xf32, #tpu.memory_space<vmem_shared>>)
          tpu.yield
        }) : () -> ()
      } else {
      }
      %add3A_65 = arith.constant 1 : i32
      %add3A_66 = arith.addi %mul3A_44, %add3A_65 : i32
      %add3A_67 = arith.constant 2 : i32
      %add3A_68 = arith.addi %add3A_66, %add3A_67 : i32
      %lt3A_69 = arith.cmpi slt, %add3A_68, %min3A_4 : i32
      %convert_element_type3A_70 = arith.extui %lt3A_69 : i1 to i32
      %cond3A_71 = arith.constant 0 : i32
      %cond3A_72 = arith.cmpi ne, %convert_element_type3A_70, %cond3A_71 : i32
      scf.if %cond3A_72 {
        %dma_start3A = arith.constant 0 : i32
        %dma_start3A_102 = tpu.memref_slice %arg6[%add3A_68, %dma_start3A] : memref<80x128xi32, #tpu.memory_space<vmem>> -> memref<1x128xi32, #tpu.memory_space<vmem>>
        %dma_start3A_103 = tpu.memref_squeeze %dma_start3A_102 : memref<1x128xi32, #tpu.memory_space<vmem>> -> memref<128xi32, #tpu.memory_space<vmem>>
        %dma_start3A_104 = arith.constant 0 : i32
        %dma_start3A_105 = arith.constant 0 : i32
        %dma_start3A_106 = tpu.memref_slice %arg2[%dma_start3A_104, %dma_start3A_105] : memref<10000x32xf32, #tpu.memory_space<hbm>> -> memref<10000x32xf32, #tpu.memory_space<hbm>>
        tpu.enqueue_indirect_dma source(%dma_start3A_106 : memref<10000x32xf32, #tpu.memory_space<hbm>>) target(%arg11 : memref<128x32xf32, #tpu.memory_space<vmem>>) offsets(%dma_start3A_103 : memref<128xi32, #tpu.memory_space<vmem>>) semaphore(%arg21 : memref<!tpu.dma_semaphore, #tpu.memory_space<semaphore_mem>>)
        %add3A_107 = arith.addi %mul3A_2, %add3A_68 : i32
        %mul3A_108 = arith.constant 32 : i32
        %mul3A_109 = arith.muli %add3A_107, %mul3A_108 : i32
        %dma_start3A_110 = arith.constant 0 : i32
        %dma_start3A_111 = tpu.memref_slice %arg3[%mul3A_109, %dma_start3A_110] : memref<80000x128xf32, #tpu.memory_space<hbm>> -> memref<32x128xf32, #tpu.memory_space<hbm>>
        %dma_start3A_112 = arith.constant 0 : i32
        %dma_start3A_113 = tpu.memref_slice %arg3[%mul3A_109, %dma_start3A_112] : memref<80000x128xf32, #tpu.memory_space<hbm>> -> memref<32x128xf32, #tpu.memory_space<hbm>>
        tpu.enqueue_dma source(%dma_start3A_113 : memref<32x128xf32, #tpu.memory_space<hbm>>) target(%arg15 : memref<32x128xf32, #tpu.memory_space<vmem>>) target_semaphore(%arg25 : memref<!tpu.dma_semaphore, #tpu.memory_space<semaphore_mem>>)
      } else {
      }
      %add3A_73 = arith.constant 2 : i32
      %add3A_74 = arith.addi %mul3A_44, %add3A_73 : i32
      %lt3A_75 = arith.cmpi slt, %add3A_74, %min3A_4 : i32
      %convert_element_type3A_76 = arith.extui %lt3A_75 : i1 to i32
      %cond3A_77 = arith.constant 0 : i32
      %cond3A_78 = arith.cmpi ne, %convert_element_type3A_76, %cond3A_77 : i32
      scf.if %cond3A_78 {
        %dma_wait3A = arith.constant 0 : i32
        %dma_wait3A_102 = tpu.memref_slice %arg6[%add3A_74, %dma_wait3A] : memref<80x128xi32, #tpu.memory_space<vmem>> -> memref<1x128xi32, #tpu.memory_space<vmem>>
        %dma_wait3A_103 = tpu.memref_squeeze %dma_wait3A_102 : memref<1x128xi32, #tpu.memory_space<vmem>> -> memref<128xi32, #tpu.memory_space<vmem>>
        %dma_wait3A_104 = arith.constant 0 : i32
        %dma_wait3A_105 = arith.constant 0 : i32
        %dma_wait3A_106 = tpu.memref_slice %arg2[%dma_wait3A_104, %dma_wait3A_105] : memref<10000x32xf32, #tpu.memory_space<hbm>> -> memref<10000x32xf32, #tpu.memory_space<hbm>>
        tpu.wait_indirect_dma semaphore(%arg20 : memref<!tpu.dma_semaphore, #tpu.memory_space<semaphore_mem>>) src(%dma_wait3A_106 : memref<10000x32xf32, #tpu.memory_space<hbm>>) dst(%arg10 : memref<128x32xf32, #tpu.memory_space<vmem>>)
        %add3A_107 = arith.addi %mul3A_2, %add3A_74 : i32
        %mul3A_108 = arith.constant 32 : i32
        %mul3A_109 = arith.muli %add3A_107, %mul3A_108 : i32
        %dma_wait3A_110 = arith.constant 0 : i32
        %dma_wait3A_111 = tpu.memref_slice %arg3[%mul3A_109, %dma_wait3A_110] : memref<80000x128xf32, #tpu.memory_space<hbm>> -> memref<32x128xf32, #tpu.memory_space<hbm>>
        %dma_wait3A_112 = arith.constant 0 : i32
        %dma_wait3A_113 = tpu.memref_slice %arg3[%mul3A_109, %dma_wait3A_112] : memref<80000x128xf32, #tpu.memory_space<hbm>> -> memref<32x128xf32, #tpu.memory_space<hbm>>
        tpu.wait_dma2 semaphore(%arg24 : memref<!tpu.dma_semaphore, #tpu.memory_space<semaphore_mem>>) src(%dma_wait3A_113 : memref<32x128xf32, #tpu.memory_space<hbm>>) dst(%arg14 : memref<32x128xf32, #tpu.memory_space<vmem>>)
        %parallel_loop3A_114 = arith.constant 0 : i32
        %parallel_loop3A_115 = arith.constant 32 : i32
        %parallel_loop3A_116 = arith.constant 1 : i32
        scf.for %parallel_loop3A_117 = %parallel_loop3A_114 to %parallel_loop3A_115 step %parallel_loop3A_116  : i32 {
          %parallel_loop3A_118 = arith.constant 4 : i32
          %parallel_loop3A_119 = arith.muli %parallel_loop3A_117, %parallel_loop3A_118 : i32
          %parallel_loop3A_120 = arith.constant 0 : i32
          %parallel_loop3A_121 = arith.addi %parallel_loop3A_119, %parallel_loop3A_120 : i32
          %parallel_loop3A_122 = arith.index_cast %parallel_loop3A_121 : i32 to index
          %parallel_loop3A_123 = arith.constant 0 : index
          %parallel_loop3A_124 = tpu.vector_load %arg10[%parallel_loop3A_122, %parallel_loop3A_123] {strides = array<i32>} : memref<128x32xf32, #tpu.memory_space<vmem>>, vector<1x16xf32>,
          %parallel_loop3A_125 = vector.shape_cast %parallel_loop3A_124 : vector<1x16xf32> to vector<16xf32>
          %parallel_loop3A_126 = arith.index_cast %parallel_loop3A_117 : i32 to index
          %parallel_loop3A_127 = arith.constant 0 : index
          %parallel_loop3A_128 = tpu.vector_load %arg14[%parallel_loop3A_126, %parallel_loop3A_127] {strides = array<i32>} : memref<32x128xf32, #tpu.memory_space<vmem>>, vector<1x16xf32>,
          %parallel_loop3A_129 = vector.shape_cast %parallel_loop3A_128 : vector<1x16xf32> to vector<16xf32>
          %parallel_loop3A_130 = arith.addf %parallel_loop3A_125, %parallel_loop3A_129 : vector<16xf32>
          %parallel_loop3A_131 = arith.constant 0.000000e+00 : f32
          %parallel_loop3A_132 = vector.broadcast %parallel_loop3A_131 : f32 to vector<16xf32>
          %parallel_loop3A_133 = arith.maximumf %parallel_loop3A_130, %parallel_loop3A_132 : vector<16xf32>
          %parallel_loop3A_134 = arith.index_cast %parallel_loop3A_121 : i32 to index
          %parallel_loop3A_135 = arith.constant 0 : index
          %parallel_loop3A_136 = tpu.vector_load %arg16[%parallel_loop3A_134, %parallel_loop3A_135] {strides = array<i32>} : memref<128x32xf32, #tpu.memory_space<vmem>>, vector<1x16xf32>,
          %parallel_loop3A_137 = vector.shape_cast %parallel_loop3A_136 : vector<1x16xf32> to vector<16xf32>
          %parallel_loop3A_138 = vector.shape_cast %parallel_loop3A_133 : vector<16xf32> to vector<1x16xf32>
          tpu.vector_store %arg16[%parallel_loop3A_134, %parallel_loop3A_135], %parallel_loop3A_138 {strides = array<i32>} : memref<128x32xf32, #tpu.memory_space<vmem>>, vector<1x16xf32>,
          %parallel_loop3A_139 = arith.index_cast %parallel_loop3A_121 : i32 to index
          %parallel_loop3A_140 = arith.constant 16 : index
          %parallel_loop3A_141 = tpu.vector_load %arg10[%parallel_loop3A_139, %parallel_loop3A_140] {strides = array<i32>} : memref<128x32xf32, #tpu.memory_space<vmem>>, vector<1x16xf32>,
          %parallel_loop3A_142 = vector.shape_cast %parallel_loop3A_141 : vector<1x16xf32> to vector<16xf32>
          %parallel_loop3A_143 = arith.index_cast %parallel_loop3A_117 : i32 to index
          %parallel_loop3A_144 = arith.constant 16 : index
          %parallel_loop3A_145 = tpu.vector_load %arg14[%parallel_loop3A_143, %parallel_loop3A_144] {strides = array<i32>} : memref<32x128xf32, #tpu.memory_space<vmem>>, vector<1x16xf32>,
          %parallel_loop3A_146 = vector.shape_cast %parallel_loop3A_145 : vector<1x16xf32> to vector<16xf32>
          %parallel_loop3A_147 = arith.addf %parallel_loop3A_142, %parallel_loop3A_146 : vector<16xf32>
          %parallel_loop3A_148 = arith.constant 0.000000e+00 : f32
          %parallel_loop3A_149 = vector.broadcast %parallel_loop3A_148 : f32 to vector<16xf32>
          %parallel_loop3A_150 = arith.maximumf %parallel_loop3A_147, %parallel_loop3A_149 : vector<16xf32>
          %parallel_loop3A_151 = arith.index_cast %parallel_loop3A_121 : i32 to index
          %parallel_loop3A_152 = arith.constant 16 : index
          %parallel_loop3A_153 = tpu.vector_load %arg16[%parallel_loop3A_151, %parallel_loop3A_152] {strides = array<i32>} : memref<128x32xf32, #tpu.memory_space<vmem>>, vector<1x16xf32>,
          %parallel_loop3A_154 = vector.shape_cast %parallel_loop3A_153 : vector<1x16xf32> to vector<16xf32>
          %parallel_loop3A_155 = vector.shape_cast %parallel_loop3A_150 : vector<16xf32> to vector<1x16xf32>
          tpu.vector_store %arg16[%parallel_loop3A_151, %parallel_loop3A_152], %parallel_loop3A_155 {strides = array<i32>} : memref<128x32xf32, #tpu.memory_space<vmem>>, vector<1x16xf32>,
          %parallel_loop3A_156 = arith.constant 4 : i32
          %parallel_loop3A_157 = arith.muli %parallel_loop3A_117, %parallel_loop3A_156 : i32
          %parallel_loop3A_158 = arith.constant 1 : i32
          %parallel_loop3A_159 = arith.addi %parallel_loop3A_157, %parallel_loop3A_158 : i32
          %parallel_loop3A_160 = arith.index_cast %parallel_loop3A_159 : i32 to index
          %parallel_loop3A_161 = arith.constant 0 : index
          %parallel_loop3A_162 = tpu.vector_load %arg10[%parallel_loop3A_160, %parallel_loop3A_161] {strides = array<i32>} : memref<128x32xf32, #tpu.memory_space<vmem>>, vector<1x16xf32>,
          %parallel_loop3A_163 = vector.shape_cast %parallel_loop3A_162 : vector<1x16xf32> to vector<16xf32>
          %parallel_loop3A_164 = arith.index_cast %parallel_loop3A_117 : i32 to index
          %parallel_loop3A_165 = arith.constant 32 : index
          %parallel_loop3A_166 = tpu.vector_load %arg14[%parallel_loop3A_164, %parallel_loop3A_165] {strides = array<i32>} : memref<32x128xf32, #tpu.memory_space<vmem>>, vector<1x16xf32>,
          %parallel_loop3A_167 = vector.shape_cast %parallel_loop3A_166 : vector<1x16xf32> to vector<16xf32>
          %parallel_loop3A_168 = arith.addf %parallel_loop3A_163, %parallel_loop3A_167 : vector<16xf32>
          %parallel_loop3A_169 = arith.constant 0.000000e+00 : f32
          %parallel_loop3A_170 = vector.broadcast %parallel_loop3A_169 : f32 to vector<16xf32>
          %parallel_loop3A_171 = arith.maximumf %parallel_loop3A_168, %parallel_loop3A_170 : vector<16xf32>
          %parallel_loop3A_172 = arith.index_cast %parallel_loop3A_159 : i32 to index
          %parallel_loop3A_173 = arith.constant 0 : index
          %parallel_loop3A_174 = tpu.vector_load %arg16[%parallel_loop3A_172, %parallel_loop3A_173] {strides = array<i32>} : memref<128x32xf32, #tpu.memory_space<vmem>>, vector<1x16xf32>,
          %parallel_loop3A_175 = vector.shape_cast %parallel_loop3A_174 : vector<1x16xf32> to vector<16xf32>
          %parallel_loop3A_176 = vector.shape_cast %parallel_loop3A_171 : vector<16xf32> to vector<1x16xf32>
          tpu.vector_store %arg16[%parallel_loop3A_172, %parallel_loop3A_173], %parallel_loop3A_176 {strides = array<i32>} : memref<128x32xf32, #tpu.memory_space<vmem>>, vector<1x16xf32>,
          %parallel_loop3A_177 = arith.index_cast %parallel_loop3A_159 : i32 to index
          %parallel_loop3A_178 = arith.constant 16 : index
          %parallel_loop3A_179 = tpu.vector_load %arg10[%parallel_loop3A_177, %parallel_loop3A_178] {strides = array<i32>} : memref<128x32xf32, #tpu.memory_space<vmem>>, vector<1x16xf32>,
          %parallel_loop3A_180 = vector.shape_cast %parallel_loop3A_179 : vector<1x16xf32> to vector<16xf32>
          %parallel_loop3A_181 = arith.index_cast %parallel_loop3A_117 : i32 to index
          %parallel_loop3A_182 = arith.constant 48 : index
          %parallel_loop3A_183 = tpu.vector_load %arg14[%parallel_loop3A_181, %parallel_loop3A_182] {strides = array<i32>} : memref<32x128xf32, #tpu.memory_space<vmem>>, vector<1x16xf32>,
          %parallel_loop3A_184 = vector.shape_cast %parallel_loop3A_183 : vector<1x16xf32> to vector<16xf32>
          %parallel_loop3A_185 = arith.addf %parallel_loop3A_180, %parallel_loop3A_184 : vector<16xf32>
          %parallel_loop3A_186 = arith.constant 0.000000e+00 : f32
          %parallel_loop3A_187 = vector.broadcast %parallel_loop3A_186 : f32 to vector<16xf32>
          %parallel_loop3A_188 = arith.maximumf %parallel_loop3A_185, %parallel_loop3A_187 : vector<16xf32>
          %parallel_loop3A_189 = arith.index_cast %parallel_loop3A_159 : i32 to index
          %parallel_loop3A_190 = arith.constant 16 : index
          %parallel_loop3A_191 = tpu.vector_load %arg16[%parallel_loop3A_189, %parallel_loop3A_190] {strides = array<i32>} : memref<128x32xf32, #tpu.memory_space<vmem>>, vector<1x16xf32>,
          %parallel_loop3A_192 = vector.shape_cast %parallel_loop3A_191 : vector<1x16xf32> to vector<16xf32>
          %parallel_loop3A_193 = vector.shape_cast %parallel_loop3A_188 : vector<16xf32> to vector<1x16xf32>
          tpu.vector_store %arg16[%parallel_loop3A_189, %parallel_loop3A_190], %parallel_loop3A_193 {strides = array<i32>} : memref<128x32xf32, #tpu.memory_space<vmem>>, vector<1x16xf32>,
          %parallel_loop3A_194 = arith.constant 4 : i32
          %parallel_loop3A_195 = arith.muli %parallel_loop3A_117, %parallel_loop3A_194 : i32
          %parallel_loop3A_196 = arith.constant 2 : i32
          %parallel_loop3A_197 = arith.addi %parallel_loop3A_195, %parallel_loop3A_196 : i32
          %parallel_loop3A_198 = arith.index_cast %parallel_loop3A_197 : i32 to index
          %parallel_loop3A_199 = arith.constant 0 : index
          %parallel_loop3A_200 = tpu.vector_load %arg10[%parallel_loop3A_198, %parallel_loop3A_199] {strides = array<i32>} : memref<128x32xf32, #tpu.memory_space<vmem>>, vector<1x16xf32>,
          %parallel_loop3A_201 = vector.shape_cast %parallel_loop3A_200 : vector<1x16xf32> to vector<16xf32>
          %parallel_loop3A_202 = arith.index_cast %parallel_loop3A_117 : i32 to index
          %parallel_loop3A_203 = arith.constant 64 : index
          %parallel_loop3A_204 = tpu.vector_load %arg14[%parallel_loop3A_202, %parallel_loop3A_203] {strides = array<i32>} : memref<32x128xf32, #tpu.memory_space<vmem>>, vector<1x16xf32>,
          %parallel_loop3A_205 = vector.shape_cast %parallel_loop3A_204 : vector<1x16xf32> to vector<16xf32>
          %parallel_loop3A_206 = arith.addf %parallel_loop3A_201, %parallel_loop3A_205 : vector<16xf32>
          %parallel_loop3A_207 = arith.constant 0.000000e+00 : f32
          %parallel_loop3A_208 = vector.broadcast %parallel_loop3A_207 : f32 to vector<16xf32>
          %parallel_loop3A_209 = arith.maximumf %parallel_loop3A_206, %parallel_loop3A_208 : vector<16xf32>
          %parallel_loop3A_210 = arith.index_cast %parallel_loop3A_197 : i32 to index
          %parallel_loop3A_211 = arith.constant 0 : index
          %parallel_loop3A_212 = tpu.vector_load %arg16[%parallel_loop3A_210, %parallel_loop3A_211] {strides = array<i32>} : memref<128x32xf32, #tpu.memory_space<vmem>>, vector<1x16xf32>,
          %parallel_loop3A_213 = vector.shape_cast %parallel_loop3A_212 : vector<1x16xf32> to vector<16xf32>
          %parallel_loop3A_214 = vector.shape_cast %parallel_loop3A_209 : vector<16xf32> to vector<1x16xf32>
          tpu.vector_store %arg16[%parallel_loop3A_210, %parallel_loop3A_211], %parallel_loop3A_214 {strides = array<i32>} : memref<128x32xf32, #tpu.memory_space<vmem>>, vector<1x16xf32>,
          %parallel_loop3A_215 = arith.index_cast %parallel_loop3A_197 : i32 to index
          %parallel_loop3A_216 = arith.constant 16 : index
          %parallel_loop3A_217 = tpu.vector_load %arg10[%parallel_loop3A_215, %parallel_loop3A_216] {strides = array<i32>} : memref<128x32xf32, #tpu.memory_space<vmem>>, vector<1x16xf32>,
          %parallel_loop3A_218 = vector.shape_cast %parallel_loop3A_217 : vector<1x16xf32> to vector<16xf32>
          %parallel_loop3A_219 = arith.index_cast %parallel_loop3A_117 : i32 to index
          %parallel_loop3A_220 = arith.constant 80 : index
          %parallel_loop3A_221 = tpu.vector_load %arg14[%parallel_loop3A_219, %parallel_loop3A_220] {strides = array<i32>} : memref<32x128xf32, #tpu.memory_space<vmem>>, vector<1x16xf32>,
          %parallel_loop3A_222 = vector.shape_cast %parallel_loop3A_221 : vector<1x16xf32> to vector<16xf32>
          %parallel_loop3A_223 = arith.addf %parallel_loop3A_218, %parallel_loop3A_222 : vector<16xf32>
          %parallel_loop3A_224 = arith.constant 0.000000e+00 : f32
          %parallel_loop3A_225 = vector.broadcast %parallel_loop3A_224 : f32 to vector<16xf32>
          %parallel_loop3A_226 = arith.maximumf %parallel_loop3A_223, %parallel_loop3A_225 : vector<16xf32>
          %parallel_loop3A_227 = arith.index_cast %parallel_loop3A_197 : i32 to index
          %parallel_loop3A_228 = arith.constant 16 : index
          %parallel_loop3A_229 = tpu.vector_load %arg16[%parallel_loop3A_227, %parallel_loop3A_228] {strides = array<i32>} : memref<128x32xf32, #tpu.memory_space<vmem>>, vector<1x16xf32>,
          %parallel_loop3A_230 = vector.shape_cast %parallel_loop3A_229 : vector<1x16xf32> to vector<16xf32>
          %parallel_loop3A_231 = vector.shape_cast %parallel_loop3A_226 : vector<16xf32> to vector<1x16xf32>
          tpu.vector_store %arg16[%parallel_loop3A_227, %parallel_loop3A_228], %parallel_loop3A_231 {strides = array<i32>} : memref<128x32xf32, #tpu.memory_space<vmem>>, vector<1x16xf32>,
          %parallel_loop3A_232 = arith.constant 4 : i32
          %parallel_loop3A_233 = arith.muli %parallel_loop3A_117, %parallel_loop3A_232 : i32
          %parallel_loop3A_234 = arith.constant 3 : i32
          %parallel_loop3A_235 = arith.addi %parallel_loop3A_233, %parallel_loop3A_234 : i32
          %parallel_loop3A_236 = arith.index_cast %parallel_loop3A_235 : i32 to index
          %parallel_loop3A_237 = arith.constant 0 : index
          %parallel_loop3A_238 = tpu.vector_load %arg10[%parallel_loop3A_236, %parallel_loop3A_237] {strides = array<i32>} : memref<128x32xf32, #tpu.memory_space<vmem>>, vector<1x16xf32>,
          %parallel_loop3A_239 = vector.shape_cast %parallel_loop3A_238 : vector<1x16xf32> to vector<16xf32>
          %parallel_loop3A_240 = arith.index_cast %parallel_loop3A_117 : i32 to index
          %parallel_loop3A_241 = arith.constant 96 : index
          %parallel_loop3A_242 = tpu.vector_load %arg14[%parallel_loop3A_240, %parallel_loop3A_241] {strides = array<i32>} : memref<32x128xf32, #tpu.memory_space<vmem>>, vector<1x16xf32>,
          %parallel_loop3A_243 = vector.shape_cast %parallel_loop3A_242 : vector<1x16xf32> to vector<16xf32>
          %parallel_loop3A_244 = arith.addf %parallel_loop3A_239, %parallel_loop3A_243 : vector<16xf32>
          %parallel_loop3A_245 = arith.constant 0.000000e+00 : f32
          %parallel_loop3A_246 = vector.broadcast %parallel_loop3A_245 : f32 to vector<16xf32>
          %parallel_loop3A_247 = arith.maximumf %parallel_loop3A_244, %parallel_loop3A_246 : vector<16xf32>
          %parallel_loop3A_248 = arith.index_cast %parallel_loop3A_235 : i32 to index
          %parallel_loop3A_249 = arith.constant 0 : index
          %parallel_loop3A_250 = tpu.vector_load %arg16[%parallel_loop3A_248, %parallel_loop3A_249] {strides = array<i32>} : memref<128x32xf32, #tpu.memory_space<vmem>>, vector<1x16xf32>,
          %parallel_loop3A_251 = vector.shape_cast %parallel_loop3A_250 : vector<1x16xf32> to vector<16xf32>
          %parallel_loop3A_252 = vector.shape_cast %parallel_loop3A_247 : vector<16xf32> to vector<1x16xf32>
          tpu.vector_store %arg16[%parallel_loop3A_248, %parallel_loop3A_249], %parallel_loop3A_252 {strides = array<i32>} : memref<128x32xf32, #tpu.memory_space<vmem>>, vector<1x16xf32>,
          %parallel_loop3A_253 = arith.index_cast %parallel_loop3A_235 : i32 to index
          %parallel_loop3A_254 = arith.constant 16 : index
          %parallel_loop3A_255 = tpu.vector_load %arg10[%parallel_loop3A_253, %parallel_loop3A_254] {strides = array<i32>} : memref<128x32xf32, #tpu.memory_space<vmem>>, vector<1x16xf32>,
          %parallel_loop3A_256 = vector.shape_cast %parallel_loop3A_255 : vector<1x16xf32> to vector<16xf32>
          %parallel_loop3A_257 = arith.index_cast %parallel_loop3A_117 : i32 to index
          %parallel_loop3A_258 = arith.constant 112 : index
          %parallel_loop3A_259 = tpu.vector_load %arg14[%parallel_loop3A_257, %parallel_loop3A_258] {strides = array<i32>} : memref<32x128xf32, #tpu.memory_space<vmem>>, vector<1x16xf32>,
          %parallel_loop3A_260 = vector.shape_cast %parallel_loop3A_259 : vector<1x16xf32> to vector<16xf32>
          %parallel_loop3A_261 = arith.addf %parallel_loop3A_256, %parallel_loop3A_260 : vector<16xf32>
          %parallel_loop3A_262 = arith.constant 0.000000e+00 : f32
          %parallel_loop3A_263 = vector.broadcast %parallel_loop3A_262 : f32 to vector<16xf32>
          %parallel_loop3A_264 = arith.maximumf %parallel_loop3A_261, %parallel_loop3A_263 : vector<16xf32>
          %parallel_loop3A_265 = arith.index_cast %parallel_loop3A_235 : i32 to index
          %parallel_loop3A_266 = arith.constant 16 : index
          %parallel_loop3A_267 = tpu.vector_load %arg16[%parallel_loop3A_265, %parallel_loop3A_266] {strides = array<i32>} : memref<128x32xf32, #tpu.memory_space<vmem>>, vector<1x16xf32>,
          %parallel_loop3A_268 = vector.shape_cast %parallel_loop3A_267 : vector<1x16xf32> to vector<16xf32>
          %parallel_loop3A_269 = vector.shape_cast %parallel_loop3A_264 : vector<16xf32> to vector<1x16xf32>
          tpu.vector_store %arg16[%parallel_loop3A_265, %parallel_loop3A_266], %parallel_loop3A_269 {strides = array<i32>} : memref<128x32xf32, #tpu.memory_space<vmem>>, vector<1x16xf32>,
        } {sc.loop_unroll_factor = 8 : i64, sc.parallel_access}
        "tpu.region"() ({
          %run_scoped3A = tpu.sem_alloc : memref<!tpu.dma_semaphore, #tpu.memory_space<semaphore_mem>>
          %dma_start3A = arith.constant 0 : i32
          %dma_start3A_117 = tpu.memref_slice %arg7[%add3A_74, %dma_start3A] : memref<80x128xi32, #tpu.memory_space<vmem>> -> memref<1x128xi32, #tpu.memory_space<vmem>>
          %dma_start3A_118 = tpu.memref_squeeze %dma_start3A_117 : memref<1x128xi32, #tpu.memory_space<vmem>> -> memref<128xi32, #tpu.memory_space<vmem>>
          %dma_start3A_119 = arith.constant 0 : i32
          %dma_start3A_120 = arith.constant 0 : i32
          %dma_start3A_121 = tpu.memref_slice %arg17[%dma_start3A_119, %dma_start3A_120] : memref<10240x32xf32, #tpu.memory_space<vmem_shared>> -> memref<10240x32xf32, #tpu.memory_space<vmem_shared>>
          tpu.enqueue_indirect_dma source(%arg16 : memref<128x32xf32, #tpu.memory_space<vmem>>) target(%dma_start3A_121 : memref<10240x32xf32, #tpu.memory_space<vmem_shared>>) offsets(%dma_start3A_118 : memref<128xi32, #tpu.memory_space<vmem>>) semaphore(%run_scoped3A : memref<!tpu.dma_semaphore, #tpu.memory_space<semaphore_mem>>) {add = true}
          %dma_wait3A_122 = arith.constant 0 : i32
          %dma_wait3A_123 = tpu.memref_slice %arg7[%add3A_74, %dma_wait3A_122] : memref<80x128xi32, #tpu.memory_space<vmem>> -> memref<1x128xi32, #tpu.memory_space<vmem>>
          %dma_wait3A_124 = tpu.memref_squeeze %dma_wait3A_123 : memref<1x128xi32, #tpu.memory_space<vmem>> -> memref<128xi32, #tpu.memory_space<vmem>>
          %dma_wait3A_125 = arith.constant 0 : i32
          %dma_wait3A_126 = arith.constant 0 : i32
          %dma_wait3A_127 = tpu.memref_slice %arg17[%dma_wait3A_125, %dma_wait3A_126] : memref<10240x32xf32, #tpu.memory_space<vmem_shared>> -> memref<10240x32xf32, #tpu.memory_space<vmem_shared>>
          tpu.wait_indirect_dma semaphore(%run_scoped3A : memref<!tpu.dma_semaphore, #tpu.memory_space<semaphore_mem>>) src(%arg16 : memref<128x32xf32, #tpu.memory_space<vmem>>) dst(%dma_wait3A_127 : memref<10240x32xf32, #tpu.memory_space<vmem_shared>>)
          tpu.yield
        }) : () -> ()
      } else {
      }
      %add3A_79 = arith.constant 2 : i32
      %add3A_80 = arith.addi %mul3A_44, %add3A_79 : i32
      %add3A_81 = arith.constant 2 : i32
      %add3A_82 = arith.addi %add3A_80, %add3A_81 : i32
      %lt3A_83 = arith.cmpi slt, %add3A_82, %min3A_4 : i32
      %convert_element_type3A_84 = arith.extui %lt3A_83 : i1 to i32
      %cond3A_85 = arith.constant 0 : i32
      %cond3A_86 = arith.cmpi ne, %convert_element_type3A_84, %cond3A_85 : i32
      scf.if %cond3A_86 {
        %dma_start3A = arith.constant 0 : i32
        %dma_start3A_102 = tpu.memref_slice %arg6[%add3A_82, %dma_start3A] : memref<80x128xi32, #tpu.memory_space<vmem>> -> memref<1x128xi32, #tpu.memory_space<vmem>>
        %dma_start3A_103 = tpu.memref_squeeze %dma_start3A_102 : memref<1x128xi32, #tpu.memory_space<vmem>> -> memref<128xi32, #tpu.memory_space<vmem>>
        %dma_start3A_104 = arith.constant 0 : i32
        %dma_start3A_105 = arith.constant 0 : i32
        %dma_start3A_106 = tpu.memref_slice %arg2[%dma_start3A_104, %dma_start3A_105] : memref<10000x32xf32, #tpu.memory_space<hbm>> -> memref<10000x32xf32, #tpu.memory_space<hbm>>
        tpu.enqueue_indirect_dma source(%dma_start3A_106 : memref<10000x32xf32, #tpu.memory_space<hbm>>) target(%arg8 : memref<128x32xf32, #tpu.memory_space<vmem>>) offsets(%dma_start3A_103 : memref<128xi32, #tpu.memory_space<vmem>>) semaphore(%arg18 : memref<!tpu.dma_semaphore, #tpu.memory_space<semaphore_mem>>)
        %add3A_107 = arith.addi %mul3A_2, %add3A_82 : i32
        %mul3A_108 = arith.constant 32 : i32
        %mul3A_109 = arith.muli %add3A_107, %mul3A_108 : i32
        %dma_start3A_110 = arith.constant 0 : i32
        %dma_start3A_111 = tpu.memref_slice %arg3[%mul3A_109, %dma_start3A_110] : memref<80000x128xf32, #tpu.memory_space<hbm>> -> memref<32x128xf32, #tpu.memory_space<hbm>>
        %dma_start3A_112 = arith.constant 0 : i32
        %dma_start3A_113 = tpu.memref_slice %arg3[%mul3A_109, %dma_start3A_112] : memref<80000x128xf32, #tpu.memory_space<hbm>> -> memref<32x128xf32, #tpu.memory_space<hbm>>
        tpu.enqueue_dma source(%dma_start3A_113 : memref<32x128xf32, #tpu.memory_space<hbm>>) target(%arg12 : memref<32x128xf32, #tpu.memory_space<vmem>>) target_semaphore(%arg22 : memref<!tpu.dma_semaphore, #tpu.memory_space<semaphore_mem>>)
      } else {
      }
      %add3A_87 = arith.constant 3 : i32
      %add3A_88 = arith.addi %mul3A_44, %add3A_87 : i32
      %lt3A_89 = arith.cmpi slt, %add3A_88, %min3A_4 : i32
      %convert_element_type3A_90 = arith.extui %lt3A_89 : i1 to i32
      %cond3A_91 = arith.constant 0 : i32
      %cond3A_92 = arith.cmpi ne, %convert_element_type3A_90, %cond3A_91 : i32
      scf.if %cond3A_92 {
        %dma_wait3A = arith.constant 0 : i32
        %dma_wait3A_102 = tpu.memref_slice %arg6[%add3A_88, %dma_wait3A] : memref<80x128xi32, #tpu.memory_space<vmem>> -> memref<1x128xi32, #tpu.memory_space<vmem>>
        %dma_wait3A_103 = tpu.memref_squeeze %dma_wait3A_102 : memref<1x128xi32, #tpu.memory_space<vmem>> -> memref<128xi32, #tpu.memory_space<vmem>>
        %dma_wait3A_104 = arith.constant 0 : i32
        %dma_wait3A_105 = arith.constant 0 : i32
        %dma_wait3A_106 = tpu.memref_slice %arg2[%dma_wait3A_104, %dma_wait3A_105] : memref<10000x32xf32, #tpu.memory_space<hbm>> -> memref<10000x32xf32, #tpu.memory_space<hbm>>
        tpu.wait_indirect_dma semaphore(%arg21 : memref<!tpu.dma_semaphore, #tpu.memory_space<semaphore_mem>>) src(%dma_wait3A_106 : memref<10000x32xf32, #tpu.memory_space<hbm>>) dst(%arg11 : memref<128x32xf32, #tpu.memory_space<vmem>>)
        %add3A_107 = arith.addi %mul3A_2, %add3A_88 : i32
        %mul3A_108 = arith.constant 32 : i32
        %mul3A_109 = arith.muli %add3A_107, %mul3A_108 : i32
        %dma_wait3A_110 = arith.constant 0 : i32
        %dma_wait3A_111 = tpu.memref_slice %arg3[%mul3A_109, %dma_wait3A_110] : memref<80000x128xf32, #tpu.memory_space<hbm>> -> memref<32x128xf32, #tpu.memory_space<hbm>>
        %dma_wait3A_112 = arith.constant 0 : i32
        %dma_wait3A_113 = tpu.memref_slice %arg3[%mul3A_109, %dma_wait3A_112] : memref<80000x128xf32, #tpu.memory_space<hbm>> -> memref<32x128xf32, #tpu.memory_space<hbm>>
        tpu.wait_dma2 semaphore(%arg25 : memref<!tpu.dma_semaphore, #tpu.memory_space<semaphore_mem>>) src(%dma_wait3A_113 : memref<32x128xf32, #tpu.memory_space<hbm>>) dst(%arg15 : memref<32x128xf32, #tpu.memory_space<vmem>>)
        %parallel_loop3A_114 = arith.constant 0 : i32
        %parallel_loop3A_115 = arith.constant 32 : i32
        %parallel_loop3A_116 = arith.constant 1 : i32
        scf.for %parallel_loop3A_117 = %parallel_loop3A_114 to %parallel_loop3A_115 step %parallel_loop3A_116  : i32 {
          %parallel_loop3A_118 = arith.constant 4 : i32
          %parallel_loop3A_119 = arith.muli %parallel_loop3A_117, %parallel_loop3A_118 : i32
          %parallel_loop3A_120 = arith.constant 0 : i32
          %parallel_loop3A_121 = arith.addi %parallel_loop3A_119, %parallel_loop3A_120 : i32
          %parallel_loop3A_122 = arith.index_cast %parallel_loop3A_121 : i32 to index
          %parallel_loop3A_123 = arith.constant 0 : index
          %parallel_loop3A_124 = tpu.vector_load %arg11[%parallel_loop3A_122, %parallel_loop3A_123] {strides = array<i32>} : memref<128x32xf32, #tpu.memory_space<vmem>>, vector<1x16xf32>,
          %parallel_loop3A_125 = vector.shape_cast %parallel_loop3A_124 : vector<1x16xf32> to vector<16xf32>
          %parallel_loop3A_126 = arith.index_cast %parallel_loop3A_117 : i32 to index
          %parallel_loop3A_127 = arith.constant 0 : index
          %parallel_loop3A_128 = tpu.vector_load %arg15[%parallel_loop3A_126, %parallel_loop3A_127] {strides = array<i32>} : memref<32x128xf32, #tpu.memory_space<vmem>>, vector<1x16xf32>,
          %parallel_loop3A_129 = vector.shape_cast %parallel_loop3A_128 : vector<1x16xf32> to vector<16xf32>
          %parallel_loop3A_130 = arith.addf %parallel_loop3A_125, %parallel_loop3A_129 : vector<16xf32>
          %parallel_loop3A_131 = arith.constant 0.000000e+00 : f32
          %parallel_loop3A_132 = vector.broadcast %parallel_loop3A_131 : f32 to vector<16xf32>
          %parallel_loop3A_133 = arith.maximumf %parallel_loop3A_130, %parallel_loop3A_132 : vector<16xf32>
          %parallel_loop3A_134 = arith.index_cast %parallel_loop3A_121 : i32 to index
          %parallel_loop3A_135 = arith.constant 0 : index
          %parallel_loop3A_136 = tpu.vector_load %arg16[%parallel_loop3A_134, %parallel_loop3A_135] {strides = array<i32>} : memref<128x32xf32, #tpu.memory_space<vmem>>, vector<1x16xf32>,
          %parallel_loop3A_137 = vector.shape_cast %parallel_loop3A_136 : vector<1x16xf32> to vector<16xf32>
          %parallel_loop3A_138 = vector.shape_cast %parallel_loop3A_133 : vector<16xf32> to vector<1x16xf32>
          tpu.vector_store %arg16[%parallel_loop3A_134, %parallel_loop3A_135], %parallel_loop3A_138 {strides = array<i32>} : memref<128x32xf32, #tpu.memory_space<vmem>>, vector<1x16xf32>,
          %parallel_loop3A_139 = arith.index_cast %parallel_loop3A_121 : i32 to index
          %parallel_loop3A_140 = arith.constant 16 : index
          %parallel_loop3A_141 = tpu.vector_load %arg11[%parallel_loop3A_139, %parallel_loop3A_140] {strides = array<i32>} : memref<128x32xf32, #tpu.memory_space<vmem>>, vector<1x16xf32>,
          %parallel_loop3A_142 = vector.shape_cast %parallel_loop3A_141 : vector<1x16xf32> to vector<16xf32>
          %parallel_loop3A_143 = arith.index_cast %parallel_loop3A_117 : i32 to index
          %parallel_loop3A_144 = arith.constant 16 : index
          %parallel_loop3A_145 = tpu.vector_load %arg15[%parallel_loop3A_143, %parallel_loop3A_144] {strides = array<i32>} : memref<32x128xf32, #tpu.memory_space<vmem>>, vector<1x16xf32>,
          %parallel_loop3A_146 = vector.shape_cast %parallel_loop3A_145 : vector<1x16xf32> to vector<16xf32>
          %parallel_loop3A_147 = arith.addf %parallel_loop3A_142, %parallel_loop3A_146 : vector<16xf32>
          %parallel_loop3A_148 = arith.constant 0.000000e+00 : f32
          %parallel_loop3A_149 = vector.broadcast %parallel_loop3A_148 : f32 to vector<16xf32>
          %parallel_loop3A_150 = arith.maximumf %parallel_loop3A_147, %parallel_loop3A_149 : vector<16xf32>
          %parallel_loop3A_151 = arith.index_cast %parallel_loop3A_121 : i32 to index
          %parallel_loop3A_152 = arith.constant 16 : index
          %parallel_loop3A_153 = tpu.vector_load %arg16[%parallel_loop3A_151, %parallel_loop3A_152] {strides = array<i32>} : memref<128x32xf32, #tpu.memory_space<vmem>>, vector<1x16xf32>,
          %parallel_loop3A_154 = vector.shape_cast %parallel_loop3A_153 : vector<1x16xf32> to vector<16xf32>
          %parallel_loop3A_155 = vector.shape_cast %parallel_loop3A_150 : vector<16xf32> to vector<1x16xf32>
          tpu.vector_store %arg16[%parallel_loop3A_151, %parallel_loop3A_152], %parallel_loop3A_155 {strides = array<i32>} : memref<128x32xf32, #tpu.memory_space<vmem>>, vector<1x16xf32>,
          %parallel_loop3A_156 = arith.constant 4 : i32
          %parallel_loop3A_157 = arith.muli %parallel_loop3A_117, %parallel_loop3A_156 : i32
          %parallel_loop3A_158 = arith.constant 1 : i32
          %parallel_loop3A_159 = arith.addi %parallel_loop3A_157, %parallel_loop3A_158 : i32
          %parallel_loop3A_160 = arith.index_cast %parallel_loop3A_159 : i32 to index
          %parallel_loop3A_161 = arith.constant 0 : index
          %parallel_loop3A_162 = tpu.vector_load %arg11[%parallel_loop3A_160, %parallel_loop3A_161] {strides = array<i32>} : memref<128x32xf32, #tpu.memory_space<vmem>>, vector<1x16xf32>,
          %parallel_loop3A_163 = vector.shape_cast %parallel_loop3A_162 : vector<1x16xf32> to vector<16xf32>
          %parallel_loop3A_164 = arith.index_cast %parallel_loop3A_117 : i32 to index
          %parallel_loop3A_165 = arith.constant 32 : index
          %parallel_loop3A_166 = tpu.vector_load %arg15[%parallel_loop3A_164, %parallel_loop3A_165] {strides = array<i32>} : memref<32x128xf32, #tpu.memory_space<vmem>>, vector<1x16xf32>,
          %parallel_loop3A_167 = vector.shape_cast %parallel_loop3A_166 : vector<1x16xf32> to vector<16xf32>
          %parallel_loop3A_168 = arith.addf %parallel_loop3A_163, %parallel_loop3A_167 : vector<16xf32>
          %parallel_loop3A_169 = arith.constant 0.000000e+00 : f32
          %parallel_loop3A_170 = vector.broadcast %parallel_loop3A_169 : f32 to vector<16xf32>
          %parallel_loop3A_171 = arith.maximumf %parallel_loop3A_168, %parallel_loop3A_170 : vector<16xf32>
          %parallel_loop3A_172 = arith.index_cast %parallel_loop3A_159 : i32 to index
          %parallel_loop3A_173 = arith.constant 0 : index
          %parallel_loop3A_174 = tpu.vector_load %arg16[%parallel_loop3A_172, %parallel_loop3A_173] {strides = array<i32>} : memref<128x32xf32, #tpu.memory_space<vmem>>, vector<1x16xf32>,
          %parallel_loop3A_175 = vector.shape_cast %parallel_loop3A_174 : vector<1x16xf32> to vector<16xf32>
          %parallel_loop3A_176 = vector.shape_cast %parallel_loop3A_171 : vector<16xf32> to vector<1x16xf32>
          tpu.vector_store %arg16[%parallel_loop3A_172, %parallel_loop3A_173], %parallel_loop3A_176 {strides = array<i32>} : memref<128x32xf32, #tpu.memory_space<vmem>>, vector<1x16xf32>,
          %parallel_loop3A_177 = arith.index_cast %parallel_loop3A_159 : i32 to index
          %parallel_loop3A_178 = arith.constant 16 : index
          %parallel_loop3A_179 = tpu.vector_load %arg11[%parallel_loop3A_177, %parallel_loop3A_178] {strides = array<i32>} : memref<128x32xf32, #tpu.memory_space<vmem>>, vector<1x16xf32>,
          %parallel_loop3A_180 = vector.shape_cast %parallel_loop3A_179 : vector<1x16xf32> to vector<16xf32>
          %parallel_loop3A_181 = arith.index_cast %parallel_loop3A_117 : i32 to index
          %parallel_loop3A_182 = arith.constant 48 : index
          %parallel_loop3A_183 = tpu.vector_load %arg15[%parallel_loop3A_181, %parallel_loop3A_182] {strides = array<i32>} : memref<32x128xf32, #tpu.memory_space<vmem>>, vector<1x16xf32>,
          %parallel_loop3A_184 = vector.shape_cast %parallel_loop3A_183 : vector<1x16xf32> to vector<16xf32>
          %parallel_loop3A_185 = arith.addf %parallel_loop3A_180, %parallel_loop3A_184 : vector<16xf32>
          %parallel_loop3A_186 = arith.constant 0.000000e+00 : f32
          %parallel_loop3A_187 = vector.broadcast %parallel_loop3A_186 : f32 to vector<16xf32>
          %parallel_loop3A_188 = arith.maximumf %parallel_loop3A_185, %parallel_loop3A_187 : vector<16xf32>
          %parallel_loop3A_189 = arith.index_cast %parallel_loop3A_159 : i32 to index
          %parallel_loop3A_190 = arith.constant 16 : index
          %parallel_loop3A_191 = tpu.vector_load %arg16[%parallel_loop3A_189, %parallel_loop3A_190] {strides = array<i32>} : memref<128x32xf32, #tpu.memory_space<vmem>>, vector<1x16xf32>,
          %parallel_loop3A_192 = vector.shape_cast %parallel_loop3A_191 : vector<1x16xf32> to vector<16xf32>
          %parallel_loop3A_193 = vector.shape_cast %parallel_loop3A_188 : vector<16xf32> to vector<1x16xf32>
          tpu.vector_store %arg16[%parallel_loop3A_189, %parallel_loop3A_190], %parallel_loop3A_193 {strides = array<i32>} : memref<128x32xf32, #tpu.memory_space<vmem>>, vector<1x16xf32>,
          %parallel_loop3A_194 = arith.constant 4 : i32
          %parallel_loop3A_195 = arith.muli %parallel_loop3A_117, %parallel_loop3A_194 : i32
          %parallel_loop3A_196 = arith.constant 2 : i32
          %parallel_loop3A_197 = arith.addi %parallel_loop3A_195, %parallel_loop3A_196 : i32
          %parallel_loop3A_198 = arith.index_cast %parallel_loop3A_197 : i32 to index
          %parallel_loop3A_199 = arith.constant 0 : index
          %parallel_loop3A_200 = tpu.vector_load %arg11[%parallel_loop3A_198, %parallel_loop3A_199] {strides = array<i32>} : memref<128x32xf32, #tpu.memory_space<vmem>>, vector<1x16xf32>,
          %parallel_loop3A_201 = vector.shape_cast %parallel_loop3A_200 : vector<1x16xf32> to vector<16xf32>
          %parallel_loop3A_202 = arith.index_cast %parallel_loop3A_117 : i32 to index
          %parallel_loop3A_203 = arith.constant 64 : index
          %parallel_loop3A_204 = tpu.vector_load %arg15[%parallel_loop3A_202, %parallel_loop3A_203] {strides = array<i32>} : memref<32x128xf32, #tpu.memory_space<vmem>>, vector<1x16xf32>,
          %parallel_loop3A_205 = vector.shape_cast %parallel_loop3A_204 : vector<1x16xf32> to vector<16xf32>
          %parallel_loop3A_206 = arith.addf %parallel_loop3A_201, %parallel_loop3A_205 : vector<16xf32>
          %parallel_loop3A_207 = arith.constant 0.000000e+00 : f32
          %parallel_loop3A_208 = vector.broadcast %parallel_loop3A_207 : f32 to vector<16xf32>
          %parallel_loop3A_209 = arith.maximumf %parallel_loop3A_206, %parallel_loop3A_208 : vector<16xf32>
          %parallel_loop3A_210 = arith.index_cast %parallel_loop3A_197 : i32 to index
          %parallel_loop3A_211 = arith.constant 0 : index
          %parallel_loop3A_212 = tpu.vector_load %arg16[%parallel_loop3A_210, %parallel_loop3A_211] {strides = array<i32>} : memref<128x32xf32, #tpu.memory_space<vmem>>, vector<1x16xf32>,
          %parallel_loop3A_213 = vector.shape_cast %parallel_loop3A_212 : vector<1x16xf32> to vector<16xf32>
          %parallel_loop3A_214 = vector.shape_cast %parallel_loop3A_209 : vector<16xf32> to vector<1x16xf32>
          tpu.vector_store %arg16[%parallel_loop3A_210, %parallel_loop3A_211], %parallel_loop3A_214 {strides = array<i32>} : memref<128x32xf32, #tpu.memory_space<vmem>>, vector<1x16xf32>,
          %parallel_loop3A_215 = arith.index_cast %parallel_loop3A_197 : i32 to index
          %parallel_loop3A_216 = arith.constant 16 : index
          %parallel_loop3A_217 = tpu.vector_load %arg11[%parallel_loop3A_215, %parallel_loop3A_216] {strides = array<i32>} : memref<128x32xf32, #tpu.memory_space<vmem>>, vector<1x16xf32>,
          %parallel_loop3A_218 = vector.shape_cast %parallel_loop3A_217 : vector<1x16xf32> to vector<16xf32>
          %parallel_loop3A_219 = arith.index_cast %parallel_loop3A_117 : i32 to index
          %parallel_loop3A_220 = arith.constant 80 : index
          %parallel_loop3A_221 = tpu.vector_load %arg15[%parallel_loop3A_219, %parallel_loop3A_220] {strides = array<i32>} : memref<32x128xf32, #tpu.memory_space<vmem>>, vector<1x16xf32>,
          %parallel_loop3A_222 = vector.shape_cast %parallel_loop3A_221 : vector<1x16xf32> to vector<16xf32>
          %parallel_loop3A_223 = arith.addf %parallel_loop3A_218, %parallel_loop3A_222 : vector<16xf32>
          %parallel_loop3A_224 = arith.constant 0.000000e+00 : f32
          %parallel_loop3A_225 = vector.broadcast %parallel_loop3A_224 : f32 to vector<16xf32>
          %parallel_loop3A_226 = arith.maximumf %parallel_loop3A_223, %parallel_loop3A_225 : vector<16xf32>
          %parallel_loop3A_227 = arith.index_cast %parallel_loop3A_197 : i32 to index
          %parallel_loop3A_228 = arith.constant 16 : index
          %parallel_loop3A_229 = tpu.vector_load %arg16[%parallel_loop3A_227, %parallel_loop3A_228] {strides = array<i32>} : memref<128x32xf32, #tpu.memory_space<vmem>>, vector<1x16xf32>,
          %parallel_loop3A_230 = vector.shape_cast %parallel_loop3A_229 : vector<1x16xf32> to vector<16xf32>
          %parallel_loop3A_231 = vector.shape_cast %parallel_loop3A_226 : vector<16xf32> to vector<1x16xf32>
          tpu.vector_store %arg16[%parallel_loop3A_227, %parallel_loop3A_228], %parallel_loop3A_231 {strides = array<i32>} : memref<128x32xf32, #tpu.memory_space<vmem>>, vector<1x16xf32>,
          %parallel_loop3A_232 = arith.constant 4 : i32
          %parallel_loop3A_233 = arith.muli %parallel_loop3A_117, %parallel_loop3A_232 : i32
          %parallel_loop3A_234 = arith.constant 3 : i32
          %parallel_loop3A_235 = arith.addi %parallel_loop3A_233, %parallel_loop3A_234 : i32
          %parallel_loop3A_236 = arith.index_cast %parallel_loop3A_235 : i32 to index
          %parallel_loop3A_237 = arith.constant 0 : index
          %parallel_loop3A_238 = tpu.vector_load %arg11[%parallel_loop3A_236, %parallel_loop3A_237] {strides = array<i32>} : memref<128x32xf32, #tpu.memory_space<vmem>>, vector<1x16xf32>,
          %parallel_loop3A_239 = vector.shape_cast %parallel_loop3A_238 : vector<1x16xf32> to vector<16xf32>
          %parallel_loop3A_240 = arith.index_cast %parallel_loop3A_117 : i32 to index
          %parallel_loop3A_241 = arith.constant 96 : index
          %parallel_loop3A_242 = tpu.vector_load %arg15[%parallel_loop3A_240, %parallel_loop3A_241] {strides = array<i32>} : memref<32x128xf32, #tpu.memory_space<vmem>>, vector<1x16xf32>,
          %parallel_loop3A_243 = vector.shape_cast %parallel_loop3A_242 : vector<1x16xf32> to vector<16xf32>
          %parallel_loop3A_244 = arith.addf %parallel_loop3A_239, %parallel_loop3A_243 : vector<16xf32>
          %parallel_loop3A_245 = arith.constant 0.000000e+00 : f32
          %parallel_loop3A_246 = vector.broadcast %parallel_loop3A_245 : f32 to vector<16xf32>
          %parallel_loop3A_247 = arith.maximumf %parallel_loop3A_244, %parallel_loop3A_246 : vector<16xf32>
          %parallel_loop3A_248 = arith.index_cast %parallel_loop3A_235 : i32 to index
          %parallel_loop3A_249 = arith.constant 0 : index
          %parallel_loop3A_250 = tpu.vector_load %arg16[%parallel_loop3A_248, %parallel_loop3A_249] {strides = array<i32>} : memref<128x32xf32, #tpu.memory_space<vmem>>, vector<1x16xf32>,
          %parallel_loop3A_251 = vector.shape_cast %parallel_loop3A_250 : vector<1x16xf32> to vector<16xf32>
          %parallel_loop3A_252 = vector.shape_cast %parallel_loop3A_247 : vector<16xf32> to vector<1x16xf32>
          tpu.vector_store %arg16[%parallel_loop3A_248, %parallel_loop3A_249], %parallel_loop3A_252 {strides = array<i32>} : memref<128x32xf32, #tpu.memory_space<vmem>>, vector<1x16xf32>,
          %parallel_loop3A_253 = arith.index_cast %parallel_loop3A_235 : i32 to index
          %parallel_loop3A_254 = arith.constant 16 : index
          %parallel_loop3A_255 = tpu.vector_load %arg11[%parallel_loop3A_253, %parallel_loop3A_254] {strides = array<i32>} : memref<128x32xf32, #tpu.memory_space<vmem>>, vector<1x16xf32>,
          %parallel_loop3A_256 = vector.shape_cast %parallel_loop3A_255 : vector<1x16xf32> to vector<16xf32>
          %parallel_loop3A_257 = arith.index_cast %parallel_loop3A_117 : i32 to index
          %parallel_loop3A_258 = arith.constant 112 : index
          %parallel_loop3A_259 = tpu.vector_load %arg15[%parallel_loop3A_257, %parallel_loop3A_258] {strides = array<i32>} : memref<32x128xf32, #tpu.memory_space<vmem>>, vector<1x16xf32>,
          %parallel_loop3A_260 = vector.shape_cast %parallel_loop3A_259 : vector<1x16xf32> to vector<16xf32>
          %parallel_loop3A_261 = arith.addf %parallel_loop3A_256, %parallel_loop3A_260 : vector<16xf32>
          %parallel_loop3A_262 = arith.constant 0.000000e+00 : f32
          %parallel_loop3A_263 = vector.broadcast %parallel_loop3A_262 : f32 to vector<16xf32>
          %parallel_loop3A_264 = arith.maximumf %parallel_loop3A_261, %parallel_loop3A_263 : vector<16xf32>
          %parallel_loop3A_265 = arith.index_cast %parallel_loop3A_235 : i32 to index
          %parallel_loop3A_266 = arith.constant 16 : index
          %parallel_loop3A_267 = tpu.vector_load %arg16[%parallel_loop3A_265, %parallel_loop3A_266] {strides = array<i32>} : memref<128x32xf32, #tpu.memory_space<vmem>>, vector<1x16xf32>,
          %parallel_loop3A_268 = vector.shape_cast %parallel_loop3A_267 : vector<1x16xf32> to vector<16xf32>
          %parallel_loop3A_269 = vector.shape_cast %parallel_loop3A_264 : vector<16xf32> to vector<1x16xf32>
          tpu.vector_store %arg16[%parallel_loop3A_265, %parallel_loop3A_266], %parallel_loop3A_269 {strides = array<i32>} : memref<128x32xf32, #tpu.memory_space<vmem>>, vector<1x16xf32>,
        } {sc.loop_unroll_factor = 8 : i64, sc.parallel_access}
        "tpu.region"() ({
          %run_scoped3A = tpu.sem_alloc : memref<!tpu.dma_semaphore, #tpu.memory_space<semaphore_mem>>
          %dma_start3A = arith.constant 0 : i32
          %dma_start3A_117 = tpu.memref_slice %arg7[%add3A_88, %dma_start3A] : memref<80x128xi32, #tpu.memory_space<vmem>> -> memref<1x128xi32, #tpu.memory_space<vmem>>
          %dma_start3A_118 = tpu.memref_squeeze %dma_start3A_117 : memref<1x128xi32, #tpu.memory_space<vmem>> -> memref<128xi32, #tpu.memory_space<vmem>>
          %dma_start3A_119 = arith.constant 0 : i32
          %dma_start3A_120 = arith.constant 0 : i32
          %dma_start3A_121 = tpu.memref_slice %arg17[%dma_start3A_119, %dma_start3A_120] : memref<10240x32xf32, #tpu.memory_space<vmem_shared>> -> memref<10240x32xf32, #tpu.memory_space<vmem_shared>>
          tpu.enqueue_indirect_dma source(%arg16 : memref<128x32xf32, #tpu.memory_space<vmem>>) target(%dma_start3A_121 : memref<10240x32xf32, #tpu.memory_space<vmem_shared>>) offsets(%dma_start3A_118 : memref<128xi32, #tpu.memory_space<vmem>>) semaphore(%run_scoped3A : memref<!tpu.dma_semaphore, #tpu.memory_space<semaphore_mem>>) {add = true}
          %dma_wait3A_122 = arith.constant 0 : i32
          %dma_wait3A_123 = tpu.memref_slice %arg7[%add3A_88, %dma_wait3A_122] : memref<80x128xi32, #tpu.memory_space<vmem>> -> memref<1x128xi32, #tpu.memory_space<vmem>>
          %dma_wait3A_124 = tpu.memref_squeeze %dma_wait3A_123 : memref<1x128xi32, #tpu.memory_space<vmem>> -> memref<128xi32, #tpu.memory_space<vmem>>
          %dma_wait3A_125 = arith.constant 0 : i32
          %dma_wait3A_126 = arith.constant 0 : i32
          %dma_wait3A_127 = tpu.memref_slice %arg17[%dma_wait3A_125, %dma_wait3A_126] : memref<10240x32xf32, #tpu.memory_space<vmem_shared>> -> memref<10240x32xf32, #tpu.memory_space<vmem_shared>>
          tpu.wait_indirect_dma semaphore(%run_scoped3A : memref<!tpu.dma_semaphore, #tpu.memory_space<semaphore_mem>>) src(%arg16 : memref<128x32xf32, #tpu.memory_space<vmem>>) dst(%dma_wait3A_127 : memref<10240x32xf32, #tpu.memory_space<vmem_shared>>)
          tpu.yield
        }) : () -> ()
      } else {
      }
      %add3A_93 = arith.constant 3 : i32
      %add3A_94 = arith.addi %mul3A_44, %add3A_93 : i32
      %add3A_95 = arith.constant 2 : i32
      %add3A_96 = arith.addi %add3A_94, %add3A_95 : i32
      %lt3A_97 = arith.cmpi slt, %add3A_96, %min3A_4 : i32
      %convert_element_type3A_98 = arith.extui %lt3A_97 : i1 to i32
      %cond3A_99 = arith.constant 0 : i32
      %cond3A_100 = arith.cmpi ne, %convert_element_type3A_98, %cond3A_99 : i32
      scf.if %cond3A_100 {
        %dma_start3A = arith.constant 0 : i32
        %dma_start3A_102 = tpu.memref_slice %arg6[%add3A_96, %dma_start3A] : memref<80x128xi32, #tpu.memory_space<vmem>> -> memref<1x128xi32, #tpu.memory_space<vmem>>
        %dma_start3A_103 = tpu.memref_squeeze %dma_start3A_102 : memref<1x128xi32, #tpu.memory_space<vmem>> -> memref<128xi32, #tpu.memory_space<vmem>>
        %dma_start3A_104 = arith.constant 0 : i32
        %dma_start3A_105 = arith.constant 0 : i32
        %dma_start3A_106 = tpu.memref_slice %arg2[%dma_start3A_104, %dma_start3A_105] : memref<10000x32xf32, #tpu.memory_space<hbm>> -> memref<10000x32xf32, #tpu.memory_space<hbm>>
        tpu.enqueue_indirect_dma source(%dma_start3A_106 : memref<10000x32xf32, #tpu.memory_space<hbm>>) target(%arg9 : memref<128x32xf32, #tpu.memory_space<vmem>>) offsets(%dma_start3A_103 : memref<128xi32, #tpu.memory_space<vmem>>) semaphore(%arg19 : memref<!tpu.dma_semaphore, #tpu.memory_space<semaphore_mem>>)
        %add3A_107 = arith.addi %mul3A_2, %add3A_96 : i32
        %mul3A_108 = arith.constant 32 : i32
        %mul3A_109 = arith.muli %add3A_107, %mul3A_108 : i32
        %dma_start3A_110 = arith.constant 0 : i32
        %dma_start3A_111 = tpu.memref_slice %arg3[%mul3A_109, %dma_start3A_110] : memref<80000x128xf32, #tpu.memory_space<hbm>> -> memref<32x128xf32, #tpu.memory_space<hbm>>
        %dma_start3A_112 = arith.constant 0 : i32
        %dma_start3A_113 = tpu.memref_slice %arg3[%mul3A_109, %dma_start3A_112] : memref<80000x128xf32, #tpu.memory_space<hbm>> -> memref<32x128xf32, #tpu.memory_space<hbm>>
        tpu.enqueue_dma source(%dma_start3A_113 : memref<32x128xf32, #tpu.memory_space<hbm>>) target(%arg13 : memref<32x128xf32, #tpu.memory_space<vmem>>) target_semaphore(%arg23 : memref<!tpu.dma_semaphore, #tpu.memory_space<semaphore_mem>>)
      } else {
      }
      %scan3A_101 = arith.constant 0 : i32
      scf.yield %scan3A_101 : i32
    }
    %scan3A_39 = arith.constant 20 : i32
    %barrier3A_40 = arith.constant 0 : index
    tpu.barrier barrier_id(%barrier3A_40)
    "tpu.region"() ({
      %run_scoped3A = tpu.sem_alloc : memref<!tpu.dma_semaphore, #tpu.memory_space<semaphore_mem>>
      %dma_start3A = arith.constant 0 : i32
      %dma_start3A_41 = tpu.memref_slice %arg5[%arg0, %mul3A_14, %dma_start3A] : memref<2x10240x32xf32, #tpu.memory_space<hbm>> -> memref<1x640x32xf32, #tpu.memory_space<hbm>>
      %dma_start3A_42 = tpu.memref_squeeze %dma_start3A_41 : memref<1x640x32xf32, #tpu.memory_space<hbm>> -> memref<640x32xf32, #tpu.memory_space<hbm>>
      %dma_start3A_43 = arith.constant 0 : i32
      %dma_start3A_44 = tpu.memref_slice %arg17[%mul3A_14, %dma_start3A_43] : memref<10240x32xf32, #tpu.memory_space<vmem_shared>> -> memref<640x32xf32, #tpu.memory_space<vmem_shared>>
      tpu.enqueue_dma source(%dma_start3A_44 : memref<640x32xf32, #tpu.memory_space<vmem_shared>>) target(%dma_start3A_42 : memref<640x32xf32, #tpu.memory_space<hbm>>) target_semaphore(%run_scoped3A : memref<!tpu.dma_semaphore, #tpu.memory_space<semaphore_mem>>)
      %dma_wait3A = arith.constant 0 : i32
      %dma_wait3A_45 = tpu.memref_slice %arg5[%arg0, %mul3A_14, %dma_wait3A] : memref<2x10240x32xf32, #tpu.memory_space<hbm>> -> memref<1x640x32xf32, #tpu.memory_space<hbm>>
      %dma_wait3A_46 = tpu.memref_squeeze %dma_wait3A_45 : memref<1x640x32xf32, #tpu.memory_space<hbm>> -> memref<640x32xf32, #tpu.memory_space<hbm>>
      %dma_wait3A_47 = arith.constant 0 : i32
      %dma_wait3A_48 = tpu.memref_slice %arg17[%mul3A_14, %dma_wait3A_47] : memref<10240x32xf32, #tpu.memory_space<vmem_shared>> -> memref<640x32xf32, #tpu.memory_space<vmem_shared>>
      tpu.wait_dma2 semaphore(%run_scoped3A : memref<!tpu.dma_semaphore, #tpu.memory_space<semaphore_mem>>) src(%dma_wait3A_48 : memref<640x32xf32, #tpu.memory_space<vmem_shared>>) dst(%dma_wait3A_46 : memref<640x32xf32, #tpu.memory_space<hbm>>)
      tpu.yield
    }) : () -> ()
    return
  }
}

module attributes {stable_mosaic.version = 14 : i64} {
  func.func @_node_mm_body(%arg0: i32, %arg1: memref<1000x128xf32, #tpu.memory_space<vmem>>, %arg2: memref<128x32xf32, #tpu.memory_space<vmem>>, %arg3: memref<1000x32xf32, #tpu.memory_space<vmem>>) attributes {dimension_semantics = [#tpu.dimension_semantics<arbitrary>], iteration_bounds = array<i64: 10>, scalar_prefetch = 0 : i64, scratch_operands = 0 : i64, tpu.core_type = #tpu.core_type<tc>, window_params = [{transform_indices = @transform_0, window_bounds = array<i64: 1000, 128>}, {pipeline_mode = #tpu.pipeline_mode<synchronous>, transform_indices = @transform_1, window_bounds = array<i64: 128, 32>}, {transform_indices = @transform_2, window_bounds = array<i64: 1000, 32>}]} {
    %get3A = arith.constant 0 : index
    %get3A_0 = arith.constant 0 : index
    %get3A_1 = vector.load %arg1[%get3A, %get3A_0] : memref<1000x128xf32, #tpu.memory_space<vmem>>, vector<1000x128xf32>
    %get3A_2 = arith.constant 0 : index
    %get3A_3 = arith.constant 0 : index
    %get3A_4 = vector.load %arg2[%get3A_2, %get3A_3] : memref<128x32xf32, #tpu.memory_space<vmem>>, vector<128x32xf32>
    %dot_general3A = arith.constant dense<0.000000e+00> : vector<1000x32xf32>
    %dot_general3A_5 = tpu.matmul %get3A_1, %get3A_4, %dot_general3A {dimension_numbers = #tpu.dot_dimension_numbers<[1], [0], [0], [1], [0, 0, 1, 1], [], []>, transpose_lhs_hint = false} : vector<1000x128xf32>, vector<128x32xf32>, vector<1000x32xf32> -> vector<1000x32xf32>
    %swap3A = arith.constant 0 : index
    %swap3A_6 = arith.constant 0 : index
    %swap3A_7 = vector.load %arg3[%swap3A, %swap3A_6] : memref<1000x32xf32, #tpu.memory_space<vmem>>, vector<1000x32xf32>
    tpu.vector_store %arg3[%swap3A, %swap3A_6], %dot_general3A_5 {strides = array<i32>} : memref<1000x32xf32, #tpu.memory_space<vmem>>, vector<1000x32xf32>,
    return
  }
  func.func @transform_0(%arg0: i32) -> (i32, i32) {
    %c0_i32 = arith.constant 0 : i32
    %c0_i32_0 = arith.constant 0 : i32
    return %arg0, %c0_i32 : i32, i32
  }
  func.func @transform_1(%arg0: i32) -> (i32, i32) {
    %c0_i32 = arith.constant 0 : i32
    %c0_i32_0 = arith.constant 0 : i32
    %c0_i32_1 = arith.constant 0 : i32
    return %c0_i32, %c0_i32_0 : i32, i32
  }
  func.func @transform_2(%arg0: i32) -> (i32, i32) {
    %c0_i32 = arith.constant 0 : i32
    %c0_i32_0 = arith.constant 0 : i32
    return %arg0, %c0_i32 : i32, i32
  }
}

module attributes {stable_mosaic.version = 14 : i64} {
  func.func @_edge_mm_body(%arg0: i32, %arg1: memref<2000x128xf32, #tpu.memory_space<vmem>>, %arg2: memref<128x256xf32, #tpu.memory_space<vmem>>, %arg3: memref<1x256xf32, #tpu.memory_space<vmem>>, %arg4: memref<4000x128xf32, #tpu.memory_space<vmem>>) attributes {dimension_semantics = [#tpu.dimension_semantics<arbitrary>], iteration_bounds = array<i64: 20>, scalar_prefetch = 0 : i64, scratch_operands = 0 : i64, tpu.core_type = #tpu.core_type<tc>, window_params = [{transform_indices = @transform_0, window_bounds = array<i64: 2000, 128>}, {pipeline_mode = #tpu.pipeline_mode<synchronous>, transform_indices = @transform_1, window_bounds = array<i64: 128, 256>}, {pipeline_mode = #tpu.pipeline_mode<synchronous>, transform_indices = @transform_2, window_bounds = array<i64: 1, 256>}, {transform_indices = @transform_3, window_bounds = array<i64: 4000, 128>}]} {
    %get3A = arith.constant 0 : index
    %get3A_0 = arith.constant 0 : index
    %get3A_1 = vector.load %arg1[%get3A, %get3A_0] : memref<2000x128xf32, #tpu.memory_space<vmem>>, vector<2000x128xf32>
    %get3A_2 = arith.constant 0 : index
    %get3A_3 = arith.constant 0 : index
    %get3A_4 = vector.load %arg2[%get3A_2, %get3A_3] : memref<128x256xf32, #tpu.memory_space<vmem>>, vector<128x256xf32>
    %dot_general3A = arith.constant dense<0.000000e+00> : vector<2000x256xf32>
    %dot_general3A_5 = tpu.matmul %get3A_1, %get3A_4, %dot_general3A {dimension_numbers = #tpu.dot_dimension_numbers<[1], [0], [0], [1], [0, 0, 1, 1], [], []>, transpose_lhs_hint = false} : vector<2000x128xf32>, vector<128x256xf32>, vector<2000x256xf32> -> vector<2000x256xf32>
    %get3A_6 = arith.constant 0 : index
    %get3A_7 = arith.constant 0 : index
    %get3A_8 = vector.load %arg3[%get3A_6, %get3A_7] : memref<1x256xf32, #tpu.memory_space<vmem>>, vector<1x256xf32>
    %add3A = vector.broadcast %get3A_8 : vector<1x256xf32> to vector<2000x256xf32>
    %add3A_9 = arith.addf %dot_general3A_5, %add3A : vector<2000x256xf32>
    %reshape3A = vector.shape_cast %add3A_9 : vector<2000x256xf32> to vector<4000x128xf32>
    %swap3A = arith.constant 0 : index
    %swap3A_10 = arith.constant 0 : index
    %swap3A_11 = vector.load %arg4[%swap3A, %swap3A_10] : memref<4000x128xf32, #tpu.memory_space<vmem>>, vector<4000x128xf32>
    tpu.vector_store %arg4[%swap3A, %swap3A_10], %reshape3A {strides = array<i32>} : memref<4000x128xf32, #tpu.memory_space<vmem>>, vector<4000x128xf32>,
    return
  }
  func.func @transform_0(%arg0: i32) -> (i32, i32) {
    %c0_i32 = arith.constant 0 : i32
    %c0_i32_0 = arith.constant 0 : i32
    return %arg0, %c0_i32 : i32, i32
  }
  func.func @transform_1(%arg0: i32) -> (i32, i32) {
    %c0_i32 = arith.constant 0 : i32
    %c0_i32_0 = arith.constant 0 : i32
    %c0_i32_1 = arith.constant 0 : i32
    return %c0_i32, %c0_i32_0 : i32, i32
  }
  func.func @transform_2(%arg0: i32) -> (i32, i32) {
    %c0_i32 = arith.constant 0 : i32
    %c0_i32_0 = arith.constant 0 : i32
    %c0_i32_1 = arith.constant 0 : i32
    return %c0_i32, %c0_i32_0 : i32, i32
  }
  func.func @transform_3(%arg0: i32) -> (i32, i32) {
    %c0_i32 = arith.constant 0 : i32
    %c0_i32_0 = arith.constant 0 : i32
    return %arg0, %c0_i32 : i32, i32
  }
}

module attributes {stable_mosaic.version = 14 : i64} {
  func.func @_tail_body(%arg0: i32, %arg1: memref<2x1024x32xf32, #tpu.memory_space<vmem>>, %arg2: memref<1x1x1024xi32, #tpu.memory_space<vmem>>, %arg3: memref<32x32xf32, #tpu.memory_space<vmem>>, %arg4: memref<1x32xf32, #tpu.memory_space<vmem>>, %arg5: memref<32x32xf32, #tpu.memory_space<vmem>>, %arg6: memref<1x32xf32, #tpu.memory_space<vmem>>, %arg7: memref<32x128xf32, #tpu.memory_space<vmem>>, %arg8: memref<1x128xf32, #tpu.memory_space<vmem>>, %arg9: memref<64x128xf32, #tpu.memory_space<vmem>>, %arg10: memref<64x32xf32, #tpu.memory_space<vmem>>) attributes {dimension_semantics = [#tpu.dimension_semantics<arbitrary>], iteration_bounds = array<i64: 10>, scalar_prefetch = 0 : i64, scratch_operands = 1 : i64, tpu.core_type = #tpu.core_type<tc>, window_params = [{transform_indices = @transform_0, window_bounds = array<i64: 2, 1024, 32>}, {transform_indices = @transform_1, window_bounds = array<i64: 1, 1, 1024>}, {pipeline_mode = #tpu.pipeline_mode<synchronous>, transform_indices = @transform_2, window_bounds = array<i64: 32, 32>}, {pipeline_mode = #tpu.pipeline_mode<synchronous>, transform_indices = @transform_3, window_bounds = array<i64: 1, 32>}, {pipeline_mode = #tpu.pipeline_mode<synchronous>, transform_indices = @transform_4, window_bounds = array<i64: 32, 32>}, {pipeline_mode = #tpu.pipeline_mode<synchronous>, transform_indices = @transform_5, window_bounds = array<i64: 1, 32>}, {pipeline_mode = #tpu.pipeline_mode<synchronous>, transform_indices = @transform_6, window_bounds = array<i64: 32, 128>}, {pipeline_mode = #tpu.pipeline_mode<synchronous>, transform_indices = @transform_7, window_bounds = array<i64: 1, 128>}, {pipeline_mode = #tpu.pipeline_mode<synchronous>, transform_indices = @transform_8, window_bounds = array<i64: 64, 128>}]} {
    %get3A = arith.constant 0 : index
    %get3A_0 = arith.constant 0 : index
    %get3A_1 = arith.constant 0 : index
    %get3A_2 = vector.load %arg1[%get3A, %get3A_0, %get3A_1] : memref<2x1024x32xf32, #tpu.memory_space<vmem>>, vector<1x1024x32xf32>
    %get3A_3 = vector.shape_cast %get3A_2 : vector<1x1024x32xf32> to vector<1024x32xf32>
    %get3A_4 = arith.constant 1 : index
    %get3A_5 = arith.constant 0 : index
    %get3A_6 = arith.constant 0 : index
    %get3A_7 = vector.load %arg1[%get3A_4, %get3A_5, %get3A_6] : memref<2x1024x32xf32, #tpu.memory_space<vmem>>, vector<1x1024x32xf32>
    %get3A_8 = vector.shape_cast %get3A_7 : vector<1x1024x32xf32> to vector<1024x32xf32>
    %add3A = arith.addf %get3A_3, %get3A_8 : vector<1024x32xf32>
    %get3A_9 = arith.constant 0 : index
    %get3A_10 = arith.constant 0 : index
    %get3A_11 = vector.load %arg3[%get3A_9, %get3A_10] : memref<32x32xf32, #tpu.memory_space<vmem>>, vector<32x32xf32>
    %dot_general3A = arith.constant dense<0.000000e+00> : vector<1024x32xf32>
    %dot_general3A_12 = tpu.matmul %add3A, %get3A_11, %dot_general3A {dimension_numbers = #tpu.dot_dimension_numbers<[1], [0], [0], [1], [0, 0, 1, 1], [], []>, transpose_lhs_hint = false} : vector<1024x32xf32>, vector<32x32xf32>, vector<1024x32xf32> -> vector<1024x32xf32>
    %get3A_13 = arith.constant 0 : index
    %get3A_14 = arith.constant 0 : index
    %get3A_15 = vector.load %arg4[%get3A_13, %get3A_14] : memref<1x32xf32, #tpu.memory_space<vmem>>, vector<1x32xf32>
    %add3A_16 = vector.broadcast %get3A_15 : vector<1x32xf32> to vector<1024x32xf32>
    %add3A_17 = arith.addf %dot_general3A_12, %add3A_16 : vector<1024x32xf32>
    %max3A = arith.constant 0.000000e+00 : f32
    %max3A_18 = vector.broadcast %max3A : f32 to vector<1024x32xf32>
    %max3A_19 = arith.maximumf %add3A_17, %max3A_18 : vector<1024x32xf32>
    %get3A_20 = arith.constant 0 : index
    %get3A_21 = arith.constant 0 : index
    %get3A_22 = arith.constant 0 : index
    %get3A_23 = vector.load %arg2[%get3A_20, %get3A_21, %get3A_22] : memref<1x1x1024xi32, #tpu.memory_space<vmem>>, vector<1x1x1024xi32>
    %get3A_24 = vector.shape_cast %get3A_23 : vector<1x1x1024xi32> to vector<1024xi32>
    %broadcast_in_dim3A = vector.shape_cast %get3A_24 : vector<1024xi32> to vector<1024x1xi32>
    %iota3A = tpu.iota {dimensions = array<i32: 1>} : vector<1024x64xi32>
    %eq3A = vector.broadcast %broadcast_in_dim3A : vector<1024x1xi32> to vector<1024x64xi32>
    %eq3A_25 = arith.cmpi eq, %eq3A, %iota3A : vector<1024x64xi32>
    %convert_element_type3A = arith.extui %eq3A_25 : vector<1024x64xi1> to vector<1024x64xi32>
    %convert_element_type3A_26 = arith.sitofp %convert_element_type3A : vector<1024x64xi32> to vector<1024x64xf32>
    %dot_general3A_27 = arith.constant dense<0.000000e+00> : vector<64x32xf32>
    %dot_general3A_28 = tpu.matmul %convert_element_type3A_26, %max3A_19, %dot_general3A_27 {dimension_numbers = #tpu.dot_dimension_numbers<[0], [0], [1], [1], [0, 1, 1, 1], [], []>, precision = #tpu.contract_precision<fp32>, transpose_lhs_hint = false} : vector<1024x64xf32>, vector<1024x32xf32>, vector<64x32xf32> -> vector<64x32xf32>
    %eq3A_29 = arith.constant 0 : i32
    %eq3A_30 = arith.cmpi eq, %arg0, %eq3A_29 : i32
    %convert_element_type3A_31 = arith.extui %eq3A_30 : i1 to i32
    %cond3A = arith.constant 0 : i32
    %cond3A_32 = arith.cmpi ne, %convert_element_type3A_31, %cond3A : i32
    scf.if %cond3A_32 {
      %broadcast_in_dim3A_44 = arith.constant 0.000000e+00 : f32
      %broadcast_in_dim3A_45 = vector.broadcast %broadcast_in_dim3A_44 : f32 to vector<64x32xf32>
      %swap3A_46 = arith.constant 0 : index
      %swap3A_47 = arith.constant 0 : index
      %swap3A_48 = vector.load %arg10[%swap3A_46, %swap3A_47] : memref<64x32xf32, #tpu.memory_space<vmem>>, vector<64x32xf32>
      tpu.vector_store %arg10[%swap3A_46, %swap3A_47], %broadcast_in_dim3A_45 {strides = array<i32>} : memref<64x32xf32, #tpu.memory_space<vmem>>, vector<64x32xf32>,
    } else {
    }
    %get3A_33 = arith.constant 0 : index
    %get3A_34 = arith.constant 0 : index
    %get3A_35 = vector.load %arg10[%get3A_33, %get3A_34] : memref<64x32xf32, #tpu.memory_space<vmem>>, vector<64x32xf32>
    %add3A_36 = arith.addf %get3A_35, %dot_general3A_28 : vector<64x32xf32>
    %swap3A = arith.constant 0 : index
    %swap3A_37 = arith.constant 0 : index
    %swap3A_38 = vector.load %arg10[%swap3A, %swap3A_37] : memref<64x32xf32, #tpu.memory_space<vmem>>, vector<64x32xf32>
    tpu.vector_store %arg10[%swap3A, %swap3A_37], %add3A_36 {strides = array<i32>} : memref<64x32xf32, #tpu.memory_space<vmem>>, vector<64x32xf32>,
    %eq3A_39 = arith.constant 9 : i32
    %eq3A_40 = arith.cmpi eq, %arg0, %eq3A_39 : i32
    %convert_element_type3A_41 = arith.extui %eq3A_40 : i1 to i32
    %cond3A_42 = arith.constant 0 : i32
    %cond3A_43 = arith.cmpi ne, %convert_element_type3A_41, %cond3A_42 : i32
    scf.if %cond3A_43 {
      %get3A_44 = arith.constant 0 : index
      %get3A_45 = arith.constant 0 : index
      %get3A_46 = vector.load %arg10[%get3A_44, %get3A_45] : memref<64x32xf32, #tpu.memory_space<vmem>>, vector<64x32xf32>
      %get3A_47 = arith.constant 0 : index
      %get3A_48 = arith.constant 0 : index
      %get3A_49 = vector.load %arg5[%get3A_47, %get3A_48] : memref<32x32xf32, #tpu.memory_space<vmem>>, vector<32x32xf32>
      %dot_general3A_50 = arith.constant dense<0.000000e+00> : vector<64x32xf32>
      %dot_general3A_51 = tpu.matmul %get3A_46, %get3A_49, %dot_general3A_50 {dimension_numbers = #tpu.dot_dimension_numbers<[1], [0], [0], [1], [0, 0, 1, 1], [], []>, transpose_lhs_hint = false} : vector<64x32xf32>, vector<32x32xf32>, vector<64x32xf32> -> vector<64x32xf32>
      %get3A_52 = arith.constant 0 : index
      %get3A_53 = arith.constant 0 : index
      %get3A_54 = vector.load %arg6[%get3A_52, %get3A_53] : memref<1x32xf32, #tpu.memory_space<vmem>>, vector<1x32xf32>
      %add3A_55 = vector.broadcast %get3A_54 : vector<1x32xf32> to vector<64x32xf32>
      %add3A_56 = arith.addf %dot_general3A_51, %add3A_55 : vector<64x32xf32>
      %max3A_57 = arith.constant 0.000000e+00 : f32
      %max3A_58 = vector.broadcast %max3A_57 : f32 to vector<64x32xf32>
      %max3A_59 = arith.maximumf %add3A_56, %max3A_58 : vector<64x32xf32>
      %get3A_60 = arith.constant 0 : index
      %get3A_61 = arith.constant 0 : index
      %get3A_62 = vector.load %arg7[%get3A_60, %get3A_61] : memref<32x128xf32, #tpu.memory_space<vmem>>, vector<32x128xf32>
      %dot_general3A_63 = arith.constant dense<0.000000e+00> : vector<64x128xf32>
      %dot_general3A_64 = tpu.matmul %max3A_59, %get3A_62, %dot_general3A_63 {dimension_numbers = #tpu.dot_dimension_numbers<[1], [0], [0], [1], [0, 0, 1, 1], [], []>, transpose_lhs_hint = false} : vector<64x32xf32>, vector<32x128xf32>, vector<64x128xf32> -> vector<64x128xf32>
      %get3A_65 = arith.constant 0 : index
      %get3A_66 = arith.constant 0 : index
      %get3A_67 = vector.load %arg8[%get3A_65, %get3A_66] : memref<1x128xf32, #tpu.memory_space<vmem>>, vector<1x128xf32>
      %add3A_68 = vector.broadcast %get3A_67 : vector<1x128xf32> to vector<64x128xf32>
      %add3A_69 = arith.addf %dot_general3A_64, %add3A_68 : vector<64x128xf32>
      %swap3A_70 = arith.constant 0 : index
      %swap3A_71 = arith.constant 0 : index
      %swap3A_72 = vector.load %arg9[%swap3A_70, %swap3A_71] : memref<64x128xf32, #tpu.memory_space<vmem>>, vector<64x128xf32>
      tpu.vector_store %arg9[%swap3A_70, %swap3A_71], %add3A_69 {strides = array<i32>} : memref<64x128xf32, #tpu.memory_space<vmem>>, vector<64x128xf32>,
    } else {
    }
    return
  }
  func.func @transform_0(%arg0: i32) -> (i32, i32, i32) {
    %c0_i32 = arith.constant 0 : i32
    %c0_i32_0 = arith.constant 0 : i32
    %c0_i32_1 = arith.constant 0 : i32
    return %c0_i32, %arg0, %c0_i32_0 : i32, i32, i32
  }
  func.func @transform_1(%arg0: i32) -> (i32, i32, i32) {
    %c0_i32 = arith.constant 0 : i32
    %c0_i32_0 = arith.constant 0 : i32
    %c0_i32_1 = arith.constant 0 : i32
    return %arg0, %c0_i32, %c0_i32_0 : i32, i32, i32
  }
  func.func @transform_2(%arg0: i32) -> (i32, i32) {
    %c0_i32 = arith.constant 0 : i32
    %c0_i32_0 = arith.constant 0 : i32
    %c0_i32_1 = arith.constant 0 : i32
    return %c0_i32, %c0_i32_0 : i32, i32
  }
  func.func @transform_3(%arg0: i32) -> (i32, i32) {
    %c0_i32 = arith.constant 0 : i32
    %c0_i32_0 = arith.constant 0 : i32
    %c0_i32_1 = arith.constant 0 : i32
    return %c0_i32, %c0_i32_0 : i32, i32
  }
  func.func @transform_4(%arg0: i32) -> (i32, i32) {
    %c0_i32 = arith.constant 0 : i32
    %c0_i32_0 = arith.constant 0 : i32
    %c0_i32_1 = arith.constant 0 : i32
    return %c0_i32, %c0_i32_0 : i32, i32
  }
  func.func @transform_5(%arg0: i32) -> (i32, i32) {
    %c0_i32 = arith.constant 0 : i32
    %c0_i32_0 = arith.constant 0 : i32
    %c0_i32_1 = arith.constant 0 : i32
    return %c0_i32, %c0_i32_0 : i32, i32
  }
  func.func @transform_6(%arg0: i32) -> (i32, i32) {
    %c0_i32 = arith.constant 0 : i32
    %c0_i32_0 = arith.constant 0 : i32
    %c0_i32_1 = arith.constant 0 : i32
    return %c0_i32, %c0_i32_0 : i32, i32
  }
  func.func @transform_7(%arg0: i32) -> (i32, i32) {
    %c0_i32 = arith.constant 0 : i32
    %c0_i32_0 = arith.constant 0 : i32
    %c0_i32_1 = arith.constant 0 : i32
    return %c0_i32, %c0_i32_0 : i32, i32
  }
  func.func @transform_8(%arg0: i32) -> (i32, i32) {
    %c0_i32 = arith.constant 0 : i32
    %c0_i32_0 = arith.constant 0 : i32
    %c0_i32_1 = arith.constant 0 : i32
    return %c0_i32, %c0_i32_0 : i32, i32
  }
}

</mosaic_0001>

<sc_bundles>
// kernel: kernel.6.cloned.1.call-start
scs
__scs_entry_jumppad:
0x0: {  	(pc) =	sbr.rel $0x88, $3  }
0x1: {  	(tag) =	ssettag $0x0;
	lr =	simm.s32 $0x1  }
0x2: {  	[smem:$0x3F95] =	sst lr;
	_ =	strace $0xD0000000  }
0x3: {  	_ = 	snop  }
0x4: {  	_ = 	snop  }
0x5: {  	_ = 	snop  }
0x6: {  	_ = 	snop  }
0x7: {  	_ = 	snop  }
__scs_overlays_trampoline_lowered:
0x8: {  	[smem:$0x3FA4] =	sst s0  }
0x9: {  	[smem:$0x3FA5] =	sst s1  }
0xa: {  	[smem:$0x3FA6] =	sst s2  }
0xb: {  	[smem:$0x3FA7] =	sst s3  }
0xc: {  	[smem:$0x3FA8] =	sst s4  }
0xd: {  	[smem:$0x3FA9] =	sst s5  }
0xe: {  	[smem:$0x3FAA] =	sst s6  }
0xf: {  	[smem:$0x3FAB] =	sst s7  }
0x10: {  	[smem:$0x3FAC] =	sst s8  }
0x11: {  	[smem:$0x3FAD] =	sst s9;
	s0 =	simm.s32 @!p0 $0x0  }
0x12: {  	s1 =	sld [smem:$0x3F93];
	s0 =	simm.s32 @p0 $0x1  }
0x13: {  	[smem:$0x3FAE] =	sst s0;
	s0 =	simm.s32 @!p1 $0x0  }
0x14: {  	s2 =	sld [smem:$0x3F92];
	s0 =	simm.s32 @p1 $0x1  }
0x15: {  	[smem:$0x3FAF] =	sst s0;
	s0 =	simm.s32 @!p2 $0x0  }
0x16: {  	s3 =	sld [smem:$0x3FDB];
	s0 =	simm.s32 @p2 $0x1  }
0x17: {  	s4 =	simm.s32 $0x1BF5;
	[smem:$0x3FB1] =	sst s0  }
0x18: {  	s0 =	sld [smem:$0x3F94];
	_ =	swait.ge [sflag:s4], $0x0  }
0x19: {  	s7 =	sld [smem:$0x3F95]  }
0x1a: {  	s8 =	sadd.s32 $0xFFFFE003, lr  }
0x1b: {  	s9 =	sadd.s32 $0xFFFFFEF7, lr;
	s5 =	simm.s32 $0xFFFFFFFF;
	p2 =	slt.u32 s8, $0xFFFFF086  }
0x1c: {  	p1 =	slt.u32 s9, $0xF7A;
	s5 =	simm.s32 @!p2 $0x0  }
0x1d: {  	s5 =	simm.s32 @p1 $0x1;
	p0 =	seq.s32 s7, s2  }
0x1e: {  	s7 =	smul.u32 @!p0 $0xF7A, s2;
	p2 =	seq.s32 @!p0 s5, $0x0  }
0x1f: {  	s9 =	smul.u32 $0xF7A, s1;
	s8 =	simm.s32 @!p0 $0x1BF5;
	p2 =	por !p2, p0  }
0x20: {  	[sflag:s8] =	ssyncset.s32 @!p0 $0xFFFFF086;
	s6 =	sadd.s32 @!p0 s3, s7;
	s7 =	simm.s32 @!p0 $0x108  }
0x21: {  	s3 =	sadd.s32 s3, s9;
	s6 =	sadd.s32 @!p0 $0x88, s6;
	s7 =	simm.s32 @p2 $0x1082  }
0x22: {  	[simem:s7], [sflag:s8] =	dma.local @!p0 [hbm:s6], $0xF7A  }
0x23: {  	s9 =	sor.u32 $0xD0000000, s2;
	s6 =	simm.s32 $0x108;
	_ =	swait.ge @!p0 [sflag:s8], $0x0  }
0x24: {  	s3 =	sadd.s32 $0x88, s3;
	s6 =	simm.s32 @!p1 $0x1082;
	[sflag:s4] =	ssyncset.s32 $0xFFFFF086  }
0x25: {  	[simem:s6], [sflag:s4] =	dma.local [hbm:s3], $0xF7A  }
0x26: {  	[smem:$0x3F95] =	sst s1;
	(tag) =	ssettag s2;
	_ =	strace s9  }
0x27: {  	s1 =	sld [smem:$0x3FA5]  }
0x28: {  	s2 =	sld [smem:$0x3FA6]  }
0x29: {  	s4 =	sld [smem:$0x3FA8]  }
0x2a: {  	p0 =	seq.s32 s5, $0x0;
	s5 =	sld [smem:$0x3FA9]  }
0x2b: {  	s6 =	sld [smem:$0x3FAA]  }
0x2c: {  	s7 =	sld [smem:$0x3FAB]  }
0x2d: {  	s3 =	simm.s32 $0x108;
	s8 =	sld [smem:$0x3FAC]  }
0x2e: {  	s3 =	simm.s32 @!p0 $0x1082;
	s9 =	sld [smem:$0x3FAD]  }
0x2f: {  	lr =	sadd.s32 s0, s3;
	s0 =	sld [smem:$0x3FA4]  }
0x30: {  	s3 =	sld [smem:$0x3FA7]  }
0x31: {  	[smem:$0x3FB0] =	sst s10  }
0x32: {  	s10 =	sld [smem:$0x3FAE];
	_ =	sdelay $0x3  }
0x33: {  	p0 =	seq.s32 s10, $0x1;
	s10 =	sld [smem:$0x3FB0];
	_ =	sdelay $0x3  }
0x34: {  	[smem:$0x3FB0] =	sst s10  }
0x35: {  	s10 =	sld [smem:$0x3FAF];
	_ =	sdelay $0x3  }
0x36: {  	p1 =	seq.s32 s10, $0x1;
	s10 =	sld [smem:$0x3FB0];
	_ =	sdelay $0x3  }
0x37: {  	[smem:$0x3FB0] =	sst s10  }
0x38: {  	s10 =	sld [smem:$0x3FB1]  }
0x39: {  	_ = 	snop;
	(pc) =	sbr.ind lr, $3  }
0x3a: {  	_ = 	snop  }
0x3b: {  	_ = 	snop  }
0x3c: {  	p2 =	seq.s32 s10, $0x1;
	s10 =	sld [smem:$0x3FB0]  }
0x3d: {  	_ =	shalt  }
0x3e: {  	_ =	shalt  }
0x3f: {  	_ =	shalt  }
0x40: {  	_ =	shalt  }
0x41: {  	_ =	shalt  }
0x42: {  	_ =	shalt  }
0x43: {  	_ =	shalt  }
0x44: {  	_ =	shalt  }
0x45: {  	_ =	shalt  }
0x46: {  	_ =	shalt  }
0x47: {  	_ =	shalt  }
0x48: {  	_ =	shalt  }
0x49: {  	_ =	shalt  }
0x4a: {  	_ =	shalt  }
0x4b: {  	_ =	shalt  }
0x4c: {  	_ =	shalt  }
0x4d: {  	_ =	shalt  }
0x4e: {  	_ =	shalt  }
0x4f: {  	_ =	shalt  }
0x50: {  	_ =	shalt  }
0x51: {  	_ =	shalt  }
0x52: {  	_ =	shalt  }
0x53: {  	_ =	shalt  }
0x54: {  	_ =	shalt  }
0x55: {  	_ =	shalt  }
0x56: {  	_ =	shalt  }
0x57: {  	_ =	shalt  }
0x58: {  	_ =	shalt  }
0x59: {  	_ =	shalt  }
0x5a: {  	_ =	shalt  }
0x5b: {  	_ =	shalt  }
0x5c: {  	_ =	shalt  }
0x5d: {  	_ =	shalt  }
0x5e: {  	_ =	shalt  }
0x5f: {  	_ =	shalt  }
0x60: {  	_ =	shalt  }
0x61: {  	_ =	shalt  }
0x62: {  	_ =	shalt  }
0x63: {  	_ =	shalt  }
0x64: {  	_ =	shalt  }
0x65: {  	_ =	shalt  }
0x66: {  	_ =	shalt  }
0x67: {  	_ =	shalt  }
0x68: {  	_ =	shalt  }
0x69: {  	_ =	shalt  }
0x6a: {  	_ =	shalt  }
0x6b: {  	_ =	shalt  }
0x6c: {  	_ =	shalt  }
0x6d: {  	_ =	shalt  }
0x6e: {  	_ =	shalt  }
0x6f: {  	_ =	shalt  }
0x70: {  	_ =	shalt  }
0x71: {  	_ =	shalt  }
0x72: {  	_ =	shalt  }
0x73: {  	_ =	shalt  }
0x74: {  	_ =	shalt  }
0x75: {  	_ =	shalt  }
0x76: {  	_ =	shalt  }
0x77: {  	_ =	shalt  }
0x78: {  	_ =	shalt  }
0x79: {  	_ =	shalt  }
0x7a: {  	_ =	shalt  }
0x7b: {  	_ =	shalt  }
0x7c: {  	_ =	shalt  }
0x7d: {  	_ =	shalt  }
0x7e: {  	_ =	shalt  }
0x7f: {  	_ =	shalt  }
0x80: {  	_ =	shalt  }
0x81: {  	_ =	shalt  }
0x82: {  	_ =	shalt  }
0x83: {  	_ =	shalt  }
0x84: {  	_ =	shalt  }
0x85: {  	_ =	shalt  }
0x86: {  	_ =	shalt  }
0x87: {  	_ =	shalt  }
.Lfunc_end0:
.L_simem_size_0:
called_computation_lowered:
.L_overlay_start_0:
0x88: {  	s2 =	sld [smem:$0x3FD9]  }
0x89: {  	s3 =	sld [smem:$0x3FFE];
	_ =	sdelay $0x1  }
0x8a: {  	s1 =	srdreg.scid  }
0x8b: {  	s0 =	sand.u32 $0x1, s1  }
0x8c: {  	s16 =	sshll.u32 s0, $0xA;
	s2 =	sadd.s32 s3, s2  }
0x8d: {  	s2 =	sadd.s32 s2, s16  }
0x8e: {  	[smem:$0x3FBC] =	sst s2  }
0x8f: {  	_ = 	snop  }
0x90: {  	(tm) =	ssettm $0x1  }
0x91: {  	s17 =	sld [smem:$0x3FFB];
	_ =	sdelay $0x3  }
0x92: {  	_ =	strace s17  }
0x93: {  	s2 =	sld [smem:$0x3FFC];
	_ =	sdelay $0x3  }
0x94: {  	_ =	strace s2  }
0x95: {  	s2 =	sld [smem:$0x3FFD];
	_ =	sdelay $0x3  }
0x96: {  	_ =	strace s2  }
0x97: {  	_ =	strace $0x8FFFFFFF  }
0x98: {  	s18 =	sld [smem:$0x3FDB];
	_ =	sdelay $0x1  }
0x99: {  	s19 =	simm.s32 $_scs_section_size  }
0x9a: {  	s4 =	simm.s32 $_size__tile_overlayer_lowered;
	s5 =	simm.s32 $_tile_overlayer_lowered  }
0x9b: {  	s22 =	simm.s32 $0x1BFF;
	s21 =	sshll.u32 s5, $0x1;
	s2 =	sadd.s32 s19, s18  }
0x9c: {  	s6 =	simm.s32 $0x0;
	s20 =	sshll.u32 s4, $0x1;
	s4 =	sadd.s32 s21, s2  }
0x9d: {  	[timem:s6], [sflag:s22] =	dma.local [hbm:s4], s20  }
0x9e: {  	_ =	swait.ge [sflag:s22], s20  }
0x9f: {  	s3 =	ssub.s32 $0x0, s20;
	[sflag:s22] =	ssyncset.done $0x0  }
0xa0: {  	[sflag:s22] =	ssyncadd.s32 s3;
	_ =	sdelay $0x1  }
0xa1: {  	s23 =	simm.s32 $0x1B8B  }
0xa2: {  	_ =	swait.ge [sflag:s23], $0x1  }
0xa3: {  	[sflag:s23] =	ssyncset.done $0x0  }
0xa4: {  	s25 =	simm.s32 $0x1B8E;
	s24 =	sld [smem:$0x3FFE];
	[sflag:s23] =	ssyncadd.s32 $0xFFFFFFFF  }
0xa5: {  	s26 =	simm.s32 $execute0_lowered;
	[smem:$0x3FD2] =	sst s25  }
0xa6: {  	s4 =	sshll.u32 s26, $0x1;
	_ =	strace $0x80000046;
	[dreg:$0x1] =	wrdreg $0xFFFFFFFF  }
0xa7: {  	s28 =	simm.s32 $_size_execute0_lowered;
	s2 =	sadd.s32 s2, s4;
	[dreg:$0x0] =	wrdreg $0x0  }
0xa8: {  	s4 =	sshll.u32 s28, $0x1;
	[dreg:$0x2] =	wrdreg s2  }
0xa9: {  	[dreg:$0x3] =	wrdreg s4  }
0xaa: {  	[dreg:$0x4] =	wrdreg $0xC0  }
0xab: {  	_ =	task [dreg:s6], $0x5FFFF  }
0xac: {  	[dreg:$0x1] =	wrdreg $0xFFFFFFFF  }
0xad: {  	[dreg:$0x0] =	wrdreg $0x60  }
0xae: {  	[dreg:$0x2] =	wrdreg s24  }
0xaf: {  	[dreg:$0x3] =	wrdreg $0xE0000  }
0xb0: {  	[dreg:$0x4] =	wrdreg $0x9  }
0xb1: {  	_ =	task.clear_ibuf [dreg:s6], $0x5FFFF;
	_ =	strace $0x90000046  }
0xb2: {  	s29 =	simm.s32 $0x9;
	_ =	strace $0x80000048  }
0xb3: {  	_ =	swait.ge [sflag:s29], $0x1  }
0xb4: {  	[sflag:s29] =	ssyncadd.s32 $0xFFFFFFFF  }
0xb5: {  	_ =	strace $0x90000048  }
0xb6: {  	_ =	sfence  }
0xb7: {  	s30 =	sld [smem:$0x0];
	_ =	sdelay $0x2  }
0xb8: {  	s31 =	sshll.u32 s1, $0xD;
	s1 =	sshrl.u32 s1, $0x2  }
0xb9: {  	s3 =	sand.u32 $0x4000, s31;
	s1 =	sadd.s32 s1, s30  }
0xba: {  	s0 =	sor.u32 s3, s0;
	s1 =	sshll.u32 s1, $0x11  }
0xbb: {  	s0 =	sor.u32 s1, s0  }
0xbc: {  	s0 =	sadd.s32 $0x8F2B, s0  }
0xbd: {  	[sflag:s0] =	ssyncadd.remote.s32 $0x1  }
0xbe: {  	_ =	sfence.sel $0xFFFF  }
0xbf: {  	[dreg:$0x0] =	wrdreg $0xFFFFFFFF;
	(pc) =	sbr.abs _section_cstart, $3  }
0xc0: {  	[dreg:$0x1] =	wrdreg $0xFFFFFFFF  }
0xc1: {  	_ =	task.clear_ibuf [dreg:s6], $0x2FFFF;
	_ =	strace $0x9FFFFFFF  }
0xc2: {  	(tm) =	ssettm $0x7FFFFFFF  }
0xc3: {  	_ =	shalt  }
tec
execute0_lowered:
.L_overlay_start_1:
0x0: {  	(tag) =	ssettag $0x1  }
0x1: {  	s0 =	srdreg.scid;
	s8 =	rddreg [dreg:$0x0]  }
0x2: {  	s12 =	stileid.u32;
	s2 =	rddreg [dreg:$0x1];
	s3 =	simm.s32 $0x0  }
0x3: {  	s28 =	simm.s32 $0x1;
	s29 =	simm.s32 $0x5;
	s30 =	simm.s32 $0xD000  }
0x4: {  	s31 =	simm.s32 $0x2;
	s0 =	sand.u32 $0x1, s0;
	s9 =	smul.u32 $0x5000, s12  }
0x5: {  	[smem:$0x7FF] =	sst s3;
	s4 =	sadd.s32 $0xA00, s8;
	s5 =	sadd.s32 $0x1E200, s8  }
0x6: {  	s20 =	sadd.s32 $0x14300, s8;
	s1 =	sshll.u32 s0, $0x4;
	s7 =	smul.u32 $0x50000, s0  }
0x7: {  	_ =	strace $0x80000047;
	s0 =	ssub.s32 $0x2, s0;
	[dreg:$0x5] =	wrdreg s20  }
0x8: {  	s1 =	sor.u32 s12, s1;
	s18 =	sshrl.u32 s0, $0x1;
	s12 =	smul.u32 $0x14000, s12  }
0x9: {  	s6 =	smul.u32 $0x2800, s1;
	s17 =	sadd.s32 s9, s7;
	s0 =	ssub.s32 s0, s18  }
0xa: {  	s22 =	smul.u32 $0xA000, s1;
	p0 =	seq.s32 s1, $0x1F;
	s7 =	sshrl.u32 s17, $0x3  }
0xb: {  	s21 =	sshrl.u32 s12, $0x2;
	s12 =	sadd.s32 s9, s2;
	s20 =	smax.u32 s0, $0x1  }
0xc: {  	s0 =	simm.s32 $0x8;
	s10 =	sshrl.u32 s6, $0x3;
	s6 =	smul.u32 $0x50, s1  }
0xd: {  	s11 =	sadd.s32 s7, s8;
	s23 =	sadd.s32 s21, s2;
	s15 =	sadd.s32 s5, s22  }
0xe: {  	s21 =	simm.s32 $0x5000;
	s22 =	simm.s32 $0x9;
	s1 =	simm.s32 $0x6  }
0xf: {  	s10 =	sadd.s32 s10, s8;
	s8 =	sadd.s32 $0x1DF40, s8;
	s24 =	sadd.s32 $0x1000, s23  }
0x10: {  	s25 =	sadd.s32 $0x2000, s23;
	s26 =	sadd.s32 $0x3000, s23;
	[dreg:$0x6] =	wrdreg s8  }
0x11: {  	s18 =	sadd.s32 $0x200, s15;
	s19 =	ssub.s32 $0x9C4, s6;
	[dreg:$0x7] =	wrdreg s24  }
.Ltmp0:
0x12: {  	s13 =	sadd.s32 $0xA800, s10;
	[dreg:$0x8] =	wrdreg s25;
	(pc) =	sbr.rel .LBB2_1-.Ltmp0, $4  }
0x13: {  	s10 =	sadd.s32 $0x14440, s10;
	[dreg:$0x9] =	wrdreg s26;
	s8 =	sadd.s32 $0x4000, s23  }
0x14: {  	s23 =	simm.s32 $0x80;
	s24 =	simm.s32 $0x3;
	[dreg:$0x3] =	wrdreg s13  }
0x15: {  	s25 =	simm.s32 $0x7;
	s26 =	simm.s32 $0x4;
	[dreg:$0x4] =	wrdreg s10  }
0x16: {  	v0 =	vimm.f32 $0.0e+00;
	s7 =	smin.u32 s19, $0x50;
	[dreg:$0xa] =	wrdreg s8;
	s19 =	sadd.s32 $0x156A00, s11  }
.LBB2_21:
0x17: {  	s8 =	stileid.u32;
	s3 =	sadd.s32 $0x1, s3  }
0x18: {  	[bflag:$0x0] =	sbarrier.arrive $0xFFFF;
	s8 =	sshll.u32 s8, $0x6;
	p1 =	sne.s32 s3, s20  }
.Ltmp1:
0x19: {  	s9 =	sshrl.u32 s12, $0x3;
	s8 =	sor.u32 $0x1C09, s8;
	(pc) =	sbr.rel @!p1 .LBB2_22-.Ltmp1, $4  }
0x1a: {  	[hbm:s19], [sflag:s8] =	dma.local [spmem:s9], $0xA00  }
0x1b: {  	_ =	swait.ge [sflag:s22], $0xA00  }
0x1c: {  	[sflag:s22] =	ssyncset.done $0x0  }
0x1d: {  	[sflag:s22] =	ssyncadd.s32 $0xFFFFF600  }
.LBB2_1:
0x1e: {  	s8 =	simm.s32 @p0 $0x0;
	s9 =	rddreg [dreg:$0x5]  }
0x1f: {  	[tilespmem:s8], [sflag:$0x9] =	stream.linear.gather @p0 [hbm4b:s9+s8], $0xA00, $0x38;
	[tilespmem:$0x13000] =	vst v63  }
0x20: {  	s9 =	simm.s32 @p0 $0x9  }
0x21: {  	_ =	swait.ge @p0 [sflag:s9], $0xA00  }
0x22: {  	[sflag:s9] =	ssyncset.done @p0 $0x0  }
0x23: {  	s10 =	simm.s32 @p0 $0x2800;
	s11 =	rddreg [dreg:$0x6];
	[sflag:s9] =	ssyncadd.s32 @p0 $0xFFFFF600  }
0x24: {  	[tilespmem:s10], [sflag:$0x9] =	stream.linear.gather @p0 [hbm4b:s11+s8], $0xA00, $0x38;
	[tilespmem:$0x13000] =	vst v63  }
0x25: {  	_ =	swait.ge @p0 [sflag:s9], $0xA00  }
0x26: {  	[sflag:s9] =	ssyncset.done @p0 $0x0  }
0x27: {  	s8 =	simm.s32 @!p0 $0x0;
	[sflag:s9] =	ssyncadd.s32 @p0 $0xFFFFF600;
	s9 =	rddreg [dreg:$0x3]  }
0x28: {  	[tilespmem:s8], [sflag:$0x9] =	stream.linear.gather @!p0 [hbm4b:s9+s8], $0x2800, $0x38;
	[tilespmem:$0x13000] =	vst v63  }
0x29: {  	s9 =	simm.s32 @!p0 $0x9  }
0x2a: {  	_ =	swait.ge @!p0 [sflag:s9], $0x2800  }
0x2b: {  	[sflag:s9] =	ssyncset.done @!p0 $0x0  }
0x2c: {  	s10 =	simm.s32 @!p0 $0x2800;
	s11 =	rddreg [dreg:$0x4];
	[sflag:s9] =	ssyncadd.s32 @!p0 $0xFFFFD800  }
0x2d: {  	[tilespmem:s10], [sflag:$0x9] =	stream.linear.gather @!p0 [hbm4b:s11+s8], $0x2800, $0x38;
	[tilespmem:$0x13000] =	vst v63  }
0x2e: {  	_ =	swait.ge @!p0 [sflag:s9], $0x2800  }
0x2f: {  	[sflag:s9] =	ssyncset.done @!p0 $0x0  }
0x30: {  	s8 =	simm.s32 $0x5080;
	[sflag:s9] =	ssyncadd.s32 @!p0 $0xFFFFD800  }
0x31: {  	[tilespmem:s8+$0xFFFFFF80] =	vst v0  }
0x32: {  	[tilespmem:s8+$0x70] =	vst v0  }
0x33: {  	[tilespmem:s8+$0x60] =	vst v0  }
0x34: {  	[tilespmem:s8+$0x50] =	vst v0  }
0x35: {  	[tilespmem:s8+$0x40] =	vst v0  }
0x36: {  	[tilespmem:s8+$0x30] =	vst v0  }
0x37: {  	[tilespmem:s8+$0x20] =	vst v0  }
0x38: {  	[tilespmem:s8+$0x10] =	vst v0  }
0x39: {  	[tilespmem:s8+$0x0] =	vst v0  }
0x3a: {  	[tilespmem:s8+$0xFFFFFFF0] =	vst v0  }
0x3b: {  	[tilespmem:s8+$0xFFFFFFE0] =	vst v0  }
0x3c: {  	[tilespmem:s8+$0xFFFFFFD0] =	vst v0  }
0x3d: {  	[tilespmem:s8+$0xFFFFFFC0] =	vst v0  }
0x3e: {  	[tilespmem:s8+$0xFFFFFFB0] =	vst v0  }
0x3f: {  	s9 =	simm.s32 $0x0;
	[tilespmem:s8+$0xFFFFFFA0] =	vst v0  }
.LBB2_2:
0x40: {  	s9 =	sadd.s32 $0x8, s9;
	[tilespmem:s8+$0xFFFFFF90] =	vst v0;
	s8 =	sadd.s32 $0x100, s8  }
0x41: {  	[tilespmem:s8+$0xFFFFFF80] =	vst v0;
	p1 =	slt.u32 s9, $0x78  }
0x42: {  	[tilespmem:s8+$0x70] =	vst v0  }
0x43: {  	[tilespmem:s8+$0x60] =	vst v0  }
0x44: {  	[tilespmem:s8+$0x50] =	vst v0  }
0x45: {  	[tilespmem:s8+$0x40] =	vst v0  }
0x46: {  	[tilespmem:s8+$0x30] =	vst v0  }
0x47: {  	[tilespmem:s8+$0x20] =	vst v0  }
0x48: {  	[tilespmem:s8+$0x10] =	vst v0  }
0x49: {  	[tilespmem:s8+$0x0] =	vst v0  }
0x4a: {  	[tilespmem:s8+$0xFFFFFFF0] =	vst v0  }
.Ltmp2:
0x4b: {  	[tilespmem:s8+$0xFFFFFFE0] =	vst v0;
	(pc) =	sbr.rel @p1 .LBB2_2-.Ltmp2, $4  }
0x4c: {  	[tilespmem:s8+$0xFFFFFFD0] =	vst v0  }
0x4d: {  	[tilespmem:s8+$0xFFFFFFC0] =	vst v0  }
0x4e: {  	[tilespmem:s8+$0xFFFFFFB0] =	vst v0  }
0x4f: {  	[tilespmem:s8+$0xFFFFFFA0] =	vst v0  }
0x50: {  	[tilespmem:s8+$0xFFFFFF90] =	vst v0  }
0x51: {  	[spmem:s12] =	stream.linear.scatter [tilespmem:s21], [sflag:$0x9], $0x1000, $0x38;
	[tilespmem:$0x13000] =	vst v63  }
0x52: {  	_ =	swait.ge [sflag:s22], $0x1000  }
0x53: {  	[sflag:s22] =	ssyncset.done $0x0  }
0x54: {  	s10 =	rddreg [dreg:$0x7];
	[sflag:s22] =	ssyncadd.s32 $0xFFFFF000  }
0x55: {  	[spmem:s10] =	stream.linear.scatter [tilespmem:s21], [sflag:$0x9], $0x1000, $0x38;
	[tilespmem:$0x13000] =	vst v63  }
0x56: {  	_ =	swait.ge [sflag:s22], $0x1000  }
0x57: {  	[sflag:s22] =	ssyncset.done $0x0  }
0x58: {  	s11 =	rddreg [dreg:$0x8];
	[sflag:s22] =	ssyncadd.s32 $0xFFFFF000  }
0x59: {  	[spmem:s11] =	stream.linear.scatter [tilespmem:s21], [sflag:$0x9], $0x1000, $0x38;
	[tilespmem:$0x13000] =	vst v63  }
0x5a: {  	_ =	swait.ge [sflag:s22], $0x1000  }
0x5b: {  	[sflag:s22] =	ssyncset.done $0x0  }
0x5c: {  	s13 =	rddreg [dreg:$0x9];
	[sflag:s22] =	ssyncadd.s32 $0xFFFFF000  }
0x5d: {  	[spmem:s13] =	stream.linear.scatter [tilespmem:s21], [sflag:$0x9], $0x1000, $0x38;
	[tilespmem:$0x13000] =	vst v63  }
0x5e: {  	_ =	swait.ge [sflag:s22], $0x1000  }
0x5f: {  	[sflag:s22] =	ssyncset.done $0x0  }
0x60: {  	s14 =	rddreg [dreg:$0xa];
	[sflag:s22] =	ssyncadd.s32 $0xFFFFF000  }
0x61: {  	[spmem:s14] =	stream.linear.scatter [tilespmem:s21], [sflag:$0x9], $0x1000, $0x38;
	[tilespmem:$0x13000] =	vst v63  }
0x62: {  	_ =	swait.ge [sflag:s22], $0x1000  }
0x63: {  	[sflag:s22] =	ssyncset.done $0x0  }
0x64: {  	[sflag:s22] =	ssyncadd.s32 $0xFFFFF000  }
0x65: {  	s8 =	simm.s32 $0x0;
	[bflag:$0x0] =	sbarrier.arrive $0xFFFF  }
0x66: {  	[tilespmem:s21], [sflag:$0x1] =	stream.indirect.gather [hbm4b:s4+s23], $0x20, s8, s23, $0xb8;
	[tilespmem:$0x13000] =	vst v63  }
0x67: {  	s9 =	simm.s32 $0x9000  }
0x68: {  	[tilespmem:s9], [sflag:$0x5] =	stream.linear.gather [hbm4b:s15+s8], $0x1000, $0x38;
	[tilespmem:$0x13000] =	vst v63  }
.Ltmp3:
0x69: {  	_ = 	snop;
	(pc) =	sbr.rel .LBB2_4-.Ltmp3, $4  }
0x6a: {  	s16 =	simm.s32 $0x6000  }
0x6b: {  	[tilespmem:s16], [sflag:$0x2] =	stream.indirect.gather [hbm4b:s4+s23], $0x20, s23, s23, $0xb8;
	[tilespmem:$0x13000] =	vst v63  }
0x6c: {  	s17 =	simm.s32 $0xA000  }
0x6d: {  	[tilespmem:s17], [sflag:$0x6] =	stream.linear.gather [hbm4b:s18+s8], $0x1000, $0x38;
	[tilespmem:$0x13000] =	vst v63  }
.LBB2_20:
0x6e: {  	s9 =	sadd.s32 $0x5, s9  }
0x6f: {  	p1 =	sge.u32 s9, s7  }
0x70: {  	s10 =	sshll.u32 @!p1 s9, $0x7;
	s11 =	simm.s32 @!p1 $0x80;
	s9 =	sadd.s32 @!p1 s6, s9  }
0x71: {  	s13 =	simm.s32 @!p1 $0x6000;
	s10 =	sand.u32 @!p1 $0x3FFFFF80, s10;
	s9 =	sshll.u32 @!p1 s9, $0x9  }
0x72: {  	[tilespmem:s13], [sflag:$0x2] =	stream.indirect.gather @!p1 [hbm4b:s4+s11], $0x20, s10, s11, $0xb8;
	[tilespmem:$0x13000] =	vst v63  }
0x73: {  	s8 =	sadd.s32 $0x1, s8;
	s9 =	sand.u32 @!p1 $0x1FFFFA00, s9  }
0x74: {  	s10 =	simm.s32 @!p1 $0x0;
	s11 =	simm.s32 @!p1 $0xA000;
	s9 =	sadd.s32 @!p1 s5, s9  }
0x75: {  	[tilespmem:s11], [sflag:$0x6] =	stream.linear.gather @!p1 [hbm4b:s9+s10], $0x1000, $0x38;
	[tilespmem:$0x13000] =	vst v63  }
0x76: {  	p1 =	sne.s32 s8, $0x14  }
.Ltmp4:
0x77: {  	_ = 	snop;
	(pc) =	sbr.rel @!p1 .LBB2_21-.Ltmp4, $1  }
0x78: {  	_ =	sdelay $0x3  }
.LBB2_4:
0x79: {  	s9 =	sshll.u32 s8, $0x2  }
0x7a: {  	p1 =	sge.u32 s9, s7  }
.Ltmp5:
0x7b: {  	_ = 	snop;
	(pc) =	sbr.rel @p1 .LBB2_8-.Ltmp5, $1  }
0x7c: {  	_ =	sdelay $0x3  }
0x7d: {  	_ =	swait.ge [sflag:s28], $0x1000  }
0x7e: {  	[sflag:s28] =	ssyncset.done $0x0  }
0x7f: {  	[sflag:s28] =	ssyncadd.s32 $0xFFFFF000  }
0x80: {  	_ =	swait.ge [sflag:s29], $0x1000  }
0x81: {  	[sflag:s29] =	ssyncset.done $0x0  }
0x82: {  	s13 =	simm.s32 $0x5200;
	[sflag:s29] =	ssyncadd.s32 $0xFFFFF000  }
0x83: {  	s11 =	simm.s32 $0x9200;
	v1 =	vld [tilespmem:s13+$0x180]  }
0x84: {  	v2 =	vld [tilespmem:s11+$0x180]  }
0x85: {  	v3 =	vld [tilespmem:s11+$0xFFFFFE00]  }
0x86: {  	v4 =	vld [tilespmem:s13+$0xFFFFFE80]  }
0x87: {  	v5 =	vld [tilespmem:s11+$0xFFFFFE80]  }
0x88: {  	v6 =	vld [tilespmem:s13+$0xFFFFFF00]  }
0x89: {  	v7 =	vld [tilespmem:s11+$0xFFFFFF00]  }
0x8a: {  	v8 =	vld [tilespmem:s11+$0xFFFFFF80]  }
0x8b: {  	v9 =	vld [tilespmem:s13+$0x0]  }
0x8c: {  	v11 =	vld [tilespmem:s11+$0x0]  }
0x8d: {  	v12 =	vld [tilespmem:s13+$0x80];
	v1 =	vadd.f32 v2, v1  }
0x8e: {  	v13 =	vld [tilespmem:s13+$0x100];
	v4 =	vadd.f32 v5, v4  }
0x8f: {  	s10 =	simm.s32 $0xD200;
	v2 =	vld [tilespmem:s13+$0xFFFFFF80];
	v1 =	vmax.f32 v1, $0.0e+00  }
0x90: {  	v5 =	vld [tilespmem:s11+$0x80];
	v4 =	vmax.f32 v4, $0.0e+00;
	[tilespmem:s10+$0x180] =	vst v1  }
0x91: {  	[tilespmem:s10+$0xFFFFFE80] =	vst v4;
	v4 =	vld [tilespmem:s13+$0xFFFFFE00]  }
0x92: {  	v9 =	vadd.f32 v11, v9;
	v1 =	vld [tilespmem:s13+$0x190]  }
0x93: {  	v6 =	vadd.f32 v7, v6;
	v10 =	vld [tilespmem:s11+$0x190]  }
0x94: {  	v22 =	vld [tilespmem:s11+$0x100];
	v9 =	vmax.f32 v9, $0.0e+00  }
0x95: {  	v6 =	vmax.f32 v6, $0.0e+00;
	[tilespmem:s10+$0x0] =	vst v9;
	v7 =	vld [tilespmem:s13+$0xFFFFFE90];
	v2 =	vadd.f32 v8, v2  }
0x96: {  	[tilespmem:s10+$0xFFFFFF00] =	vst v6;
	v25 =	vld [tilespmem:s13+$0x10];
	v5 =	vadd.f32 v5, v12  }
0x97: {  	v2 =	vmax.f32 v2, $0.0e+00;
	v3 =	vadd.f32 v3, v4;
	v4 =	vld [tilespmem:s13+$0xFFFFFF10]  }
0x98: {  	v5 =	vmax.f32 v5, $0.0e+00;
	[tilespmem:s10+$0xFFFFFF80] =	vst v2;
	v2 =	vld [tilespmem:s11+$0xFFFFFF10];
	v1 =	vadd.f32 v10, v1  }
0x99: {  	[tilespmem:s10+$0x80] =	vst v5;
	v23 =	vld [tilespmem:s13+$0xFFFFFF90];
	v3 =	vmax.f32 v3, $0.0e+00  }
0x9a: {  	v27 =	vld [tilespmem:s13+$0x90];
	v1 =	vmax.f32 v1, $0.0e+00;
	[tilespmem:s10+$0xFFFFFE00] =	vst v3  }
0x9b: {  	v3 =	vld [tilespmem:s11+$0xFFFFFF90];
	[tilespmem:s10+$0x190] =	vst v1  }
0x9c: {  	v8 =	vld [tilespmem:s13+$0x1A0]  }
0x9d: {  	v6 =	vld [tilespmem:s11+$0x1A0];
	v2 =	vadd.f32 v2, v4  }
0x9e: {  	v28 =	vld [tilespmem:s11+$0x90]  }
0x9f: {  	v1 =	vld [tilespmem:s11+$0xFFFFFE90];
	v2 =	vmax.f32 v2, $0.0e+00  }
0xa0: {  	v24 =	vld [tilespmem:s11+$0xFFFFFE10];
	v3 =	vadd.f32 v3, v23;
	[tilespmem:s10+$0xFFFFFF10] =	vst v2  }
0xa1: {  	v31 =	vld [tilespmem:s13+$0xFFFFFF20]  }
0xa2: {  	v6 =	vadd.f32 v6, v8;
	v8 =	vld [tilespmem:s13+$0xFFFFFE10];
	v3 =	vmax.f32 v3, $0.0e+00  }
0xa3: {  	[tilespmem:s10+$0xFFFFFF90] =	vst v3;
	v3 =	vld [tilespmem:s11+$0xFFFFFF20]  }
0xa4: {  	v1 =	vadd.f32 v1, v7;
	v6 =	vmax.f32 v6, $0.0e+00;
	v32 =	vld [tilespmem:s13+$0xFFFFFFA0]  }
0xa5: {  	v10 =	vadd.f32 v22, v13;
	[tilespmem:s10+$0x1A0] =	vst v6;
	v6 =	vld [tilespmem:s11+$0x10]  }
0xa6: {  	v1 =	vmax.f32 v1, $0.0e+00;
	v26 =	vld [tilespmem:s13+$0x1B0]  }
0xa7: {  	v10 =	vmax.f32 v10, $0.0e+00;
	[tilespmem:s10+$0xFFFFFE90] =	vst v1;
	v5 =	vld [tilespmem:s11+$0x1B0];
	v8 =	vadd.f32 v24, v8  }
0xa8: {  	[tilespmem:s10+$0x100] =	vst v10;
	v4 =	vld [tilespmem:s13+$0xFFFFFEA0]  }
0xa9: {  	v3 =	vadd.f32 v3, v31;
	v7 =	vmax.f32 v8, $0.0e+00;
	v8 =	vld [tilespmem:s13+$0x110]  }
0xaa: {  	[tilespmem:s10+$0xFFFFFE10] =	vst v7;
	v7 =	vld [tilespmem:s11+$0x110]  }
0xab: {  	v6 =	vadd.f32 v6, v25;
	v3 =	vmax.f32 v3, $0.0e+00;
	v29 =	vld [tilespmem:s13+$0xFFFFFE20]  }
0xac: {  	v5 =	vadd.f32 v5, v26;
	v1 =	vld [tilespmem:s11+$0xFFFFFE20];
	[tilespmem:s10+$0xFFFFFF20] =	vst v3  }
0xad: {  	v6 =	vmax.f32 v6, $0.0e+00;
	v38 =	vld [tilespmem:s13+$0xFFFFFF30]  }
0xae: {  	v5 =	vmax.f32 v5, $0.0e+00;
	[tilespmem:s10+$0x10] =	vst v6;
	v6 =	vld [tilespmem:s11+$0xFFFFFFA0]  }
0xaf: {  	[tilespmem:s10+$0x1B0] =	vst v5;
	v5 =	vld [tilespmem:s11+$0xFFFFFEA0]  }
0xb0: {  	v9 =	vadd.f32 v28, v27;
	v30 =	vld [tilespmem:s13+$0x1C0]  }
0xb1: {  	v2 =	vld [tilespmem:s11+$0x1C0];
	v7 =	vadd.f32 v7, v8  }
0xb2: {  	v9 =	vmax.f32 v9, $0.0e+00;
	v33 =	vld [tilespmem:s13+$0x20]  }
0xb3: {  	[tilespmem:s10+$0x90] =	vst v9;
	v34 =	vld [tilespmem:s11+$0x20];
	v1 =	vadd.f32 v1, v29;
	v7 =	vmax.f32 v7, $0.0e+00  }
0xb4: {  	v8 =	vld [tilespmem:s13+$0xA0];
	[tilespmem:s10+$0x110] =	vst v7  }
0xb5: {  	v1 =	vmax.f32 v1, $0.0e+00;
	v4 =	vadd.f32 v5, v4;
	v5 =	vld [tilespmem:s13+$0x120]  }
0xb6: {  	[tilespmem:s10+$0xFFFFFE20] =	vst v1;
	v1 =	vld [tilespmem:s11+$0x120];
	v2 =	vadd.f32 v2, v30  }
0xb7: {  	v36 =	vld [tilespmem:s13+$0xFFFFFE30];
	v4 =	vmax.f32 v4, $0.0e+00  }
0xb8: {  	v2 =	vmax.f32 v2, $0.0e+00;
	[tilespmem:s10+$0xFFFFFEA0] =	vst v4;
	v4 =	vld [tilespmem:s11+$0xFFFFFE30]  }
0xb9: {  	[tilespmem:s10+$0x1C0] =	vst v2;
	v2 =	vld [tilespmem:s11+$0xA0]  }
0xba: {  	v6 =	vadd.f32 v6, v32;
	v37 =	vld [tilespmem:s13+$0xFFFFFEB0]  }
0xbb: {  	v9 =	vadd.f32 v34, v33;
	v3 =	vld [tilespmem:s11+$0xFFFFFEB0]  }
0xbc: {  	v6 =	vmax.f32 v6, $0.0e+00;
	v35 =	vld [tilespmem:s13+$0x1D0]  }
0xbd: {  	[tilespmem:s10+$0xFFFFFFA0] =	vst v6;
	v9 =	vmax.f32 v9, $0.0e+00;
	v7 =	vld [tilespmem:s11+$0x1D0];
	v1 =	vadd.f32 v1, v5  }
0xbe: {  	[tilespmem:s10+$0x20] =	vst v9;
	v40 =	vld [tilespmem:s11+$0xFFFFFFB0];
	v4 =	vadd.f32 v4, v36  }
0xbf: {  	v5 =	vld [tilespmem:s13+$0x30];
	v1 =	vmax.f32 v1, $0.0e+00;
	v2 =	vadd.f32 v2, v8  }
0xc0: {  	[tilespmem:s10+$0x120] =	vst v1;
	v8 =	vld [tilespmem:s13+$0xFFFFFFB0];
	v4 =	vmax.f32 v4, $0.0e+00  }
0xc1: {  	v42 =	vld [tilespmem:s13+$0x130];
	v3 =	vadd.f32 v3, v37;
	v2 =	vmax.f32 v2, $0.0e+00;
	[tilespmem:s10+$0xFFFFFE30] =	vst v4  }
0xc2: {  	v7 =	vadd.f32 v7, v35;
	[tilespmem:s10+$0xA0] =	vst v2;
	v2 =	vld [tilespmem:s11+$0x30]  }
0xc3: {  	v3 =	vmax.f32 v3, $0.0e+00;
	v44 =	vld [tilespmem:s13+$0xFFFFFE40]  }
0xc4: {  	v7 =	vmax.f32 v7, $0.0e+00;
	[tilespmem:s10+$0xFFFFFEB0] =	vst v3;
	v3 =	vld [tilespmem:s11+$0xFFFFFE40]  }
0xc5: {  	[tilespmem:s10+$0x1D0] =	vst v7;
	v7 =	vld [tilespmem:s11+$0xFFFFFF30]  }
0xc6: {  	v41 =	vld [tilespmem:s13+$0xB0]  }
0xc7: {  	v1 =	vld [tilespmem:s11+$0xB0];
	v8 =	vadd.f32 v40, v8  }
0xc8: {  	v45 =	vld [tilespmem:s13+$0xFFFFFEC0]  }
0xc9: {  	v39 =	vld [tilespmem:s13+$0x1E0];
	v8 =	vmax.f32 v8, $0.0e+00;
	v2 =	vadd.f32 v2, v5  }
0xca: {  	v6 =	vld [tilespmem:s11+$0x1E0];
	[tilespmem:s10+$0xFFFFFFB0] =	vst v8;
	v7 =	vadd.f32 v7, v38  }
0xcb: {  	v46 =	vld [tilespmem:s13+$0xFFFFFFC0];
	v2 =	vmax.f32 v2, $0.0e+00  }
0xcc: {  	v1 =	vadd.f32 v1, v41;
	v7 =	vmax.f32 v7, $0.0e+00;
	[tilespmem:s10+$0x30] =	vst v2;
	v2 =	vld [tilespmem:s11+$0xFFFFFFC0]  }
0xcd: {  	[tilespmem:s10+$0xFFFFFF30] =	vst v7;
	v7 =	vld [tilespmem:s11+$0xFFFFFEC0]  }
0xce: {  	v1 =	vmax.f32 v1, $0.0e+00;
	v47 =	vld [tilespmem:s13+$0x40]  }
0xcf: {  	v6 =	vadd.f32 v6, v39;
	[tilespmem:s10+$0xB0] =	vst v1;
	v1 =	vld [tilespmem:s11+$0x40]  }
0xd0: {  	v5 =	vld [tilespmem:s13+$0xFFFFFF40]  }
0xd1: {  	v6 =	vmax.f32 v6, $0.0e+00;
	v8 =	vld [tilespmem:s11+$0xFFFFFF40]  }
0xd2: {  	v3 =	vadd.f32 v3, v44;
	[tilespmem:s10+$0x1E0] =	vst v6;
	v6 =	vld [tilespmem:s11+$0x130]  }
0xd3: {  	v48 =	vld [tilespmem:s13+$0xC0];
	v2 =	vadd.f32 v2, v46  }
0xd4: {  	v3 =	vmax.f32 v3, $0.0e+00;
	v43 =	vld [tilespmem:s13+$0x1F0];
	v7 =	vadd.f32 v7, v45  }
0xd5: {  	[tilespmem:s10+$0xFFFFFE40] =	vst v3;
	v4 =	vld [tilespmem:s11+$0x1F0];
	v2 =	vmax.f32 v2, $0.0e+00  }
0xd6: {  	v1 =	vadd.f32 v1, v47;
	v5 =	vadd.f32 v8, v5;
	v8 =	vld [tilespmem:s13+$0xFFFFFE50];
	v7 =	vmax.f32 v7, $0.0e+00;
	[tilespmem:s10+$0xFFFFFFC0] =	vst v2  }
0xd7: {  	v6 =	vadd.f32 v6, v42;
	[tilespmem:s10+$0xFFFFFEC0] =	vst v7;
	v7 =	vld [tilespmem:s11+$0xFFFFFE50]  }
0xd8: {  	v1 =	vmax.f32 v1, $0.0e+00;
	v52 =	vld [tilespmem:s13+$0xFFFFFFD0]  }
0xd9: {  	v6 =	vmax.f32 v6, $0.0e+00;
	[tilespmem:s10+$0x40] =	vst v1;
	v1 =	vld [tilespmem:s11+$0xFFFFFFD0]  }
0xda: {  	[tilespmem:s10+$0x130] =	vst v6;
	v6 =	vld [tilespmem:s11+$0xC0]  }
0xdb: {  	v5 =	vmax.f32 v5, $0.0e+00;
	v50 =	vld [tilespmem:s13+$0xFFFFFED0]  }
0xdc: {  	[tilespmem:s10+$0xFFFFFF40] =	vst v5;
	v5 =	vld [tilespmem:s11+$0xFFFFFED0]  }
0xdd: {  	v49 =	vld [tilespmem:s13+$0x140]  }
0xde: {  	v3 =	vld [tilespmem:s11+$0x140];
	v7 =	vadd.f32 v7, v8  }
0xdf: {  	v51 =	vld [tilespmem:s13+$0xFFFFFF50];
	v6 =	vadd.f32 v6, v48  }
0xe0: {  	v2 =	vld [tilespmem:s11+$0xFFFFFF50];
	v7 =	vmax.f32 v7, $0.0e+00  }
0xe1: {  	v53 =	vld [tilespmem:s13+$0x50];
	v5 =	vadd.f32 v5, v50;
	v6 =	vmax.f32 v6, $0.0e+00;
	[tilespmem:s10+$0xFFFFFE50] =	vst v7  }
0xe2: {  	[tilespmem:s10+$0xC0] =	vst v6;
	v6 =	vld [tilespmem:s11+$0x50]  }
0xe3: {  	v3 =	vadd.f32 v3, v49;
	v5 =	vmax.f32 v5, $0.0e+00;
	v55 =	vld [tilespmem:s13+$0xFFFFFE60]  }
0xe4: {  	[tilespmem:s10+$0xFFFFFED0] =	vst v5;
	v5 =	vld [tilespmem:s11+$0xFFFFFE60]  }
0xe5: {  	v2 =	vadd.f32 v2, v51;
	v3 =	vmax.f32 v3, $0.0e+00;
	v8 =	vld [tilespmem:s13+$0xD0]  }
0xe6: {  	[tilespmem:s10+$0x140] =	vst v3;
	v3 =	vld [tilespmem:s11+$0xD0]  }
0xe7: {  	v2 =	vmax.f32 v2, $0.0e+00;
	v56 =	vld [tilespmem:s13+$0xFFFFFEE0]  }
0xe8: {  	[tilespmem:s10+$0xFFFFFF50] =	vst v2;
	v2 =	vld [tilespmem:s11+$0xFFFFFEE0]  }
0xe9: {  	v1 =	vadd.f32 v1, v52;
	v54 =	vld [tilespmem:s13+$0x150]  }
0xea: {  	v7 =	vld [tilespmem:s11+$0x150]  }
0xeb: {  	v1 =	vmax.f32 v1, $0.0e+00;
	v57 =	vld [tilespmem:s13+$0xFFFFFF60];
	v6 =	vadd.f32 v6, v53  }
0xec: {  	[tilespmem:s10+$0xFFFFFFD0] =	vst v1;
	v1 =	vld [tilespmem:s11+$0xFFFFFF60];
	v5 =	vadd.f32 v5, v55  }
0xed: {  	v3 =	vadd.f32 v3, v8;
	v8 =	vld [tilespmem:s13+$0xFFFFFFE0];
	v6 =	vmax.f32 v6, $0.0e+00  }
0xee: {  	v5 =	vmax.f32 v5, $0.0e+00;
	[tilespmem:s10+$0x50] =	vst v6;
	v6 =	vld [tilespmem:s11+$0xFFFFFFE0]  }
0xef: {  	v2 =	vadd.f32 v2, v56;
	v3 =	vmax.f32 v3, $0.0e+00;
	[tilespmem:s10+$0xFFFFFE60] =	vst v5;
	v58 =	vld [tilespmem:s13+$0x60]  }
0xf0: {  	[tilespmem:s10+$0xD0] =	vst v3;
	v3 =	vld [tilespmem:s11+$0x60]  }
0xf1: {  	v7 =	vadd.f32 v7, v54;
	v2 =	vmax.f32 v2, $0.0e+00;
	v61 =	vld [tilespmem:s13+$0xFFFFFE70]  }
0xf2: {  	[tilespmem:s10+$0xFFFFFEE0] =	vst v2;
	v2 =	vld [tilespmem:s11+$0xFFFFFE70]  }
0xf3: {  	v7 =	vmax.f32 v7, $0.0e+00;
	v59 =	vld [tilespmem:s13+$0xE0]  }
0xf4: {  	v1 =	vadd.f32 v1, v57;
	[tilespmem:s10+$0x150] =	vst v7;
	v7 =	vld [tilespmem:s11+$0xE0]  }
0xf5: {  	v14 =	vld [tilespmem:s11+$0xFFFFFEF0]  }
0xf6: {  	v1 =	vmax.f32 v1, $0.0e+00;
	v60 =	vld [tilespmem:s13+$0x160]  }
0xf7: {  	[tilespmem:s10+$0xFFFFFF60] =	vst v1;
	v5 =	vld [tilespmem:s11+$0x160];
	v6 =	vadd.f32 v6, v8  }
0xf8: {  	v62 =	vld [tilespmem:s11+$0xFFFFFF70]  }
0xf9: {  	v8 =	vld [tilespmem:s13+$0xFFFFFEF0];
	v3 =	vadd.f32 v3, v58;
	v1 =	vmax.f32 v6, $0.0e+00  }
0xfa: {  	v4 =	vadd.f32 v4, v43;
	v6 =	vld [tilespmem:s13+$0xFFFFFF70];
	[tilespmem:s10+$0xFFFFFFE0] =	vst v1  }
0xfb: {  	v1 =	vmax.f32 v3, $0.0e+00;
	v3 =	vadd.f32 v7, v59;
	v7 =	vld [tilespmem:s13+$0xFFFFFFF0]  }
0xfc: {  	[tilespmem:s10+$0x60] =	vst v1;
	v1 =	vmax.f32 v4, $0.0e+00;
	v4 =	vadd.f32 v5, v60;
	v63 =	vld [tilespmem:s11+$0xFFFFFFF0]  }
0xfd: {  	v2 =	vadd.f32 v2, v61;
	[tilespmem:s10+$0x1F0] =	vst v1;
	v3 =	vmax.f32 v3, $0.0e+00;
	v1 =	vld [tilespmem:s13+$0x70]  }
0xfe: {  	v5 =	vadd.f32 v14, v8;
	[tilespmem:s10+$0xE0] =	vst v3;
	v4 =	vmax.f32 v4, $0.0e+00;
	v3 =	vld [tilespmem:s11+$0x70]  }
0xff: {  	[tilespmem:s10+$0x160] =	vst v4;
	v4 =	vmax.f32 v2, $0.0e+00;
	v6 =	vadd.f32 v62, v6;
	v2 =	vld [tilespmem:s13+$0xF0]  }
0x100: {  	[tilespmem:s10+$0xFFFFFE70] =	vst v4;
	v4 =	vmax.f32 v5, $0.0e+00;
	v5 =	vld [tilespmem:s11+$0xF0]  }
0x101: {  	[tilespmem:s10+$0xFFFFFEF0] =	vst v4;
	v6 =	vmax.f32 v6, $0.0e+00;
	v4 =	vld [tilespmem:s13+$0x170];
	v7 =	vadd.f32 v63, v7  }
0x102: {  	s14 =	simm.s32 $0x5600;
	s13 =	simm.s32 $0x0;
	[tilespmem:s10+$0xFFFFFF70] =	vst v6;
	v6 =	vld [tilespmem:s11+$0x170]  }
.LBB2_6:
0x103: {  	v8 =	vld [tilespmem:s14+$0x180];
	v7 =	vmax.f32 v7, $0.0e+00;
	v1 =	vadd.f32 v3, v1;
	s11 =	sadd.s32 $0x400, s11  }
0x104: {  	v3 =	vld [tilespmem:s11+$0x180];
	[tilespmem:s10+$0xFFFFFFF0] =	vst v7  }
0x105: {  	v7 =	vld [tilespmem:s11+$0xFFFFFE00];
	v1 =	vmax.f32 v1, $0.0e+00;
	v2 =	vadd.f32 v5, v2  }
0x106: {  	v5 =	vld [tilespmem:s14+$0xFFFFFE80];
	[tilespmem:s10+$0x70] =	vst v1  }
0x107: {  	v1 =	vld [tilespmem:s11+$0xFFFFFE80];
	v2 =	vmax.f32 v2, $0.0e+00;
	v4 =	vadd.f32 v6, v4  }
0x108: {  	v6 =	vld [tilespmem:s14+$0xFFFFFF00];
	[tilespmem:s10+$0xF0] =	vst v2  }
0x109: {  	v2 =	vld [tilespmem:s11+$0xFFFFFF00];
	v3 =	vadd.f32 v3, v8;
	v4 =	vmax.f32 v4, $0.0e+00  }
0x10a: {  	v8 =	vld [tilespmem:s14+$0xFFFFFF80];
	[tilespmem:s10+$0x170] =	vst v4  }
0x10b: {  	s13 =	sadd.s32 $0x8, s13;
	s10 =	sadd.s32 $0x400, s10;
	v4 =	vld [tilespmem:s11+$0xFFFFFF80];
	v3 =	vmax.f32 v3, $0.0e+00  }
0x10c: {  	p1 =	slt.u32 s13, $0x18;
	v1 =	vadd.f32 v1, v5;
	v5 =	vld [tilespmem:s14+$0x0];
	[tilespmem:s10+$0x180] =	vst v3  }
0x10d: {  	v3 =	vld [tilespmem:s14+$0x190]  }
0x10e: {  	v1 =	vmax.f32 v1, $0.0e+00;
	v2 =	vadd.f32 v2, v6;
	v6 =	vld [tilespmem:s11+$0x190]  }
0x10f: {  	[tilespmem:s10+$0xFFFFFE80] =	vst v1;
	v1 =	vld [tilespmem:s11+$0x0]  }
0x110: {  	v2 =	vmax.f32 v2, $0.0e+00;
	v4 =	vadd.f32 v4, v8;
	v8 =	vld [tilespmem:s14+$0x80]  }
0x111: {  	[tilespmem:s10+$0xFFFFFF00] =	vst v2;
	v2 =	vld [tilespmem:s11+$0x80]  }
0x112: {  	v4 =	vmax.f32 v4, $0.0e+00;
	v9 =	vld [tilespmem:s14+$0x100]  }
0x113: {  	[tilespmem:s10+$0xFFFFFF80] =	vst v4;
	v4 =	vld [tilespmem:s11+$0x100];
	v3 =	vadd.f32 v6, v3  }
0x114: {  	v6 =	vld [tilespmem:s14+$0xFFFFFE00];
	v1 =	vadd.f32 v1, v5  }
0x115: {  	v5 =	vld [tilespmem:s14+$0xFFFFFE90];
	v3 =	vmax.f32 v3, $0.0e+00  }
0x116: {  	v10 =	vld [tilespmem:s11+$0xFFFFFE90];
	v1 =	vmax.f32 v1, $0.0e+00;
	v2 =	vadd.f32 v2, v8;
	[tilespmem:s10+$0x190] =	vst v3  }
0x117: {  	[tilespmem:s10+$0x0] =	vst v1;
	v1 =	vld [tilespmem:s14+$0x1A0]  }
0x118: {  	v2 =	vmax.f32 v2, $0.0e+00;
	v3 =	vadd.f32 v4, v9;
	v4 =	vld [tilespmem:s11+$0x1A0]  }
0x119: {  	v6 =	vadd.f32 v7, v6;
	v7 =	vld [tilespmem:s14+$0xFFFFFF10];
	[tilespmem:s10+$0x80] =	vst v2  }
0x11a: {  	v2 =	vld [tilespmem:s11+$0xFFFFFF10];
	v3 =	vmax.f32 v3, $0.0e+00  }
0x11b: {  	v6 =	vmax.f32 v6, $0.0e+00;
	v5 =	vadd.f32 v10, v5;
	v8 =	vld [tilespmem:s14+$0xFFFFFF90];
	[tilespmem:s10+$0x100] =	vst v3  }
0x11c: {  	[tilespmem:s10+$0xFFFFFE00] =	vst v6;
	v3 =	vld [tilespmem:s11+$0xFFFFFF90]  }
0x11d: {  	v6 =	vld [tilespmem:s14+$0xFFFFFE10];
	v5 =	vmax.f32 v5, $0.0e+00;
	v1 =	vadd.f32 v4, v1  }
0x11e: {  	v4 =	vld [tilespmem:s11+$0xFFFFFE10];
	[tilespmem:s10+$0xFFFFFE90] =	vst v5  }
0x11f: {  	v2 =	vadd.f32 v2, v7;
	v5 =	vld [tilespmem:s14+$0x10];
	v1 =	vmax.f32 v1, $0.0e+00  }
0x120: {  	v7 =	vld [tilespmem:s11+$0x10];
	[tilespmem:s10+$0x1A0] =	vst v1  }
0x121: {  	v1 =	vmax.f32 v2, $0.0e+00;
	v2 =	vadd.f32 v3, v8;
	v3 =	vld [tilespmem:s14+$0x1B0]  }
0x122: {  	[tilespmem:s10+$0xFFFFFF10] =	vst v1;
	v1 =	vld [tilespmem:s11+$0x1B0]  }
0x123: {  	v4 =	vadd.f32 v4, v6;
	v2 =	vmax.f32 v2, $0.0e+00;
	v6 =	vld [tilespmem:s14+$0x90]  }
0x124: {  	[tilespmem:s10+$0xFFFFFF90] =	vst v2;
	v2 =	vld [tilespmem:s11+$0x90]  }
0x125: {  	v4 =	vmax.f32 v4, $0.0e+00;
	v5 =	vadd.f32 v7, v5;
	v7 =	vld [tilespmem:s14+$0x110]  }
0x126: {  	[tilespmem:s10+$0xFFFFFE10] =	vst v4;
	v4 =	vld [tilespmem:s11+$0x110]  }
0x127: {  	v8 =	vld [tilespmem:s14+$0xFFFFFE20];
	v5 =	vmax.f32 v5, $0.0e+00;
	v1 =	vadd.f32 v1, v3  }
0x128: {  	v3 =	vld [tilespmem:s11+$0xFFFFFE20];
	[tilespmem:s10+$0x10] =	vst v5  }
0x129: {  	v5 =	vld [tilespmem:s14+$0xFFFFFEA0];
	v2 =	vadd.f32 v2, v6;
	v1 =	vmax.f32 v1, $0.0e+00  }
0x12a: {  	v6 =	vld [tilespmem:s11+$0xFFFFFEA0];
	[tilespmem:s10+$0x1B0] =	vst v1  }
0x12b: {  	v1 =	vmax.f32 v2, $0.0e+00;
	v2 =	vadd.f32 v4, v7;
	v4 =	vld [tilespmem:s14+$0x1C0]  }
0x12c: {  	[tilespmem:s10+$0x90] =	vst v1;
	v1 =	vld [tilespmem:s11+$0x1C0]  }
0x12d: {  	v3 =	vadd.f32 v3, v8;
	v7 =	vld [tilespmem:s14+$0xFFFFFF20];
	v2 =	vmax.f32 v2, $0.0e+00  }
0x12e: {  	v8 =	vld [tilespmem:s11+$0xFFFFFF20];
	[tilespmem:s10+$0x110] =	vst v2  }
0x12f: {  	v2 =	vmax.f32 v3, $0.0e+00;
	v3 =	vadd.f32 v6, v5;
	v5 =	vld [tilespmem:s14+$0xFFFFFFA0]  }
0x130: {  	[tilespmem:s10+$0xFFFFFE20] =	vst v2;
	v2 =	vld [tilespmem:s11+$0xFFFFFFA0]  }
0x131: {  	v3 =	vmax.f32 v3, $0.0e+00;
	v6 =	vld [tilespmem:s14+$0x20];
	v1 =	vadd.f32 v1, v4  }
0x132: {  	[tilespmem:s10+$0xFFFFFEA0] =	vst v3;
	v3 =	vld [tilespmem:s11+$0x20]  }
0x133: {  	v4 =	vadd.f32 v8, v7;
	v7 =	vld [tilespmem:s14+$0xA0];
	v1 =	vmax.f32 v1, $0.0e+00  }
0x134: {  	v8 =	vld [tilespmem:s11+$0xA0];
	[tilespmem:s10+$0x1C0] =	vst v1  }
0x135: {  	v1 =	vmax.f32 v4, $0.0e+00;
	v2 =	vadd.f32 v2, v5;
	v4 =	vld [tilespmem:s14+$0x1D0]  }
0x136: {  	[tilespmem:s10+$0xFFFFFF20] =	vst v1;
	v1 =	vld [tilespmem:s11+$0x1D0]  }
0x137: {  	v2 =	vmax.f32 v2, $0.0e+00;
	v3 =	vadd.f32 v3, v6;
	v5 =	vld [tilespmem:s14+$0x120]  }
0x138: {  	[tilespmem:s10+$0xFFFFFFA0] =	vst v2;
	v2 =	vld [tilespmem:s11+$0x120]  }
0x139: {  	v6 =	vld [tilespmem:s14+$0xFFFFFE30];
	v3 =	vmax.f32 v3, $0.0e+00;
	v7 =	vadd.f32 v8, v7  }
0x13a: {  	v8 =	vld [tilespmem:s11+$0xFFFFFE30];
	[tilespmem:s10+$0x20] =	vst v3  }
0x13b: {  	v3 =	vld [tilespmem:s14+$0xFFFFFEB0];
	v7 =	vmax.f32 v7, $0.0e+00;
	v1 =	vadd.f32 v1, v4  }
0x13c: {  	v4 =	vld [tilespmem:s11+$0xFFFFFEB0];
	[tilespmem:s10+$0xA0] =	vst v7  }
0x13d: {  	v7 =	vld [tilespmem:s14+$0xFFFFFF30];
	v2 =	vadd.f32 v2, v5;
	v1 =	vmax.f32 v1, $0.0e+00  }
0x13e: {  	v5 =	vld [tilespmem:s11+$0xFFFFFF30];
	[tilespmem:s10+$0x1D0] =	vst v1  }
0x13f: {  	v1 =	vadd.f32 v8, v6;
	v2 =	vmax.f32 v2, $0.0e+00;
	v6 =	vld [tilespmem:s14+$0x1E0]  }
0x140: {  	[tilespmem:s10+$0x120] =	vst v2;
	v2 =	vld [tilespmem:s11+$0x1E0]  }
0x141: {  	v1 =	vmax.f32 v1, $0.0e+00;
	v3 =	vadd.f32 v4, v3;
	v4 =	vld [tilespmem:s14+$0xFFFFFFB0]  }
0x142: {  	[tilespmem:s10+$0xFFFFFE30] =	vst v1;
	v1 =	vld [tilespmem:s11+$0xFFFFFFB0]  }
0x143: {  	v3 =	vmax.f32 v3, $0.0e+00;
	v5 =	vadd.f32 v5, v7;
	v7 =	vld [tilespmem:s14+$0x30]  }
0x144: {  	[tilespmem:s10+$0xFFFFFEB0] =	vst v3;
	v3 =	vld [tilespmem:s11+$0x30]  }
0x145: {  	v5 =	vmax.f32 v5, $0.0e+00;
	v8 =	vld [tilespmem:s14+$0xB0];
	v2 =	vadd.f32 v2, v6  }
0x146: {  	[tilespmem:s10+$0xFFFFFF30] =	vst v5;
	v5 =	vld [tilespmem:s11+$0xB0]  }
0x147: {  	v1 =	vadd.f32 v1, v4;
	v4 =	vld [tilespmem:s14+$0x130];
	v2 =	vmax.f32 v2, $0.0e+00  }
0x148: {  	v6 =	vld [tilespmem:s11+$0x130];
	[tilespmem:s10+$0x1E0] =	vst v2  }
0x149: {  	v1 =	vmax.f32 v1, $0.0e+00;
	v2 =	vadd.f32 v3, v7;
	v3 =	vld [tilespmem:s14+$0x1F0]  }
0x14a: {  	[tilespmem:s10+$0xFFFFFFB0] =	vst v1;
	v1 =	vld [tilespmem:s11+$0x1F0]  }
0x14b: {  	v7 =	vld [tilespmem:s14+$0xFFFFFE40];
	v2 =	vmax.f32 v2, $0.0e+00;
	v5 =	vadd.f32 v5, v8  }
0x14c: {  	v8 =	vld [tilespmem:s11+$0xFFFFFE40];
	[tilespmem:s10+$0x30] =	vst v2  }
0x14d: {  	v2 =	vld [tilespmem:s14+$0xFFFFFEC0];
	v5 =	vmax.f32 v5, $0.0e+00;
	v4 =	vadd.f32 v6, v4  }
0x14e: {  	v6 =	vld [tilespmem:s11+$0xFFFFFEC0];
	[tilespmem:s10+$0xB0] =	vst v5  }
0x14f: {  	v5 =	vld [tilespmem:s14+$0xFFFFFF40];
	v4 =	vmax.f32 v4, $0.0e+00;
	v1 =	vadd.f32 v1, v3  }
0x150: {  	v3 =	vld [tilespmem:s11+$0xFFFFFF40];
	[tilespmem:s10+$0x130] =	vst v4  }
0x151: {  	v4 =	vadd.f32 v8, v7;
	v7 =	vld [tilespmem:s14+$0xFFFFFFC0];
	v1 =	vmax.f32 v1, $0.0e+00  }
0x152: {  	v8 =	vld [tilespmem:s11+$0xFFFFFFC0];
	[tilespmem:s10+$0x1F0] =	vst v1  }
0x153: {  	v1 =	vmax.f32 v4, $0.0e+00;
	v2 =	vadd.f32 v6, v2;
	v4 =	vld [tilespmem:s14+$0x40]  }
0x154: {  	[tilespmem:s10+$0xFFFFFE40] =	vst v1;
	v1 =	vld [tilespmem:s11+$0x40]  }
0x155: {  	v2 =	vmax.f32 v2, $0.0e+00;
	v3 =	vadd.f32 v3, v5;
	v5 =	vld [tilespmem:s14+$0xC0]  }
0x156: {  	[tilespmem:s10+$0xFFFFFEC0] =	vst v2;
	v2 =	vld [tilespmem:s11+$0xC0]  }
0x157: {  	v3 =	vmax.f32 v3, $0.0e+00;
	v6 =	vadd.f32 v8, v7;
	v7 =	vld [tilespmem:s14+$0x140]  }
0x158: {  	[tilespmem:s10+$0xFFFFFF40] =	vst v3;
	v3 =	vld [tilespmem:s11+$0x140]  }
0x159: {  	v8 =	vld [tilespmem:s14+$0xFFFFFE50];
	v6 =	vmax.f32 v6, $0.0e+00;
	v1 =	vadd.f32 v1, v4  }
0x15a: {  	v4 =	vld [tilespmem:s11+$0xFFFFFE50];
	[tilespmem:s10+$0xFFFFFFC0] =	vst v6  }
0x15b: {  	v6 =	vld [tilespmem:s14+$0xFFFFFED0];
	v1 =	vmax.f32 v1, $0.0e+00;
	v2 =	vadd.f32 v2, v5  }
0x15c: {  	v5 =	vld [tilespmem:s11+$0xFFFFFED0];
	[tilespmem:s10+$0x40] =	vst v1  }
0x15d: {  	v1 =	vld [tilespmem:s14+$0xFFFFFF50];
	v2 =	vmax.f32 v2, $0.0e+00;
	v3 =	vadd.f32 v3, v7  }
0x15e: {  	v7 =	vld [tilespmem:s11+$0xFFFFFF50];
	[tilespmem:s10+$0xC0] =	vst v2  }
0x15f: {  	v2 =	vadd.f32 v4, v8;
	v4 =	vld [tilespmem:s14+$0xFFFFFFD0];
	v3 =	vmax.f32 v3, $0.0e+00  }
0x160: {  	v8 =	vld [tilespmem:s11+$0xFFFFFFD0];
	[tilespmem:s10+$0x140] =	vst v3  }
0x161: {  	v2 =	vmax.f32 v2, $0.0e+00;
	v3 =	vadd.f32 v5, v6;
	v5 =	vld [tilespmem:s14+$0x50]  }
0x162: {  	[tilespmem:s10+$0xFFFFFE50] =	vst v2;
	v2 =	vld [tilespmem:s11+$0x50]  }
0x163: {  	v3 =	vmax.f32 v3, $0.0e+00;
	v1 =	vadd.f32 v7, v1;
	v6 =	vld [tilespmem:s14+$0xD0]  }
0x164: {  	[tilespmem:s10+$0xFFFFFED0] =	vst v3;
	v3 =	vld [tilespmem:s11+$0xD0]  }
0x165: {  	v1 =	vmax.f32 v1, $0.0e+00;
	v4 =	vadd.f32 v8, v4;
	v7 =	vld [tilespmem:s14+$0x150]  }
0x166: {  	[tilespmem:s10+$0xFFFFFF50] =	vst v1;
	v1 =	vld [tilespmem:s11+$0x150]  }
0x167: {  	v8 =	vld [tilespmem:s14+$0xFFFFFE60];
	v4 =	vmax.f32 v4, $0.0e+00;
	v2 =	vadd.f32 v2, v5  }
0x168: {  	v5 =	vld [tilespmem:s11+$0xFFFFFE60];
	[tilespmem:s10+$0xFFFFFFD0] =	vst v4  }
0x169: {  	v4 =	vld [tilespmem:s14+$0xFFFFFEE0];
	v2 =	vmax.f32 v2, $0.0e+00;
	v3 =	vadd.f32 v3, v6  }
0x16a: {  	v6 =	vld [tilespmem:s11+$0xFFFFFEE0];
	[tilespmem:s10+$0x50] =	vst v2  }
0x16b: {  	v2 =	vld [tilespmem:s14+$0xFFFFFF60];
	v3 =	vmax.f32 v3, $0.0e+00;
	v1 =	vadd.f32 v1, v7  }
0x16c: {  	v7 =	vld [tilespmem:s11+$0xFFFFFF60];
	[tilespmem:s10+$0xD0] =	vst v3  }
0x16d: {  	v3 =	vadd.f32 v5, v8;
	v5 =	vld [tilespmem:s14+$0xFFFFFFE0];
	v1 =	vmax.f32 v1, $0.0e+00  }
0x16e: {  	v8 =	vld [tilespmem:s11+$0xFFFFFFE0];
	[tilespmem:s10+$0x150] =	vst v1  }
0x16f: {  	v1 =	vmax.f32 v3, $0.0e+00;
	v3 =	vadd.f32 v6, v4;
	v4 =	vld [tilespmem:s14+$0x60]  }
0x170: {  	[tilespmem:s10+$0xFFFFFE60] =	vst v1;
	v1 =	vld [tilespmem:s11+$0x60]  }
0x171: {  	v3 =	vmax.f32 v3, $0.0e+00;
	v2 =	vadd.f32 v7, v2;
	v6 =	vld [tilespmem:s14+$0xE0]  }
0x172: {  	[tilespmem:s10+$0xFFFFFEE0] =	vst v3;
	v3 =	vld [tilespmem:s11+$0xE0]  }
0x173: {  	v2 =	vmax.f32 v2, $0.0e+00;
	v5 =	vadd.f32 v8, v5;
	v7 =	vld [tilespmem:s14+$0x160]  }
0x174: {  	[tilespmem:s10+$0xFFFFFF60] =	vst v2;
	v2 =	vld [tilespmem:s11+$0x160]  }
0x175: {  	v8 =	vld [tilespmem:s14+$0xFFFFFE70];
	v5 =	vmax.f32 v5, $0.0e+00;
	v1 =	vadd.f32 v1, v4  }
0x176: {  	v4 =	vld [tilespmem:s11+$0xFFFFFE70];
	[tilespmem:s10+$0xFFFFFFE0] =	vst v5  }
0x177: {  	v5 =	vld [tilespmem:s14+$0xFFFFFEF0];
	v1 =	vmax.f32 v1, $0.0e+00;
	v3 =	vadd.f32 v3, v6  }
0x178: {  	v6 =	vld [tilespmem:s11+$0xFFFFFEF0];
	[tilespmem:s10+$0x60] =	vst v1  }
0x179: {  	v9 =	vld [tilespmem:s14+$0xFFFFFF70];
	v1 =	vmax.f32 v3, $0.0e+00;
	v2 =	vadd.f32 v2, v7  }
0x17a: {  	v7 =	vld [tilespmem:s11+$0xFFFFFF70];
	[tilespmem:s10+$0xE0] =	vst v1  }
0x17b: {  	v1 =	vadd.f32 v4, v8;
	v4 =	vld [tilespmem:s14+$0xFFFFFFF0];
	v2 =	vmax.f32 v2, $0.0e+00  }
0x17c: {  	v8 =	vld [tilespmem:s11+$0xFFFFFFF0];
	[tilespmem:s10+$0x160] =	vst v2  }
0x17d: {  	v2 =	vmax.f32 v1, $0.0e+00;
	v5 =	vadd.f32 v6, v5;
	v1 =	vld [tilespmem:s14+$0x70]  }
.Ltmp6:
0x17e: {  	[tilespmem:s10+$0xFFFFFE70] =	vst v2;
	v3 =	vld [tilespmem:s11+$0x70];
	(pc) =	sbr.rel @p1 .LBB2_6-.Ltmp6, $4  }
0x17f: {  	v5 =	vmax.f32 v5, $0.0e+00;
	v6 =	vadd.f32 v7, v9;
	v2 =	vld [tilespmem:s14+$0xF0]  }
0x180: {  	[tilespmem:s10+$0xFFFFFEF0] =	vst v5;
	v5 =	vld [tilespmem:s11+$0xF0]  }
0x181: {  	v6 =	vmax.f32 v6, $0.0e+00;
	v7 =	vadd.f32 v8, v4;
	v4 =	vld [tilespmem:s14+$0x170]  }
0x182: {  	s14 =	sadd.s32 $0x400, s14;
	[tilespmem:s10+$0xFFFFFF70] =	vst v6;
	v6 =	vld [tilespmem:s11+$0x170]  }
0x183: {  	_ =	sdelay $0x1  }
0x184: {  	v1 =	vadd.f32 v3, v1  }
0x185: {  	v3 =	vmax.f32 v7, $0.0e+00;
	v2 =	vadd.f32 v5, v2  }
0x186: {  	[tilespmem:s10+$0xFFFFFFF0] =	vst v3;
	v1 =	vmax.f32 v1, $0.0e+00;
	v3 =	vadd.f32 v6, v4  }
0x187: {  	s11 =	sshll.u32 s8, $0x9;
	[tilespmem:s10+$0x70] =	vst v1;
	v1 =	vmax.f32 v2, $0.0e+00  }
0x188: {  	s11 =	sand.u32 $0x3FFFFE00, s11;
	[tilespmem:s10+$0xF0] =	vst v1;
	v1 =	vmax.f32 v3, $0.0e+00  }
0x189: {  	s17 =	sadd.s32 $0x2800, s11;
	[tilespmem:s10+$0x170] =	vst v1  }
0x18a: {  	[spmem:s2] =	stream.indirect.scatter.add.f32 [tilespmem:s30], [sflag:$0x9], $0x20, s17, s23, $0xb8;
	[tilespmem:$0x13000] =	vst v63  }
0x18b: {  	_ =	swait.ge [sflag:s22], $0x1000  }
0x18c: {  	[sflag:s22] =	ssyncset.done $0x0  }
0x18d: {  	[sflag:s22] =	ssyncadd.s32 $0xFFFFF000  }
.LBB2_8:
0x18e: {  	s10 =	sor.u32 $0x2, s9  }
0x18f: {  	p1 =	sge.u32 s10, s7  }
0x190: {  	s11 =	sshll.u32 @!p1 s10, $0x7  }
0x191: {  	s13 =	simm.s32 @!p1 $0x80;
	s14 =	simm.s32 @!p1 $0x7000;
	s11 =	sand.u32 @!p1 $0x3FFFFF80, s11  }
0x192: {  	[tilespmem:s14], [sflag:$0x3] =	stream.indirect.gather @!p1 [hbm4b:s4+s13], $0x20, s11, s13, $0xb8;
	[tilespmem:$0x13000] =	vst v63  }
0x193: {  	s11 =	sadd.s32 @!p1 s6, s10  }
0x194: {  	s11 =	sshll.u32 @!p1 s11, $0x9  }
0x195: {  	s11 =	sand.u32 @!p1 $0x1FFFFC00, s11  }
0x196: {  	s13 =	simm.s32 @!p1 $0x0;
	s14 =	simm.s32 @!p1 $0xB000;
	s11 =	sadd.s32 @!p1 s5, s11  }
0x197: {  	[tilespmem:s14], [sflag:$0x7] =	stream.linear.gather @!p1 [hbm4b:s11+s13], $0x1000, $0x38;
	[tilespmem:$0x13000] =	vst v63  }
0x198: {  	s11 =	sor.u32 $0x1, s9  }
0x199: {  	p2 =	sge.u32 s11, s7  }
.Ltmp7:
0x19a: {  	_ = 	snop;
	(pc) =	sbr.rel @p2 .LBB2_12-.Ltmp7, $1  }
0x19b: {  	_ =	sdelay $0x3  }
0x19c: {  	_ =	swait.ge [sflag:s31], $0x1000  }
0x19d: {  	[sflag:s31] =	ssyncset.done $0x0  }
0x19e: {  	[sflag:s31] =	ssyncadd.s32 $0xFFFFF000  }
0x19f: {  	_ =	swait.ge [sflag:s1], $0x1000  }
0x1a0: {  	[sflag:s1] =	ssyncset.done $0x0  }
0x1a1: {  	s16 =	simm.s32 $0x6200;
	[sflag:s1] =	ssyncadd.s32 $0xFFFFF000  }
0x1a2: {  	s14 =	simm.s32 $0xA200;
	v1 =	vld [tilespmem:s16+$0x180]  }
0x1a3: {  	v2 =	vld [tilespmem:s14+$0x180]  }
0x1a4: {  	v3 =	vld [tilespmem:s14+$0xFFFFFE00]  }
0x1a5: {  	v4 =	vld [tilespmem:s16+$0xFFFFFE80]  }
0x1a6: {  	v5 =	vld [tilespmem:s14+$0xFFFFFE80]  }
0x1a7: {  	v6 =	vld [tilespmem:s16+$0xFFFFFF00]  }
0x1a8: {  	v7 =	vld [tilespmem:s14+$0xFFFFFF00]  }
0x1a9: {  	v8 =	vld [tilespmem:s14+$0xFFFFFF80]  }
0x1aa: {  	v9 =	vld [tilespmem:s16+$0x0]  }
0x1ab: {  	v11 =	vld [tilespmem:s14+$0x0]  }
0x1ac: {  	v12 =	vld [tilespmem:s16+$0x80];
	v1 =	vadd.f32 v2, v1  }
0x1ad: {  	v13 =	vld [tilespmem:s16+$0x100];
	v4 =	vadd.f32 v5, v4  }
0x1ae: {  	s13 =	simm.s32 $0xD200;
	v2 =	vld [tilespmem:s16+$0xFFFFFF80];
	v1 =	vmax.f32 v1, $0.0e+00  }
0x1af: {  	v5 =	vld [tilespmem:s14+$0x80];
	v4 =	vmax.f32 v4, $0.0e+00;
	[tilespmem:s13+$0x180] =	vst v1  }
0x1b0: {  	[tilespmem:s13+$0xFFFFFE80] =	vst v4;
	v4 =	vld [tilespmem:s16+$0xFFFFFE00]  }
0x1b1: {  	v9 =	vadd.f32 v11, v9;
	v1 =	vld [tilespmem:s16+$0x190]  }
0x1b2: {  	v6 =	vadd.f32 v7, v6;
	v10 =	vld [tilespmem:s14+$0x190]  }
0x1b3: {  	v22 =	vld [tilespmem:s14+$0x100];
	v9 =	vmax.f32 v9, $0.0e+00  }
0x1b4: {  	v6 =	vmax.f32 v6, $0.0e+00;
	[tilespmem:s13+$0x0] =	vst v9;
	v7 =	vld [tilespmem:s16+$0xFFFFFE90];
	v2 =	vadd.f32 v8, v2  }
0x1b5: {  	[tilespmem:s13+$0xFFFFFF00] =	vst v6;
	v25 =	vld [tilespmem:s16+$0x10];
	v5 =	vadd.f32 v5, v12  }
0x1b6: {  	v2 =	vmax.f32 v2, $0.0e+00;
	v3 =	vadd.f32 v3, v4;
	v4 =	vld [tilespmem:s16+$0xFFFFFF10]  }
0x1b7: {  	v5 =	vmax.f32 v5, $0.0e+00;
	[tilespmem:s13+$0xFFFFFF80] =	vst v2;
	v2 =	vld [tilespmem:s14+$0xFFFFFF10];
	v1 =	vadd.f32 v10, v1  }
0x1b8: {  	[tilespmem:s13+$0x80] =	vst v5;
	v23 =	vld [tilespmem:s16+$0xFFFFFF90];
	v3 =	vmax.f32 v3, $0.0e+00  }
0x1b9: {  	v27 =	vld [tilespmem:s16+$0x90];
	v1 =	vmax.f32 v1, $0.0e+00;
	[tilespmem:s13+$0xFFFFFE00] =	vst v3  }
0x1ba: {  	v3 =	vld [tilespmem:s14+$0xFFFFFF90];
	[tilespmem:s13+$0x190] =	vst v1  }
0x1bb: {  	v8 =	vld [tilespmem:s16+$0x1A0]  }
0x1bc: {  	v6 =	vld [tilespmem:s14+$0x1A0];
	v2 =	vadd.f32 v2, v4  }
0x1bd: {  	v28 =	vld [tilespmem:s14+$0x90]  }
0x1be: {  	v1 =	vld [tilespmem:s14+$0xFFFFFE90];
	v2 =	vmax.f32 v2, $0.0e+00  }
0x1bf: {  	v24 =	vld [tilespmem:s14+$0xFFFFFE10];
	v3 =	vadd.f32 v3, v23;
	[tilespmem:s13+$0xFFFFFF10] =	vst v2  }
0x1c0: {  	v31 =	vld [tilespmem:s16+$0xFFFFFF20]  }
0x1c1: {  	v6 =	vadd.f32 v6, v8;
	v8 =	vld [tilespmem:s16+$0xFFFFFE10];
	v3 =	vmax.f32 v3, $0.0e+00  }
0x1c2: {  	[tilespmem:s13+$0xFFFFFF90] =	vst v3;
	v3 =	vld [tilespmem:s14+$0xFFFFFF20]  }
0x1c3: {  	v1 =	vadd.f32 v1, v7;
	v6 =	vmax.f32 v6, $0.0e+00;
	v32 =	vld [tilespmem:s16+$0xFFFFFFA0]  }
0x1c4: {  	v10 =	vadd.f32 v22, v13;
	[tilespmem:s13+$0x1A0] =	vst v6;
	v6 =	vld [tilespmem:s14+$0x10]  }
0x1c5: {  	v1 =	vmax.f32 v1, $0.0e+00;
	v26 =	vld [tilespmem:s16+$0x1B0]  }
0x1c6: {  	v10 =	vmax.f32 v10, $0.0e+00;
	[tilespmem:s13+$0xFFFFFE90] =	vst v1;
	v5 =	vld [tilespmem:s14+$0x1B0];
	v8 =	vadd.f32 v24, v8  }
0x1c7: {  	[tilespmem:s13+$0x100] =	vst v10;
	v4 =	vld [tilespmem:s16+$0xFFFFFEA0]  }
0x1c8: {  	v3 =	vadd.f32 v3, v31;
	v7 =	vmax.f32 v8, $0.0e+00;
	v8 =	vld [tilespmem:s16+$0x110]  }
0x1c9: {  	[tilespmem:s13+$0xFFFFFE10] =	vst v7;
	v7 =	vld [tilespmem:s14+$0x110]  }
0x1ca: {  	v6 =	vadd.f32 v6, v25;
	v3 =	vmax.f32 v3, $0.0e+00;
	v29 =	vld [tilespmem:s16+$0xFFFFFE20]  }
0x1cb: {  	v5 =	vadd.f32 v5, v26;
	v1 =	vld [tilespmem:s14+$0xFFFFFE20];
	[tilespmem:s13+$0xFFFFFF20] =	vst v3  }
0x1cc: {  	v6 =	vmax.f32 v6, $0.0e+00;
	v38 =	vld [tilespmem:s16+$0xFFFFFF30]  }
0x1cd: {  	v5 =	vmax.f32 v5, $0.0e+00;
	[tilespmem:s13+$0x10] =	vst v6;
	v6 =	vld [tilespmem:s14+$0xFFFFFFA0]  }
0x1ce: {  	[tilespmem:s13+$0x1B0] =	vst v5;
	v5 =	vld [tilespmem:s14+$0xFFFFFEA0]  }
0x1cf: {  	v9 =	vadd.f32 v28, v27;
	v30 =	vld [tilespmem:s16+$0x1C0]  }
0x1d0: {  	v2 =	vld [tilespmem:s14+$0x1C0];
	v7 =	vadd.f32 v7, v8  }
0x1d1: {  	v9 =	vmax.f32 v9, $0.0e+00;
	v33 =	vld [tilespmem:s16+$0x20]  }
0x1d2: {  	[tilespmem:s13+$0x90] =	vst v9;
	v34 =	vld [tilespmem:s14+$0x20];
	v1 =	vadd.f32 v1, v29;
	v7 =	vmax.f32 v7, $0.0e+00  }
0x1d3: {  	v8 =	vld [tilespmem:s16+$0xA0];
	[tilespmem:s13+$0x110] =	vst v7  }
0x1d4: {  	v1 =	vmax.f32 v1, $0.0e+00;
	v4 =	vadd.f32 v5, v4;
	v5 =	vld [tilespmem:s16+$0x120]  }
0x1d5: {  	[tilespmem:s13+$0xFFFFFE20] =	vst v1;
	v1 =	vld [tilespmem:s14+$0x120];
	v2 =	vadd.f32 v2, v30  }
0x1d6: {  	v36 =	vld [tilespmem:s16+$0xFFFFFE30];
	v4 =	vmax.f32 v4, $0.0e+00  }
0x1d7: {  	v2 =	vmax.f32 v2, $0.0e+00;
	[tilespmem:s13+$0xFFFFFEA0] =	vst v4;
	v4 =	vld [tilespmem:s14+$0xFFFFFE30]  }
0x1d8: {  	[tilespmem:s13+$0x1C0] =	vst v2;
	v2 =	vld [tilespmem:s14+$0xA0]  }
0x1d9: {  	v6 =	vadd.f32 v6, v32;
	v37 =	vld [tilespmem:s16+$0xFFFFFEB0]  }
0x1da: {  	v9 =	vadd.f32 v34, v33;
	v3 =	vld [tilespmem:s14+$0xFFFFFEB0]  }
0x1db: {  	v6 =	vmax.f32 v6, $0.0e+00;
	v35 =	vld [tilespmem:s16+$0x1D0]  }
0x1dc: {  	[tilespmem:s13+$0xFFFFFFA0] =	vst v6;
	v9 =	vmax.f32 v9, $0.0e+00;
	v7 =	vld [tilespmem:s14+$0x1D0];
	v1 =	vadd.f32 v1, v5  }
0x1dd: {  	[tilespmem:s13+$0x20] =	vst v9;
	v40 =	vld [tilespmem:s14+$0xFFFFFFB0];
	v4 =	vadd.f32 v4, v36  }
0x1de: {  	v5 =	vld [tilespmem:s16+$0x30];
	v1 =	vmax.f32 v1, $0.0e+00;
	v2 =	vadd.f32 v2, v8  }
0x1df: {  	[tilespmem:s13+$0x120] =	vst v1;
	v8 =	vld [tilespmem:s16+$0xFFFFFFB0];
	v4 =	vmax.f32 v4, $0.0e+00  }
0x1e0: {  	v42 =	vld [tilespmem:s16+$0x130];
	v3 =	vadd.f32 v3, v37;
	v2 =	vmax.f32 v2, $0.0e+00;
	[tilespmem:s13+$0xFFFFFE30] =	vst v4  }
0x1e1: {  	v7 =	vadd.f32 v7, v35;
	[tilespmem:s13+$0xA0] =	vst v2;
	v2 =	vld [tilespmem:s14+$0x30]  }
0x1e2: {  	v3 =	vmax.f32 v3, $0.0e+00;
	v44 =	vld [tilespmem:s16+$0xFFFFFE40]  }
0x1e3: {  	v7 =	vmax.f32 v7, $0.0e+00;
	[tilespmem:s13+$0xFFFFFEB0] =	vst v3;
	v3 =	vld [tilespmem:s14+$0xFFFFFE40]  }
0x1e4: {  	[tilespmem:s13+$0x1D0] =	vst v7;
	v7 =	vld [tilespmem:s14+$0xFFFFFF30]  }
0x1e5: {  	v41 =	vld [tilespmem:s16+$0xB0]  }
0x1e6: {  	v1 =	vld [tilespmem:s14+$0xB0];
	v8 =	vadd.f32 v40, v8  }
0x1e7: {  	v45 =	vld [tilespmem:s16+$0xFFFFFEC0]  }
0x1e8: {  	v39 =	vld [tilespmem:s16+$0x1E0];
	v8 =	vmax.f32 v8, $0.0e+00;
	v2 =	vadd.f32 v2, v5  }
0x1e9: {  	v6 =	vld [tilespmem:s14+$0x1E0];
	[tilespmem:s13+$0xFFFFFFB0] =	vst v8;
	v7 =	vadd.f32 v7, v38  }
0x1ea: {  	v46 =	vld [tilespmem:s16+$0xFFFFFFC0];
	v2 =	vmax.f32 v2, $0.0e+00  }
0x1eb: {  	v1 =	vadd.f32 v1, v41;
	v7 =	vmax.f32 v7, $0.0e+00;
	[tilespmem:s13+$0x30] =	vst v2;
	v2 =	vld [tilespmem:s14+$0xFFFFFFC0]  }
0x1ec: {  	[tilespmem:s13+$0xFFFFFF30] =	vst v7;
	v7 =	vld [tilespmem:s14+$0xFFFFFEC0]  }
0x1ed: {  	v1 =	vmax.f32 v1, $0.0e+00;
	v47 =	vld [tilespmem:s16+$0x40]  }
0x1ee: {  	v6 =	vadd.f32 v6, v39;
	[tilespmem:s13+$0xB0] =	vst v1;
	v1 =	vld [tilespmem:s14+$0x40]  }
0x1ef: {  	v5 =	vld [tilespmem:s16+$0xFFFFFF40]  }
0x1f0: {  	v6 =	vmax.f32 v6, $0.0e+00;
	v8 =	vld [tilespmem:s14+$0xFFFFFF40]  }
0x1f1: {  	v3 =	vadd.f32 v3, v44;
	[tilespmem:s13+$0x1E0] =	vst v6;
	v6 =	vld [tilespmem:s14+$0x130]  }
0x1f2: {  	v48 =	vld [tilespmem:s16+$0xC0];
	v2 =	vadd.f32 v2, v46  }
0x1f3: {  	v3 =	vmax.f32 v3, $0.0e+00;
	v43 =	vld [tilespmem:s16+$0x1F0];
	v7 =	vadd.f32 v7, v45  }
0x1f4: {  	[tilespmem:s13+$0xFFFFFE40] =	vst v3;
	v4 =	vld [tilespmem:s14+$0x1F0];
	v2 =	vmax.f32 v2, $0.0e+00  }
0x1f5: {  	v1 =	vadd.f32 v1, v47;
	v5 =	vadd.f32 v8, v5;
	v8 =	vld [tilespmem:s16+$0xFFFFFE50];
	v7 =	vmax.f32 v7, $0.0e+00;
	[tilespmem:s13+$0xFFFFFFC0] =	vst v2  }
0x1f6: {  	v6 =	vadd.f32 v6, v42;
	[tilespmem:s13+$0xFFFFFEC0] =	vst v7;
	v7 =	vld [tilespmem:s14+$0xFFFFFE50]  }
0x1f7: {  	v1 =	vmax.f32 v1, $0.0e+00;
	v52 =	vld [tilespmem:s16+$0xFFFFFFD0]  }
0x1f8: {  	v6 =	vmax.f32 v6, $0.0e+00;
	[tilespmem:s13+$0x40] =	vst v1;
	v1 =	vld [tilespmem:s14+$0xFFFFFFD0]  }
0x1f9: {  	[tilespmem:s13+$0x130] =	vst v6;
	v6 =	vld [tilespmem:s14+$0xC0]  }
0x1fa: {  	v5 =	vmax.f32 v5, $0.0e+00;
	v50 =	vld [tilespmem:s16+$0xFFFFFED0]  }
0x1fb: {  	[tilespmem:s13+$0xFFFFFF40] =	vst v5;
	v5 =	vld [tilespmem:s14+$0xFFFFFED0]  }
0x1fc: {  	v49 =	vld [tilespmem:s16+$0x140]  }
0x1fd: {  	v3 =	vld [tilespmem:s14+$0x140];
	v7 =	vadd.f32 v7, v8  }
0x1fe: {  	v51 =	vld [tilespmem:s16+$0xFFFFFF50];
	v6 =	vadd.f32 v6, v48  }
0x1ff: {  	v2 =	vld [tilespmem:s14+$0xFFFFFF50];
	v7 =	vmax.f32 v7, $0.0e+00  }
0x200: {  	v53 =	vld [tilespmem:s16+$0x50];
	v5 =	vadd.f32 v5, v50;
	v6 =	vmax.f32 v6, $0.0e+00;
	[tilespmem:s13+$0xFFFFFE50] =	vst v7  }
0x201: {  	[tilespmem:s13+$0xC0] =	vst v6;
	v6 =	vld [tilespmem:s14+$0x50]  }
0x202: {  	v3 =	vadd.f32 v3, v49;
	v5 =	vmax.f32 v5, $0.0e+00;
	v55 =	vld [tilespmem:s16+$0xFFFFFE60]  }
0x203: {  	[tilespmem:s13+$0xFFFFFED0] =	vst v5;
	v5 =	vld [tilespmem:s14+$0xFFFFFE60]  }
0x204: {  	v2 =	vadd.f32 v2, v51;
	v3 =	vmax.f32 v3, $0.0e+00;
	v8 =	vld [tilespmem:s16+$0xD0]  }
0x205: {  	[tilespmem:s13+$0x140] =	vst v3;
	v3 =	vld [tilespmem:s14+$0xD0]  }
0x206: {  	v2 =	vmax.f32 v2, $0.0e+00;
	v56 =	vld [tilespmem:s16+$0xFFFFFEE0]  }
0x207: {  	[tilespmem:s13+$0xFFFFFF50] =	vst v2;
	v2 =	vld [tilespmem:s14+$0xFFFFFEE0]  }
0x208: {  	v1 =	vadd.f32 v1, v52;
	v54 =	vld [tilespmem:s16+$0x150]  }
0x209: {  	v7 =	vld [tilespmem:s14+$0x150]  }
0x20a: {  	v1 =	vmax.f32 v1, $0.0e+00;
	v57 =	vld [tilespmem:s16+$0xFFFFFF60];
	v6 =	vadd.f32 v6, v53  }
0x20b: {  	[tilespmem:s13+$0xFFFFFFD0] =	vst v1;
	v1 =	vld [tilespmem:s14+$0xFFFFFF60];
	v5 =	vadd.f32 v5, v55  }
0x20c: {  	v3 =	vadd.f32 v3, v8;
	v8 =	vld [tilespmem:s16+$0xFFFFFFE0];
	v6 =	vmax.f32 v6, $0.0e+00  }
0x20d: {  	v5 =	vmax.f32 v5, $0.0e+00;
	[tilespmem:s13+$0x50] =	vst v6;
	v6 =	vld [tilespmem:s14+$0xFFFFFFE0]  }
0x20e: {  	v2 =	vadd.f32 v2, v56;
	v3 =	vmax.f32 v3, $0.0e+00;
	[tilespmem:s13+$0xFFFFFE60] =	vst v5;
	v58 =	vld [tilespmem:s16+$0x60]  }
0x20f: {  	[tilespmem:s13+$0xD0] =	vst v3;
	v3 =	vld [tilespmem:s14+$0x60]  }
0x210: {  	v7 =	vadd.f32 v7, v54;
	v2 =	vmax.f32 v2, $0.0e+00;
	v61 =	vld [tilespmem:s16+$0xFFFFFE70]  }
0x211: {  	[tilespmem:s13+$0xFFFFFEE0] =	vst v2;
	v2 =	vld [tilespmem:s14+$0xFFFFFE70]  }
0x212: {  	v7 =	vmax.f32 v7, $0.0e+00;
	v59 =	vld [tilespmem:s16+$0xE0]  }
0x213: {  	v1 =	vadd.f32 v1, v57;
	[tilespmem:s13+$0x150] =	vst v7;
	v7 =	vld [tilespmem:s14+$0xE0]  }
0x214: {  	v14 =	vld [tilespmem:s14+$0xFFFFFEF0]  }
0x215: {  	v1 =	vmax.f32 v1, $0.0e+00;
	v60 =	vld [tilespmem:s16+$0x160]  }
0x216: {  	[tilespmem:s13+$0xFFFFFF60] =	vst v1;
	v5 =	vld [tilespmem:s14+$0x160];
	v6 =	vadd.f32 v6, v8  }
0x217: {  	v62 =	vld [tilespmem:s14+$0xFFFFFF70]  }
0x218: {  	v8 =	vld [tilespmem:s16+$0xFFFFFEF0];
	v3 =	vadd.f32 v3, v58;
	v1 =	vmax.f32 v6, $0.0e+00  }
0x219: {  	v4 =	vadd.f32 v4, v43;
	v6 =	vld [tilespmem:s16+$0xFFFFFF70];
	[tilespmem:s13+$0xFFFFFFE0] =	vst v1  }
0x21a: {  	v1 =	vmax.f32 v3, $0.0e+00;
	v3 =	vadd.f32 v7, v59;
	v7 =	vld [tilespmem:s16+$0xFFFFFFF0]  }
0x21b: {  	[tilespmem:s13+$0x60] =	vst v1;
	v1 =	vmax.f32 v4, $0.0e+00;
	v4 =	vadd.f32 v5, v60;
	v63 =	vld [tilespmem:s14+$0xFFFFFFF0]  }
0x21c: {  	v2 =	vadd.f32 v2, v61;
	[tilespmem:s13+$0x1F0] =	vst v1;
	v3 =	vmax.f32 v3, $0.0e+00;
	v1 =	vld [tilespmem:s16+$0x70]  }
0x21d: {  	v5 =	vadd.f32 v14, v8;
	[tilespmem:s13+$0xE0] =	vst v3;
	v4 =	vmax.f32 v4, $0.0e+00;
	v3 =	vld [tilespmem:s14+$0x70]  }
0x21e: {  	[tilespmem:s13+$0x160] =	vst v4;
	v4 =	vmax.f32 v2, $0.0e+00;
	v6 =	vadd.f32 v62, v6;
	v2 =	vld [tilespmem:s16+$0xF0]  }
0x21f: {  	[tilespmem:s13+$0xFFFFFE70] =	vst v4;
	v4 =	vmax.f32 v5, $0.0e+00;
	v5 =	vld [tilespmem:s14+$0xF0]  }
0x220: {  	[tilespmem:s13+$0xFFFFFEF0] =	vst v4;
	v6 =	vmax.f32 v6, $0.0e+00;
	v4 =	vld [tilespmem:s16+$0x170];
	v7 =	vadd.f32 v63, v7  }
0x221: {  	s17 =	simm.s32 $0x6600;
	s16 =	simm.s32 $0x0;
	[tilespmem:s13+$0xFFFFFF70] =	vst v6;
	v6 =	vld [tilespmem:s14+$0x170]  }
.LBB2_10:
0x222: {  	v8 =	vld [tilespmem:s17+$0x180];
	v7 =	vmax.f32 v7, $0.0e+00;
	v1 =	vadd.f32 v3, v1;
	s14 =	sadd.s32 $0x400, s14  }
0x223: {  	v3 =	vld [tilespmem:s14+$0x180];
	[tilespmem:s13+$0xFFFFFFF0] =	vst v7  }
0x224: {  	v7 =	vld [tilespmem:s14+$0xFFFFFE00];
	v1 =	vmax.f32 v1, $0.0e+00;
	v2 =	vadd.f32 v5, v2  }
0x225: {  	v5 =	vld [tilespmem:s17+$0xFFFFFE80];
	[tilespmem:s13+$0x70] =	vst v1  }
0x226: {  	v1 =	vld [tilespmem:s14+$0xFFFFFE80];
	v2 =	vmax.f32 v2, $0.0e+00;
	v4 =	vadd.f32 v6, v4  }
0x227: {  	v6 =	vld [tilespmem:s17+$0xFFFFFF00];
	[tilespmem:s13+$0xF0] =	vst v2  }
0x228: {  	v2 =	vld [tilespmem:s14+$0xFFFFFF00];
	v3 =	vadd.f32 v3, v8;
	v4 =	vmax.f32 v4, $0.0e+00  }
0x229: {  	v8 =	vld [tilespmem:s17+$0xFFFFFF80];
	[tilespmem:s13+$0x170] =	vst v4  }
0x22a: {  	s16 =	sadd.s32 $0x8, s16;
	s13 =	sadd.s32 $0x400, s13;
	v4 =	vld [tilespmem:s14+$0xFFFFFF80];
	v3 =	vmax.f32 v3, $0.0e+00  }
0x22b: {  	p2 =	slt.u32 s16, $0x18;
	v1 =	vadd.f32 v1, v5;
	v5 =	vld [tilespmem:s17+$0x0];
	[tilespmem:s13+$0x180] =	vst v3  }
0x22c: {  	v3 =	vld [tilespmem:s17+$0x190]  }
0x22d: {  	v1 =	vmax.f32 v1, $0.0e+00;
	v2 =	vadd.f32 v2, v6;
	v6 =	vld [tilespmem:s14+$0x190]  }
0x22e: {  	[tilespmem:s13+$0xFFFFFE80] =	vst v1;
	v1 =	vld [tilespmem:s14+$0x0]  }
0x22f: {  	v2 =	vmax.f32 v2, $0.0e+00;
	v4 =	vadd.f32 v4, v8;
	v8 =	vld [tilespmem:s17+$0x80]  }
0x230: {  	[tilespmem:s13+$0xFFFFFF00] =	vst v2;
	v2 =	vld [tilespmem:s14+$0x80]  }
0x231: {  	v4 =	vmax.f32 v4, $0.0e+00;
	v9 =	vld [tilespmem:s17+$0x100]  }
0x232: {  	[tilespmem:s13+$0xFFFFFF80] =	vst v4;
	v4 =	vld [tilespmem:s14+$0x100];
	v3 =	vadd.f32 v6, v3  }
0x233: {  	v6 =	vld [tilespmem:s17+$0xFFFFFE00];
	v1 =	vadd.f32 v1, v5  }
0x234: {  	v5 =	vld [tilespmem:s17+$0xFFFFFE90];
	v3 =	vmax.f32 v3, $0.0e+00  }
0x235: {  	v10 =	vld [tilespmem:s14+$0xFFFFFE90];
	v1 =	vmax.f32 v1, $0.0e+00;
	v2 =	vadd.f32 v2, v8;
	[tilespmem:s13+$0x190] =	vst v3  }
0x236: {  	[tilespmem:s13+$0x0] =	vst v1;
	v1 =	vld [tilespmem:s17+$0x1A0]  }
0x237: {  	v2 =	vmax.f32 v2, $0.0e+00;
	v3 =	vadd.f32 v4, v9;
	v4 =	vld [tilespmem:s14+$0x1A0]  }
0x238: {  	v6 =	vadd.f32 v7, v6;
	v7 =	vld [tilespmem:s17+$0xFFFFFF10];
	[tilespmem:s13+$0x80] =	vst v2  }
0x239: {  	v2 =	vld [tilespmem:s14+$0xFFFFFF10];
	v3 =	vmax.f32 v3, $0.0e+00  }
0x23a: {  	v6 =	vmax.f32 v6, $0.0e+00;
	v5 =	vadd.f32 v10, v5;
	v8 =	vld [tilespmem:s17+$0xFFFFFF90];
	[tilespmem:s13+$0x100] =	vst v3  }
0x23b: {  	[tilespmem:s13+$0xFFFFFE00] =	vst v6;
	v3 =	vld [tilespmem:s14+$0xFFFFFF90]  }
0x23c: {  	v6 =	vld [tilespmem:s17+$0xFFFFFE10];
	v5 =	vmax.f32 v5, $0.0e+00;
	v1 =	vadd.f32 v4, v1  }
0x23d: {  	v4 =	vld [tilespmem:s14+$0xFFFFFE10];
	[tilespmem:s13+$0xFFFFFE90] =	vst v5  }
0x23e: {  	v2 =	vadd.f32 v2, v7;
	v5 =	vld [tilespmem:s17+$0x10];
	v1 =	vmax.f32 v1, $0.0e+00  }
0x23f: {  	v7 =	vld [tilespmem:s14+$0x10];
	[tilespmem:s13+$0x1A0] =	vst v1  }
0x240: {  	v1 =	vmax.f32 v2, $0.0e+00;
	v2 =	vadd.f32 v3, v8;
	v3 =	vld [tilespmem:s17+$0x1B0]  }
0x241: {  	[tilespmem:s13+$0xFFFFFF10] =	vst v1;
	v1 =	vld [tilespmem:s14+$0x1B0]  }
0x242: {  	v4 =	vadd.f32 v4, v6;
	v2 =	vmax.f32 v2, $0.0e+00;
	v6 =	vld [tilespmem:s17+$0x90]  }
0x243: {  	[tilespmem:s13+$0xFFFFFF90] =	vst v2;
	v2 =	vld [tilespmem:s14+$0x90]  }
0x244: {  	v4 =	vmax.f32 v4, $0.0e+00;
	v5 =	vadd.f32 v7, v5;
	v7 =	vld [tilespmem:s17+$0x110]  }
0x245: {  	[tilespmem:s13+$0xFFFFFE10] =	vst v4;
	v4 =	vld [tilespmem:s14+$0x110]  }
0x246: {  	v8 =	vld [tilespmem:s17+$0xFFFFFE20];
	v5 =	vmax.f32 v5, $0.0e+00;
	v1 =	vadd.f32 v1, v3  }
0x247: {  	v3 =	vld [tilespmem:s14+$0xFFFFFE20];
	[tilespmem:s13+$0x10] =	vst v5  }
0x248: {  	v5 =	vld [tilespmem:s17+$0xFFFFFEA0];
	v2 =	vadd.f32 v2, v6;
	v1 =	vmax.f32 v1, $0.0e+00  }
0x249: {  	v6 =	vld [tilespmem:s14+$0xFFFFFEA0];
	[tilespmem:s13+$0x1B0] =	vst v1  }
0x24a: {  	v1 =	vmax.f32 v2, $0.0e+00;
	v2 =	vadd.f32 v4, v7;
	v4 =	vld [tilespmem:s17+$0x1C0]  }
0x24b: {  	[tilespmem:s13+$0x90] =	vst v1;
	v1 =	vld [tilespmem:s14+$0x1C0]  }
0x24c: {  	v3 =	vadd.f32 v3, v8;
	v7 =	vld [tilespmem:s17+$0xFFFFFF20];
	v2 =	vmax.f32 v2, $0.0e+00  }
0x24d: {  	v8 =	vld [tilespmem:s14+$0xFFFFFF20];
	[tilespmem:s13+$0x110] =	vst v2  }
0x24e: {  	v2 =	vmax.f32 v3, $0.0e+00;
	v3 =	vadd.f32 v6, v5;
	v5 =	vld [tilespmem:s17+$0xFFFFFFA0]  }
0x24f: {  	[tilespmem:s13+$0xFFFFFE20] =	vst v2;
	v2 =	vld [tilespmem:s14+$0xFFFFFFA0]  }
0x250: {  	v3 =	vmax.f32 v3, $0.0e+00;
	v6 =	vld [tilespmem:s17+$0x20];
	v1 =	vadd.f32 v1, v4  }
0x251: {  	[tilespmem:s13+$0xFFFFFEA0] =	vst v3;
	v3 =	vld [tilespmem:s14+$0x20]  }
0x252: {  	v4 =	vadd.f32 v8, v7;
	v7 =	vld [tilespmem:s17+$0xA0];
	v1 =	vmax.f32 v1, $0.0e+00  }
0x253: {  	v8 =	vld [tilespmem:s14+$0xA0];
	[tilespmem:s13+$0x1C0] =	vst v1  }
0x254: {  	v1 =	vmax.f32 v4, $0.0e+00;
	v2 =	vadd.f32 v2, v5;
	v4 =	vld [tilespmem:s17+$0x1D0]  }
0x255: {  	[tilespmem:s13+$0xFFFFFF20] =	vst v1;
	v1 =	vld [tilespmem:s14+$0x1D0]  }
0x256: {  	v2 =	vmax.f32 v2, $0.0e+00;
	v3 =	vadd.f32 v3, v6;
	v5 =	vld [tilespmem:s17+$0x120]  }
0x257: {  	[tilespmem:s13+$0xFFFFFFA0] =	vst v2;
	v2 =	vld [tilespmem:s14+$0x120]  }
0x258: {  	v6 =	vld [tilespmem:s17+$0xFFFFFE30];
	v3 =	vmax.f32 v3, $0.0e+00;
	v7 =	vadd.f32 v8, v7  }
0x259: {  	v8 =	vld [tilespmem:s14+$0xFFFFFE30];
	[tilespmem:s13+$0x20] =	vst v3  }
0x25a: {  	v3 =	vld [tilespmem:s17+$0xFFFFFEB0];
	v7 =	vmax.f32 v7, $0.0e+00;
	v1 =	vadd.f32 v1, v4  }
0x25b: {  	v4 =	vld [tilespmem:s14+$0xFFFFFEB0];
	[tilespmem:s13+$0xA0] =	vst v7  }
0x25c: {  	v7 =	vld [tilespmem:s17+$0xFFFFFF30];
	v2 =	vadd.f32 v2, v5;
	v1 =	vmax.f32 v1, $0.0e+00  }
0x25d: {  	v5 =	vld [tilespmem:s14+$0xFFFFFF30];
	[tilespmem:s13+$0x1D0] =	vst v1  }
0x25e: {  	v1 =	vadd.f32 v8, v6;
	v2 =	vmax.f32 v2, $0.0e+00;
	v6 =	vld [tilespmem:s17+$0x1E0]  }
0x25f: {  	[tilespmem:s13+$0x120] =	vst v2;
	v2 =	vld [tilespmem:s14+$0x1E0]  }
0x260: {  	v1 =	vmax.f32 v1, $0.0e+00;
	v3 =	vadd.f32 v4, v3;
	v4 =	vld [tilespmem:s17+$0xFFFFFFB0]  }
0x261: {  	[tilespmem:s13+$0xFFFFFE30] =	vst v1;
	v1 =	vld [tilespmem:s14+$0xFFFFFFB0]  }
0x262: {  	v3 =	vmax.f32 v3, $0.0e+00;
	v5 =	vadd.f32 v5, v7;
	v7 =	vld [tilespmem:s17+$0x30]  }
0x263: {  	[tilespmem:s13+$0xFFFFFEB0] =	vst v3;
	v3 =	vld [tilespmem:s14+$0x30]  }
0x264: {  	v5 =	vmax.f32 v5, $0.0e+00;
	v8 =	vld [tilespmem:s17+$0xB0];
	v2 =	vadd.f32 v2, v6  }
0x265: {  	[tilespmem:s13+$0xFFFFFF30] =	vst v5;
	v5 =	vld [tilespmem:s14+$0xB0]  }
0x266: {  	v1 =	vadd.f32 v1, v4;
	v4 =	vld [tilespmem:s17+$0x130];
	v2 =	vmax.f32 v2, $0.0e+00  }
0x267: {  	v6 =	vld [tilespmem:s14+$0x130];
	[tilespmem:s13+$0x1E0] =	vst v2  }
0x268: {  	v1 =	vmax.f32 v1, $0.0e+00;
	v2 =	vadd.f32 v3, v7;
	v3 =	vld [tilespmem:s17+$0x1F0]  }
0x269: {  	[tilespmem:s13+$0xFFFFFFB0] =	vst v1;
	v1 =	vld [tilespmem:s14+$0x1F0]  }
0x26a: {  	v7 =	vld [tilespmem:s17+$0xFFFFFE40];
	v2 =	vmax.f32 v2, $0.0e+00;
	v5 =	vadd.f32 v5, v8  }
0x26b: {  	v8 =	vld [tilespmem:s14+$0xFFFFFE40];
	[tilespmem:s13+$0x30] =	vst v2  }
0x26c: {  	v2 =	vld [tilespmem:s17+$0xFFFFFEC0];
	v5 =	vmax.f32 v5, $0.0e+00;
	v4 =	vadd.f32 v6, v4  }
0x26d: {  	v6 =	vld [tilespmem:s14+$0xFFFFFEC0];
	[tilespmem:s13+$0xB0] =	vst v5  }
0x26e: {  	v5 =	vld [tilespmem:s17+$0xFFFFFF40];
	v4 =	vmax.f32 v4, $0.0e+00;
	v1 =	vadd.f32 v1, v3  }
0x26f: {  	v3 =	vld [tilespmem:s14+$0xFFFFFF40];
	[tilespmem:s13+$0x130] =	vst v4  }
0x270: {  	v4 =	vadd.f32 v8, v7;
	v7 =	vld [tilespmem:s17+$0xFFFFFFC0];
	v1 =	vmax.f32 v1, $0.0e+00  }
0x271: {  	v8 =	vld [tilespmem:s14+$0xFFFFFFC0];
	[tilespmem:s13+$0x1F0] =	vst v1  }
0x272: {  	v1 =	vmax.f32 v4, $0.0e+00;
	v2 =	vadd.f32 v6, v2;
	v4 =	vld [tilespmem:s17+$0x40]  }
0x273: {  	[tilespmem:s13+$0xFFFFFE40] =	vst v1;
	v1 =	vld [tilespmem:s14+$0x40]  }
0x274: {  	v2 =	vmax.f32 v2, $0.0e+00;
	v3 =	vadd.f32 v3, v5;
	v5 =	vld [tilespmem:s17+$0xC0]  }
0x275: {  	[tilespmem:s13+$0xFFFFFEC0] =	vst v2;
	v2 =	vld [tilespmem:s14+$0xC0]  }
0x276: {  	v3 =	vmax.f32 v3, $0.0e+00;
	v6 =	vadd.f32 v8, v7;
	v7 =	vld [tilespmem:s17+$0x140]  }
0x277: {  	[tilespmem:s13+$0xFFFFFF40] =	vst v3;
	v3 =	vld [tilespmem:s14+$0x140]  }
0x278: {  	v8 =	vld [tilespmem:s17+$0xFFFFFE50];
	v6 =	vmax.f32 v6, $0.0e+00;
	v1 =	vadd.f32 v1, v4  }
0x279: {  	v4 =	vld [tilespmem:s14+$0xFFFFFE50];
	[tilespmem:s13+$0xFFFFFFC0] =	vst v6  }
0x27a: {  	v6 =	vld [tilespmem:s17+$0xFFFFFED0];
	v1 =	vmax.f32 v1, $0.0e+00;
	v2 =	vadd.f32 v2, v5  }
0x27b: {  	v5 =	vld [tilespmem:s14+$0xFFFFFED0];
	[tilespmem:s13+$0x40] =	vst v1  }
0x27c: {  	v1 =	vld [tilespmem:s17+$0xFFFFFF50];
	v2 =	vmax.f32 v2, $0.0e+00;
	v3 =	vadd.f32 v3, v7  }
0x27d: {  	v7 =	vld [tilespmem:s14+$0xFFFFFF50];
	[tilespmem:s13+$0xC0] =	vst v2  }
0x27e: {  	v2 =	vadd.f32 v4, v8;
	v4 =	vld [tilespmem:s17+$0xFFFFFFD0];
	v3 =	vmax.f32 v3, $0.0e+00  }
0x27f: {  	v8 =	vld [tilespmem:s14+$0xFFFFFFD0];
	[tilespmem:s13+$0x140] =	vst v3  }
0x280: {  	v2 =	vmax.f32 v2, $0.0e+00;
	v3 =	vadd.f32 v5, v6;
	v5 =	vld [tilespmem:s17+$0x50]  }
0x281: {  	[tilespmem:s13+$0xFFFFFE50] =	vst v2;
	v2 =	vld [tilespmem:s14+$0x50]  }
0x282: {  	v3 =	vmax.f32 v3, $0.0e+00;
	v1 =	vadd.f32 v7, v1;
	v6 =	vld [tilespmem:s17+$0xD0]  }
0x283: {  	[tilespmem:s13+$0xFFFFFED0] =	vst v3;
	v3 =	vld [tilespmem:s14+$0xD0]  }
0x284: {  	v1 =	vmax.f32 v1, $0.0e+00;
	v4 =	vadd.f32 v8, v4;
	v7 =	vld [tilespmem:s17+$0x150]  }
0x285: {  	[tilespmem:s13+$0xFFFFFF50] =	vst v1;
	v1 =	vld [tilespmem:s14+$0x150]  }
0x286: {  	v8 =	vld [tilespmem:s17+$0xFFFFFE60];
	v4 =	vmax.f32 v4, $0.0e+00;
	v2 =	vadd.f32 v2, v5  }
0x287: {  	v5 =	vld [tilespmem:s14+$0xFFFFFE60];
	[tilespmem:s13+$0xFFFFFFD0] =	vst v4  }
0x288: {  	v4 =	vld [tilespmem:s17+$0xFFFFFEE0];
	v2 =	vmax.f32 v2, $0.0e+00;
	v3 =	vadd.f32 v3, v6  }
0x289: {  	v6 =	vld [tilespmem:s14+$0xFFFFFEE0];
	[tilespmem:s13+$0x50] =	vst v2  }
0x28a: {  	v2 =	vld [tilespmem:s17+$0xFFFFFF60];
	v3 =	vmax.f32 v3, $0.0e+00;
	v1 =	vadd.f32 v1, v7  }
0x28b: {  	v7 =	vld [tilespmem:s14+$0xFFFFFF60];
	[tilespmem:s13+$0xD0] =	vst v3  }
0x28c: {  	v3 =	vadd.f32 v5, v8;
	v5 =	vld [tilespmem:s17+$0xFFFFFFE0];
	v1 =	vmax.f32 v1, $0.0e+00  }
0x28d: {  	v8 =	vld [tilespmem:s14+$0xFFFFFFE0];
	[tilespmem:s13+$0x150] =	vst v1  }
0x28e: {  	v1 =	vmax.f32 v3, $0.0e+00;
	v3 =	vadd.f32 v6, v4;
	v4 =	vld [tilespmem:s17+$0x60]  }
0x28f: {  	[tilespmem:s13+$0xFFFFFE60] =	vst v1;
	v1 =	vld [tilespmem:s14+$0x60]  }
0x290: {  	v3 =	vmax.f32 v3, $0.0e+00;
	v2 =	vadd.f32 v7, v2;
	v6 =	vld [tilespmem:s17+$0xE0]  }
0x291: {  	[tilespmem:s13+$0xFFFFFEE0] =	vst v3;
	v3 =	vld [tilespmem:s14+$0xE0]  }
0x292: {  	v2 =	vmax.f32 v2, $0.0e+00;
	v5 =	vadd.f32 v8, v5;
	v7 =	vld [tilespmem:s17+$0x160]  }
0x293: {  	[tilespmem:s13+$0xFFFFFF60] =	vst v2;
	v2 =	vld [tilespmem:s14+$0x160]  }
0x294: {  	v8 =	vld [tilespmem:s17+$0xFFFFFE70];
	v5 =	vmax.f32 v5, $0.0e+00;
	v1 =	vadd.f32 v1, v4  }
0x295: {  	v4 =	vld [tilespmem:s14+$0xFFFFFE70];
	[tilespmem:s13+$0xFFFFFFE0] =	vst v5  }
0x296: {  	v5 =	vld [tilespmem:s17+$0xFFFFFEF0];
	v1 =	vmax.f32 v1, $0.0e+00;
	v3 =	vadd.f32 v3, v6  }
0x297: {  	v6 =	vld [tilespmem:s14+$0xFFFFFEF0];
	[tilespmem:s13+$0x60] =	vst v1  }
0x298: {  	v9 =	vld [tilespmem:s17+$0xFFFFFF70];
	v1 =	vmax.f32 v3, $0.0e+00;
	v2 =	vadd.f32 v2, v7  }
0x299: {  	v7 =	vld [tilespmem:s14+$0xFFFFFF70];
	[tilespmem:s13+$0xE0] =	vst v1  }
0x29a: {  	v1 =	vadd.f32 v4, v8;
	v4 =	vld [tilespmem:s17+$0xFFFFFFF0];
	v2 =	vmax.f32 v2, $0.0e+00  }
0x29b: {  	v8 =	vld [tilespmem:s14+$0xFFFFFFF0];
	[tilespmem:s13+$0x160] =	vst v2  }
0x29c: {  	v2 =	vmax.f32 v1, $0.0e+00;
	v5 =	vadd.f32 v6, v5;
	v1 =	vld [tilespmem:s17+$0x70]  }
.Ltmp8:
0x29d: {  	[tilespmem:s13+$0xFFFFFE70] =	vst v2;
	v3 =	vld [tilespmem:s14+$0x70];
	(pc) =	sbr.rel @p2 .LBB2_10-.Ltmp8, $4  }
0x29e: {  	v5 =	vmax.f32 v5, $0.0e+00;
	v6 =	vadd.f32 v7, v9;
	v2 =	vld [tilespmem:s17+$0xF0]  }
0x29f: {  	[tilespmem:s13+$0xFFFFFEF0] =	vst v5;
	v5 =	vld [tilespmem:s14+$0xF0]  }
0x2a0: {  	v6 =	vmax.f32 v6, $0.0e+00;
	v7 =	vadd.f32 v8, v4;
	v4 =	vld [tilespmem:s17+$0x170]  }
0x2a1: {  	s17 =	sadd.s32 $0x400, s17;
	[tilespmem:s13+$0xFFFFFF70] =	vst v6;
	v6 =	vld [tilespmem:s14+$0x170]  }
0x2a2: {  	_ =	sdelay $0x1  }
0x2a3: {  	v1 =	vadd.f32 v3, v1  }
0x2a4: {  	v3 =	vmax.f32 v7, $0.0e+00;
	v2 =	vadd.f32 v5, v2  }
0x2a5: {  	[tilespmem:s13+$0xFFFFFFF0] =	vst v3;
	v1 =	vmax.f32 v1, $0.0e+00;
	v3 =	vadd.f32 v6, v4  }
0x2a6: {  	s11 =	sshll.u32 s11, $0x7;
	[tilespmem:s13+$0x70] =	vst v1;
	v1 =	vmax.f32 v2, $0.0e+00  }
0x2a7: {  	s11 =	sand.u32 $0x3FFFFF80, s11;
	[tilespmem:s13+$0xF0] =	vst v1;
	v1 =	vmax.f32 v3, $0.0e+00  }
0x2a8: {  	s11 =	sadd.s32 $0x2800, s11;
	[tilespmem:s13+$0x170] =	vst v1  }
0x2a9: {  	[spmem:s2] =	stream.indirect.scatter.add.f32 [tilespmem:s30], [sflag:$0x9], $0x20, s11, s23, $0xb8;
	[tilespmem:$0x13000] =	vst v63  }
0x2aa: {  	_ =	swait.ge [sflag:s22], $0x1000  }
0x2ab: {  	[sflag:s22] =	ssyncset.done $0x0  }
0x2ac: {  	[sflag:s22] =	ssyncadd.s32 $0xFFFFF000  }
.LBB2_12:
0x2ad: {  	s11 =	sor.u32 $0x3, s9  }
0x2ae: {  	p2 =	sge.u32 s11, s7  }
0x2af: {  	s13 =	sshll.u32 @!p2 s11, $0x7  }
0x2b0: {  	s14 =	simm.s32 @!p2 $0x80;
	s16 =	simm.s32 @!p2 $0x8000;
	s13 =	sand.u32 @!p2 $0x3FFFFF80, s13  }
0x2b1: {  	[tilespmem:s16], [sflag:$0x4] =	stream.indirect.gather @!p2 [hbm4b:s4+s14], $0x20, s13, s14, $0xb8;
	[tilespmem:$0x13000] =	vst v63  }
.Ltmp9:
0x2b2: {  	s13 =	sadd.s32 @!p2 s6, s11;
	(pc) =	sbr.rel @p1 .LBB2_16-.Ltmp9, $4  }
0x2b3: {  	s13 =	sshll.u32 @!p2 s13, $0x9  }
0x2b4: {  	s13 =	sand.u32 @!p2 $0x1FFFFE00, s13  }
0x2b5: {  	s14 =	simm.s32 @!p2 $0x0;
	s16 =	simm.s32 @!p2 $0xC000;
	s13 =	sadd.s32 @!p2 s5, s13  }
0x2b6: {  	[tilespmem:s16], [sflag:$0x8] =	stream.linear.gather @!p2 [hbm4b:s13+s14], $0x1000, $0x38;
	[tilespmem:$0x13000] =	vst v63  }
0x2b7: {  	_ =	swait.ge [sflag:s24], $0x1000  }
0x2b8: {  	[sflag:s24] =	ssyncset.done $0x0  }
0x2b9: {  	[sflag:s24] =	ssyncadd.s32 $0xFFFFF000  }
0x2ba: {  	_ =	swait.ge [sflag:s25], $0x1000  }
0x2bb: {  	[sflag:s25] =	ssyncset.done $0x0  }
0x2bc: {  	s16 =	simm.s32 $0x7200;
	[sflag:s25] =	ssyncadd.s32 $0xFFFFF000  }
0x2bd: {  	s14 =	simm.s32 $0xB200;
	v1 =	vld [tilespmem:s16+$0x180]  }
0x2be: {  	v2 =	vld [tilespmem:s14+$0x180]  }
0x2bf: {  	v3 =	vld [tilespmem:s14+$0xFFFFFE00]  }
0x2c0: {  	v4 =	vld [tilespmem:s16+$0xFFFFFE80]  }
0x2c1: {  	v5 =	vld [tilespmem:s14+$0xFFFFFE80]  }
0x2c2: {  	v6 =	vld [tilespmem:s16+$0xFFFFFF00]  }
0x2c3: {  	v7 =	vld [tilespmem:s14+$0xFFFFFF00]  }
0x2c4: {  	v8 =	vld [tilespmem:s14+$0xFFFFFF80]  }
0x2c5: {  	v9 =	vld [tilespmem:s16+$0x0]  }
0x2c6: {  	v11 =	vld [tilespmem:s14+$0x0]  }
0x2c7: {  	v12 =	vld [tilespmem:s16+$0x80];
	v1 =	vadd.f32 v2, v1  }
0x2c8: {  	v13 =	vld [tilespmem:s16+$0x100];
	v4 =	vadd.f32 v5, v4  }
0x2c9: {  	s13 =	simm.s32 $0xD200;
	v2 =	vld [tilespmem:s16+$0xFFFFFF80];
	v1 =	vmax.f32 v1, $0.0e+00  }
0x2ca: {  	v5 =	vld [tilespmem:s14+$0x80];
	v4 =	vmax.f32 v4, $0.0e+00;
	[tilespmem:s13+$0x180] =	vst v1  }
0x2cb: {  	[tilespmem:s13+$0xFFFFFE80] =	vst v4;
	v4 =	vld [tilespmem:s16+$0xFFFFFE00]  }
0x2cc: {  	v9 =	vadd.f32 v11, v9;
	v1 =	vld [tilespmem:s16+$0x190]  }
0x2cd: {  	v6 =	vadd.f32 v7, v6;
	v10 =	vld [tilespmem:s14+$0x190]  }
0x2ce: {  	v22 =	vld [tilespmem:s14+$0x100];
	v9 =	vmax.f32 v9, $0.0e+00  }
0x2cf: {  	v6 =	vmax.f32 v6, $0.0e+00;
	[tilespmem:s13+$0x0] =	vst v9;
	v7 =	vld [tilespmem:s16+$0xFFFFFE90];
	v2 =	vadd.f32 v8, v2  }
0x2d0: {  	[tilespmem:s13+$0xFFFFFF00] =	vst v6;
	v25 =	vld [tilespmem:s16+$0x10];
	v5 =	vadd.f32 v5, v12  }
0x2d1: {  	v2 =	vmax.f32 v2, $0.0e+00;
	v3 =	vadd.f32 v3, v4;
	v4 =	vld [tilespmem:s16+$0xFFFFFF10]  }
0x2d2: {  	v5 =	vmax.f32 v5, $0.0e+00;
	[tilespmem:s13+$0xFFFFFF80] =	vst v2;
	v2 =	vld [tilespmem:s14+$0xFFFFFF10];
	v1 =	vadd.f32 v10, v1  }
0x2d3: {  	[tilespmem:s13+$0x80] =	vst v5;
	v23 =	vld [tilespmem:s16+$0xFFFFFF90];
	v3 =	vmax.f32 v3, $0.0e+00  }
0x2d4: {  	v27 =	vld [tilespmem:s16+$0x90];
	v1 =	vmax.f32 v1, $0.0e+00;
	[tilespmem:s13+$0xFFFFFE00] =	vst v3  }
0x2d5: {  	v3 =	vld [tilespmem:s14+$0xFFFFFF90];
	[tilespmem:s13+$0x190] =	vst v1  }
0x2d6: {  	v8 =	vld [tilespmem:s16+$0x1A0]  }
0x2d7: {  	v6 =	vld [tilespmem:s14+$0x1A0];
	v2 =	vadd.f32 v2, v4  }
0x2d8: {  	v28 =	vld [tilespmem:s14+$0x90]  }
0x2d9: {  	v1 =	vld [tilespmem:s14+$0xFFFFFE90];
	v2 =	vmax.f32 v2, $0.0e+00  }
0x2da: {  	v24 =	vld [tilespmem:s14+$0xFFFFFE10];
	v3 =	vadd.f32 v3, v23;
	[tilespmem:s13+$0xFFFFFF10] =	vst v2  }
0x2db: {  	v31 =	vld [tilespmem:s16+$0xFFFFFF20]  }
0x2dc: {  	v6 =	vadd.f32 v6, v8;
	v8 =	vld [tilespmem:s16+$0xFFFFFE10];
	v3 =	vmax.f32 v3, $0.0e+00  }
0x2dd: {  	[tilespmem:s13+$0xFFFFFF90] =	vst v3;
	v3 =	vld [tilespmem:s14+$0xFFFFFF20]  }
0x2de: {  	v1 =	vadd.f32 v1, v7;
	v6 =	vmax.f32 v6, $0.0e+00;
	v32 =	vld [tilespmem:s16+$0xFFFFFFA0]  }
0x2df: {  	v10 =	vadd.f32 v22, v13;
	[tilespmem:s13+$0x1A0] =	vst v6;
	v6 =	vld [tilespmem:s14+$0x10]  }
0x2e0: {  	v1 =	vmax.f32 v1, $0.0e+00;
	v26 =	vld [tilespmem:s16+$0x1B0]  }
0x2e1: {  	v10 =	vmax.f32 v10, $0.0e+00;
	[tilespmem:s13+$0xFFFFFE90] =	vst v1;
	v5 =	vld [tilespmem:s14+$0x1B0];
	v8 =	vadd.f32 v24, v8  }
0x2e2: {  	[tilespmem:s13+$0x100] =	vst v10;
	v4 =	vld [tilespmem:s16+$0xFFFFFEA0]  }
0x2e3: {  	v3 =	vadd.f32 v3, v31;
	v7 =	vmax.f32 v8, $0.0e+00;
	v8 =	vld [tilespmem:s16+$0x110]  }
0x2e4: {  	[tilespmem:s13+$0xFFFFFE10] =	vst v7;
	v7 =	vld [tilespmem:s14+$0x110]  }
0x2e5: {  	v6 =	vadd.f32 v6, v25;
	v3 =	vmax.f32 v3, $0.0e+00;
	v29 =	vld [tilespmem:s16+$0xFFFFFE20]  }
0x2e6: {  	v5 =	vadd.f32 v5, v26;
	v1 =	vld [tilespmem:s14+$0xFFFFFE20];
	[tilespmem:s13+$0xFFFFFF20] =	vst v3  }
0x2e7: {  	v6 =	vmax.f32 v6, $0.0e+00;
	v38 =	vld [tilespmem:s16+$0xFFFFFF30]  }
0x2e8: {  	v5 =	vmax.f32 v5, $0.0e+00;
	[tilespmem:s13+$0x10] =	vst v6;
	v6 =	vld [tilespmem:s14+$0xFFFFFFA0]  }
0x2e9: {  	[tilespmem:s13+$0x1B0] =	vst v5;
	v5 =	vld [tilespmem:s14+$0xFFFFFEA0]  }
0x2ea: {  	v9 =	vadd.f32 v28, v27;
	v30 =	vld [tilespmem:s16+$0x1C0]  }
0x2eb: {  	v2 =	vld [tilespmem:s14+$0x1C0];
	v7 =	vadd.f32 v7, v8  }
0x2ec: {  	v9 =	vmax.f32 v9, $0.0e+00;
	v33 =	vld [tilespmem:s16+$0x20]  }
0x2ed: {  	[tilespmem:s13+$0x90] =	vst v9;
	v34 =	vld [tilespmem:s14+$0x20];
	v1 =	vadd.f32 v1, v29;
	v7 =	vmax.f32 v7, $0.0e+00  }
0x2ee: {  	v8 =	vld [tilespmem:s16+$0xA0];
	[tilespmem:s13+$0x110] =	vst v7  }
0x2ef: {  	v1 =	vmax.f32 v1, $0.0e+00;
	v4 =	vadd.f32 v5, v4;
	v5 =	vld [tilespmem:s16+$0x120]  }
0x2f0: {  	[tilespmem:s13+$0xFFFFFE20] =	vst v1;
	v1 =	vld [tilespmem:s14+$0x120];
	v2 =	vadd.f32 v2, v30  }
0x2f1: {  	v36 =	vld [tilespmem:s16+$0xFFFFFE30];
	v4 =	vmax.f32 v4, $0.0e+00  }
0x2f2: {  	v2 =	vmax.f32 v2, $0.0e+00;
	[tilespmem:s13+$0xFFFFFEA0] =	vst v4;
	v4 =	vld [tilespmem:s14+$0xFFFFFE30]  }
0x2f3: {  	[tilespmem:s13+$0x1C0] =	vst v2;
	v2 =	vld [tilespmem:s14+$0xA0]  }
0x2f4: {  	v6 =	vadd.f32 v6, v32;
	v37 =	vld [tilespmem:s16+$0xFFFFFEB0]  }
0x2f5: {  	v9 =	vadd.f32 v34, v33;
	v3 =	vld [tilespmem:s14+$0xFFFFFEB0]  }
0x2f6: {  	v6 =	vmax.f32 v6, $0.0e+00;
	v35 =	vld [tilespmem:s16+$0x1D0]  }
0x2f7: {  	[tilespmem:s13+$0xFFFFFFA0] =	vst v6;
	v9 =	vmax.f32 v9, $0.0e+00;
	v7 =	vld [tilespmem:s14+$0x1D0];
	v1 =	vadd.f32 v1, v5  }
0x2f8: {  	[tilespmem:s13+$0x20] =	vst v9;
	v40 =	vld [tilespmem:s14+$0xFFFFFFB0];
	v4 =	vadd.f32 v4, v36  }
0x2f9: {  	v5 =	vld [tilespmem:s16+$0x30];
	v1 =	vmax.f32 v1, $0.0e+00;
	v2 =	vadd.f32 v2, v8  }
0x2fa: {  	[tilespmem:s13+$0x120] =	vst v1;
	v8 =	vld [tilespmem:s16+$0xFFFFFFB0];
	v4 =	vmax.f32 v4, $0.0e+00  }
0x2fb: {  	v42 =	vld [tilespmem:s16+$0x130];
	v3 =	vadd.f32 v3, v37;
	v2 =	vmax.f32 v2, $0.0e+00;
	[tilespmem:s13+$0xFFFFFE30] =	vst v4  }
0x2fc: {  	v7 =	vadd.f32 v7, v35;
	[tilespmem:s13+$0xA0] =	vst v2;
	v2 =	vld [tilespmem:s14+$0x30]  }
0x2fd: {  	v3 =	vmax.f32 v3, $0.0e+00;
	v44 =	vld [tilespmem:s16+$0xFFFFFE40]  }
0x2fe: {  	v7 =	vmax.f32 v7, $0.0e+00;
	[tilespmem:s13+$0xFFFFFEB0] =	vst v3;
	v3 =	vld [tilespmem:s14+$0xFFFFFE40]  }
0x2ff: {  	[tilespmem:s13+$0x1D0] =	vst v7;
	v7 =	vld [tilespmem:s14+$0xFFFFFF30]  }
0x300: {  	v41 =	vld [tilespmem:s16+$0xB0]  }
0x301: {  	v1 =	vld [tilespmem:s14+$0xB0];
	v8 =	vadd.f32 v40, v8  }
0x302: {  	v45 =	vld [tilespmem:s16+$0xFFFFFEC0]  }
0x303: {  	v39 =	vld [tilespmem:s16+$0x1E0];
	v8 =	vmax.f32 v8, $0.0e+00;
	v2 =	vadd.f32 v2, v5  }
0x304: {  	v6 =	vld [tilespmem:s14+$0x1E0];
	[tilespmem:s13+$0xFFFFFFB0] =	vst v8;
	v7 =	vadd.f32 v7, v38  }
0x305: {  	v46 =	vld [tilespmem:s16+$0xFFFFFFC0];
	v2 =	vmax.f32 v2, $0.0e+00  }
0x306: {  	v1 =	vadd.f32 v1, v41;
	v7 =	vmax.f32 v7, $0.0e+00;
	[tilespmem:s13+$0x30] =	vst v2;
	v2 =	vld [tilespmem:s14+$0xFFFFFFC0]  }
0x307: {  	[tilespmem:s13+$0xFFFFFF30] =	vst v7;
	v7 =	vld [tilespmem:s14+$0xFFFFFEC0]  }
0x308: {  	v1 =	vmax.f32 v1, $0.0e+00;
	v47 =	vld [tilespmem:s16+$0x40]  }
0x309: {  	v6 =	vadd.f32 v6, v39;
	[tilespmem:s13+$0xB0] =	vst v1;
	v1 =	vld [tilespmem:s14+$0x40]  }
0x30a: {  	v5 =	vld [tilespmem:s16+$0xFFFFFF40]  }
0x30b: {  	v6 =	vmax.f32 v6, $0.0e+00;
	v8 =	vld [tilespmem:s14+$0xFFFFFF40]  }
0x30c: {  	v3 =	vadd.f32 v3, v44;
	[tilespmem:s13+$0x1E0] =	vst v6;
	v6 =	vld [tilespmem:s14+$0x130]  }
0x30d: {  	v48 =	vld [tilespmem:s16+$0xC0];
	v2 =	vadd.f32 v2, v46  }
0x30e: {  	v3 =	vmax.f32 v3, $0.0e+00;
	v43 =	vld [tilespmem:s16+$0x1F0];
	v7 =	vadd.f32 v7, v45  }
0x30f: {  	[tilespmem:s13+$0xFFFFFE40] =	vst v3;
	v4 =	vld [tilespmem:s14+$0x1F0];
	v2 =	vmax.f32 v2, $0.0e+00  }
0x310: {  	v1 =	vadd.f32 v1, v47;
	v5 =	vadd.f32 v8, v5;
	v8 =	vld [tilespmem:s16+$0xFFFFFE50];
	v7 =	vmax.f32 v7, $0.0e+00;
	[tilespmem:s13+$0xFFFFFFC0] =	vst v2  }
0x311: {  	v6 =	vadd.f32 v6, v42;
	[tilespmem:s13+$0xFFFFFEC0] =	vst v7;
	v7 =	vld [tilespmem:s14+$0xFFFFFE50]  }
0x312: {  	v1 =	vmax.f32 v1, $0.0e+00;
	v52 =	vld [tilespmem:s16+$0xFFFFFFD0]  }
0x313: {  	v6 =	vmax.f32 v6, $0.0e+00;
	[tilespmem:s13+$0x40] =	vst v1;
	v1 =	vld [tilespmem:s14+$0xFFFFFFD0]  }
0x314: {  	[tilespmem:s13+$0x130] =	vst v6;
	v6 =	vld [tilespmem:s14+$0xC0]  }
0x315: {  	v5 =	vmax.f32 v5, $0.0e+00;
	v50 =	vld [tilespmem:s16+$0xFFFFFED0]  }
0x316: {  	[tilespmem:s13+$0xFFFFFF40] =	vst v5;
	v5 =	vld [tilespmem:s14+$0xFFFFFED0]  }
0x317: {  	v49 =	vld [tilespmem:s16+$0x140]  }
0x318: {  	v3 =	vld [tilespmem:s14+$0x140];
	v7 =	vadd.f32 v7, v8  }
0x319: {  	v51 =	vld [tilespmem:s16+$0xFFFFFF50];
	v6 =	vadd.f32 v6, v48  }
0x31a: {  	v2 =	vld [tilespmem:s14+$0xFFFFFF50];
	v7 =	vmax.f32 v7, $0.0e+00  }
0x31b: {  	v53 =	vld [tilespmem:s16+$0x50];
	v5 =	vadd.f32 v5, v50;
	v6 =	vmax.f32 v6, $0.0e+00;
	[tilespmem:s13+$0xFFFFFE50] =	vst v7  }
0x31c: {  	[tilespmem:s13+$0xC0] =	vst v6;
	v6 =	vld [tilespmem:s14+$0x50]  }
0x31d: {  	v3 =	vadd.f32 v3, v49;
	v5 =	vmax.f32 v5, $0.0e+00;
	v55 =	vld [tilespmem:s16+$0xFFFFFE60]  }
0x31e: {  	[tilespmem:s13+$0xFFFFFED0] =	vst v5;
	v5 =	vld [tilespmem:s14+$0xFFFFFE60]  }
0x31f: {  	v2 =	vadd.f32 v2, v51;
	v3 =	vmax.f32 v3, $0.0e+00;
	v8 =	vld [tilespmem:s16+$0xD0]  }
0x320: {  	[tilespmem:s13+$0x140] =	vst v3;
	v3 =	vld [tilespmem:s14+$0xD0]  }
0x321: {  	v2 =	vmax.f32 v2, $0.0e+00;
	v56 =	vld [tilespmem:s16+$0xFFFFFEE0]  }
0x322: {  	[tilespmem:s13+$0xFFFFFF50] =	vst v2;
	v2 =	vld [tilespmem:s14+$0xFFFFFEE0]  }
0x323: {  	v1 =	vadd.f32 v1, v52;
	v54 =	vld [tilespmem:s16+$0x150]  }
0x324: {  	v7 =	vld [tilespmem:s14+$0x150]  }
0x325: {  	v1 =	vmax.f32 v1, $0.0e+00;
	v57 =	vld [tilespmem:s16+$0xFFFFFF60];
	v6 =	vadd.f32 v6, v53  }
0x326: {  	[tilespmem:s13+$0xFFFFFFD0] =	vst v1;
	v1 =	vld [tilespmem:s14+$0xFFFFFF60];
	v5 =	vadd.f32 v5, v55  }
0x327: {  	v3 =	vadd.f32 v3, v8;
	v8 =	vld [tilespmem:s16+$0xFFFFFFE0];
	v6 =	vmax.f32 v6, $0.0e+00  }
0x328: {  	v5 =	vmax.f32 v5, $0.0e+00;
	[tilespmem:s13+$0x50] =	vst v6;
	v6 =	vld [tilespmem:s14+$0xFFFFFFE0]  }
0x329: {  	v2 =	vadd.f32 v2, v56;
	v3 =	vmax.f32 v3, $0.0e+00;
	[tilespmem:s13+$0xFFFFFE60] =	vst v5;
	v58 =	vld [tilespmem:s16+$0x60]  }
0x32a: {  	[tilespmem:s13+$0xD0] =	vst v3;
	v3 =	vld [tilespmem:s14+$0x60]  }
0x32b: {  	v7 =	vadd.f32 v7, v54;
	v2 =	vmax.f32 v2, $0.0e+00;
	v61 =	vld [tilespmem:s16+$0xFFFFFE70]  }
0x32c: {  	[tilespmem:s13+$0xFFFFFEE0] =	vst v2;
	v2 =	vld [tilespmem:s14+$0xFFFFFE70]  }
0x32d: {  	v7 =	vmax.f32 v7, $0.0e+00;
	v59 =	vld [tilespmem:s16+$0xE0]  }
0x32e: {  	v1 =	vadd.f32 v1, v57;
	[tilespmem:s13+$0x150] =	vst v7;
	v7 =	vld [tilespmem:s14+$0xE0]  }
0x32f: {  	v14 =	vld [tilespmem:s14+$0xFFFFFEF0]  }
0x330: {  	v1 =	vmax.f32 v1, $0.0e+00;
	v60 =	vld [tilespmem:s16+$0x160]  }
0x331: {  	[tilespmem:s13+$0xFFFFFF60] =	vst v1;
	v5 =	vld [tilespmem:s14+$0x160];
	v6 =	vadd.f32 v6, v8  }
0x332: {  	v62 =	vld [tilespmem:s14+$0xFFFFFF70]  }
0x333: {  	v8 =	vld [tilespmem:s16+$0xFFFFFEF0];
	v3 =	vadd.f32 v3, v58;
	v1 =	vmax.f32 v6, $0.0e+00  }
0x334: {  	v4 =	vadd.f32 v4, v43;
	v6 =	vld [tilespmem:s16+$0xFFFFFF70];
	[tilespmem:s13+$0xFFFFFFE0] =	vst v1  }
0x335: {  	v1 =	vmax.f32 v3, $0.0e+00;
	v3 =	vadd.f32 v7, v59;
	v7 =	vld [tilespmem:s16+$0xFFFFFFF0]  }
0x336: {  	[tilespmem:s13+$0x60] =	vst v1;
	v1 =	vmax.f32 v4, $0.0e+00;
	v4 =	vadd.f32 v5, v60;
	v63 =	vld [tilespmem:s14+$0xFFFFFFF0]  }
0x337: {  	v2 =	vadd.f32 v2, v61;
	[tilespmem:s13+$0x1F0] =	vst v1;
	v3 =	vmax.f32 v3, $0.0e+00;
	v1 =	vld [tilespmem:s16+$0x70]  }
0x338: {  	v5 =	vadd.f32 v14, v8;
	[tilespmem:s13+$0xE0] =	vst v3;
	v4 =	vmax.f32 v4, $0.0e+00;
	v3 =	vld [tilespmem:s14+$0x70]  }
0x339: {  	[tilespmem:s13+$0x160] =	vst v4;
	v4 =	vmax.f32 v2, $0.0e+00;
	v6 =	vadd.f32 v62, v6;
	v2 =	vld [tilespmem:s16+$0xF0]  }
0x33a: {  	[tilespmem:s13+$0xFFFFFE70] =	vst v4;
	v4 =	vmax.f32 v5, $0.0e+00;
	v5 =	vld [tilespmem:s14+$0xF0]  }
0x33b: {  	[tilespmem:s13+$0xFFFFFEF0] =	vst v4;
	v6 =	vmax.f32 v6, $0.0e+00;
	v4 =	vld [tilespmem:s16+$0x170];
	v7 =	vadd.f32 v63, v7  }
0x33c: {  	s17 =	simm.s32 $0x7600;
	s16 =	simm.s32 $0x0;
	[tilespmem:s13+$0xFFFFFF70] =	vst v6;
	v6 =	vld [tilespmem:s14+$0x170]  }
.LBB2_14:
0x33d: {  	v8 =	vld [tilespmem:s17+$0x180];
	v7 =	vmax.f32 v7, $0.0e+00;
	v1 =	vadd.f32 v3, v1;
	s14 =	sadd.s32 $0x400, s14  }
0x33e: {  	v3 =	vld [tilespmem:s14+$0x180];
	[tilespmem:s13+$0xFFFFFFF0] =	vst v7  }
0x33f: {  	v7 =	vld [tilespmem:s14+$0xFFFFFE00];
	v1 =	vmax.f32 v1, $0.0e+00;
	v2 =	vadd.f32 v5, v2  }
0x340: {  	v5 =	vld [tilespmem:s17+$0xFFFFFE80];
	[tilespmem:s13+$0x70] =	vst v1  }
0x341: {  	v1 =	vld [tilespmem:s14+$0xFFFFFE80];
	v2 =	vmax.f32 v2, $0.0e+00;
	v4 =	vadd.f32 v6, v4  }
0x342: {  	v6 =	vld [tilespmem:s17+$0xFFFFFF00];
	[tilespmem:s13+$0xF0] =	vst v2  }
0x343: {  	v2 =	vld [tilespmem:s14+$0xFFFFFF00];
	v3 =	vadd.f32 v3, v8;
	v4 =	vmax.f32 v4, $0.0e+00  }
0x344: {  	v8 =	vld [tilespmem:s17+$0xFFFFFF80];
	[tilespmem:s13+$0x170] =	vst v4  }
0x345: {  	s16 =	sadd.s32 $0x8, s16;
	s13 =	sadd.s32 $0x400, s13;
	v4 =	vld [tilespmem:s14+$0xFFFFFF80];
	v3 =	vmax.f32 v3, $0.0e+00  }
0x346: {  	p1 =	slt.u32 s16, $0x18;
	v1 =	vadd.f32 v1, v5;
	v5 =	vld [tilespmem:s17+$0x0];
	[tilespmem:s13+$0x180] =	vst v3  }
0x347: {  	v3 =	vld [tilespmem:s17+$0x190]  }
0x348: {  	v1 =	vmax.f32 v1, $0.0e+00;
	v2 =	vadd.f32 v2, v6;
	v6 =	vld [tilespmem:s14+$0x190]  }
0x349: {  	[tilespmem:s13+$0xFFFFFE80] =	vst v1;
	v1 =	vld [tilespmem:s14+$0x0]  }
0x34a: {  	v2 =	vmax.f32 v2, $0.0e+00;
	v4 =	vadd.f32 v4, v8;
	v8 =	vld [tilespmem:s17+$0x80]  }
0x34b: {  	[tilespmem:s13+$0xFFFFFF00] =	vst v2;
	v2 =	vld [tilespmem:s14+$0x80]  }
0x34c: {  	v4 =	vmax.f32 v4, $0.0e+00;
	v9 =	vld [tilespmem:s17+$0x100]  }
0x34d: {  	[tilespmem:s13+$0xFFFFFF80] =	vst v4;
	v4 =	vld [tilespmem:s14+$0x100];
	v3 =	vadd.f32 v6, v3  }
0x34e: {  	v6 =	vld [tilespmem:s17+$0xFFFFFE00];
	v1 =	vadd.f32 v1, v5  }
0x34f: {  	v5 =	vld [tilespmem:s17+$0xFFFFFE90];
	v3 =	vmax.f32 v3, $0.0e+00  }
0x350: {  	v10 =	vld [tilespmem:s14+$0xFFFFFE90];
	v1 =	vmax.f32 v1, $0.0e+00;
	v2 =	vadd.f32 v2, v8;
	[tilespmem:s13+$0x190] =	vst v3  }
0x351: {  	[tilespmem:s13+$0x0] =	vst v1;
	v1 =	vld [tilespmem:s17+$0x1A0]  }
0x352: {  	v2 =	vmax.f32 v2, $0.0e+00;
	v3 =	vadd.f32 v4, v9;
	v4 =	vld [tilespmem:s14+$0x1A0]  }
0x353: {  	v6 =	vadd.f32 v7, v6;
	v7 =	vld [tilespmem:s17+$0xFFFFFF10];
	[tilespmem:s13+$0x80] =	vst v2  }
0x354: {  	v2 =	vld [tilespmem:s14+$0xFFFFFF10];
	v3 =	vmax.f32 v3, $0.0e+00  }
0x355: {  	v6 =	vmax.f32 v6, $0.0e+00;
	v5 =	vadd.f32 v10, v5;
	v8 =	vld [tilespmem:s17+$0xFFFFFF90];
	[tilespmem:s13+$0x100] =	vst v3  }
0x356: {  	[tilespmem:s13+$0xFFFFFE00] =	vst v6;
	v3 =	vld [tilespmem:s14+$0xFFFFFF90]  }
0x357: {  	v6 =	vld [tilespmem:s17+$0xFFFFFE10];
	v5 =	vmax.f32 v5, $0.0e+00;
	v1 =	vadd.f32 v4, v1  }
0x358: {  	v4 =	vld [tilespmem:s14+$0xFFFFFE10];
	[tilespmem:s13+$0xFFFFFE90] =	vst v5  }
0x359: {  	v2 =	vadd.f32 v2, v7;
	v5 =	vld [tilespmem:s17+$0x10];
	v1 =	vmax.f32 v1, $0.0e+00  }
0x35a: {  	v7 =	vld [tilespmem:s14+$0x10];
	[tilespmem:s13+$0x1A0] =	vst v1  }
0x35b: {  	v1 =	vmax.f32 v2, $0.0e+00;
	v2 =	vadd.f32 v3, v8;
	v3 =	vld [tilespmem:s17+$0x1B0]  }
0x35c: {  	[tilespmem:s13+$0xFFFFFF10] =	vst v1;
	v1 =	vld [tilespmem:s14+$0x1B0]  }
0x35d: {  	v4 =	vadd.f32 v4, v6;
	v2 =	vmax.f32 v2, $0.0e+00;
	v6 =	vld [tilespmem:s17+$0x90]  }
0x35e: {  	[tilespmem:s13+$0xFFFFFF90] =	vst v2;
	v2 =	vld [tilespmem:s14+$0x90]  }
0x35f: {  	v4 =	vmax.f32 v4, $0.0e+00;
	v5 =	vadd.f32 v7, v5;
	v7 =	vld [tilespmem:s17+$0x110]  }
0x360: {  	[tilespmem:s13+$0xFFFFFE10] =	vst v4;
	v4 =	vld [tilespmem:s14+$0x110]  }
0x361: {  	v8 =	vld [tilespmem:s17+$0xFFFFFE20];
	v5 =	vmax.f32 v5, $0.0e+00;
	v1 =	vadd.f32 v1, v3  }
0x362: {  	v3 =	vld [tilespmem:s14+$0xFFFFFE20];
	[tilespmem:s13+$0x10] =	vst v5  }
0x363: {  	v5 =	vld [tilespmem:s17+$0xFFFFFEA0];
	v2 =	vadd.f32 v2, v6;
	v1 =	vmax.f32 v1, $0.0e+00  }
0x364: {  	v6 =	vld [tilespmem:s14+$0xFFFFFEA0];
	[tilespmem:s13+$0x1B0] =	vst v1  }
0x365: {  	v1 =	vmax.f32 v2, $0.0e+00;
	v2 =	vadd.f32 v4, v7;
	v4 =	vld [tilespmem:s17+$0x1C0]  }
0x366: {  	[tilespmem:s13+$0x90] =	vst v1;
	v1 =	vld [tilespmem:s14+$0x1C0]  }
0x367: {  	v3 =	vadd.f32 v3, v8;
	v7 =	vld [tilespmem:s17+$0xFFFFFF20];
	v2 =	vmax.f32 v2, $0.0e+00  }
0x368: {  	v8 =	vld [tilespmem:s14+$0xFFFFFF20];
	[tilespmem:s13+$0x110] =	vst v2  }
0x369: {  	v2 =	vmax.f32 v3, $0.0e+00;
	v3 =	vadd.f32 v6, v5;
	v5 =	vld [tilespmem:s17+$0xFFFFFFA0]  }
0x36a: {  	[tilespmem:s13+$0xFFFFFE20] =	vst v2;
	v2 =	vld [tilespmem:s14+$0xFFFFFFA0]  }
0x36b: {  	v3 =	vmax.f32 v3, $0.0e+00;
	v6 =	vld [tilespmem:s17+$0x20];
	v1 =	vadd.f32 v1, v4  }
0x36c: {  	[tilespmem:s13+$0xFFFFFEA0] =	vst v3;
	v3 =	vld [tilespmem:s14+$0x20]  }
0x36d: {  	v4 =	vadd.f32 v8, v7;
	v7 =	vld [tilespmem:s17+$0xA0];
	v1 =	vmax.f32 v1, $0.0e+00  }
0x36e: {  	v8 =	vld [tilespmem:s14+$0xA0];
	[tilespmem:s13+$0x1C0] =	vst v1  }
0x36f: {  	v1 =	vmax.f32 v4, $0.0e+00;
	v2 =	vadd.f32 v2, v5;
	v4 =	vld [tilespmem:s17+$0x1D0]  }
0x370: {  	[tilespmem:s13+$0xFFFFFF20] =	vst v1;
	v1 =	vld [tilespmem:s14+$0x1D0]  }
0x371: {  	v2 =	vmax.f32 v2, $0.0e+00;
	v3 =	vadd.f32 v3, v6;
	v5 =	vld [tilespmem:s17+$0x120]  }
0x372: {  	[tilespmem:s13+$0xFFFFFFA0] =	vst v2;
	v2 =	vld [tilespmem:s14+$0x120]  }
0x373: {  	v6 =	vld [tilespmem:s17+$0xFFFFFE30];
	v3 =	vmax.f32 v3, $0.0e+00;
	v7 =	vadd.f32 v8, v7  }
0x374: {  	v8 =	vld [tilespmem:s14+$0xFFFFFE30];
	[tilespmem:s13+$0x20] =	vst v3  }
0x375: {  	v3 =	vld [tilespmem:s17+$0xFFFFFEB0];
	v7 =	vmax.f32 v7, $0.0e+00;
	v1 =	vadd.f32 v1, v4  }
0x376: {  	v4 =	vld [tilespmem:s14+$0xFFFFFEB0];
	[tilespmem:s13+$0xA0] =	vst v7  }
0x377: {  	v7 =	vld [tilespmem:s17+$0xFFFFFF30];
	v2 =	vadd.f32 v2, v5;
	v1 =	vmax.f32 v1, $0.0e+00  }
0x378: {  	v5 =	vld [tilespmem:s14+$0xFFFFFF30];
	[tilespmem:s13+$0x1D0] =	vst v1  }
0x379: {  	v1 =	vadd.f32 v8, v6;
	v2 =	vmax.f32 v2, $0.0e+00;
	v6 =	vld [tilespmem:s17+$0x1E0]  }
0x37a: {  	[tilespmem:s13+$0x120] =	vst v2;
	v2 =	vld [tilespmem:s14+$0x1E0]  }
0x37b: {  	v1 =	vmax.f32 v1, $0.0e+00;
	v3 =	vadd.f32 v4, v3;
	v4 =	vld [tilespmem:s17+$0xFFFFFFB0]  }
0x37c: {  	[tilespmem:s13+$0xFFFFFE30] =	vst v1;
	v1 =	vld [tilespmem:s14+$0xFFFFFFB0]  }
0x37d: {  	v3 =	vmax.f32 v3, $0.0e+00;
	v5 =	vadd.f32 v5, v7;
	v7 =	vld [tilespmem:s17+$0x30]  }
0x37e: {  	[tilespmem:s13+$0xFFFFFEB0] =	vst v3;
	v3 =	vld [tilespmem:s14+$0x30]  }
0x37f: {  	v5 =	vmax.f32 v5, $0.0e+00;
	v8 =	vld [tilespmem:s17+$0xB0];
	v2 =	vadd.f32 v2, v6  }
0x380: {  	[tilespmem:s13+$0xFFFFFF30] =	vst v5;
	v5 =	vld [tilespmem:s14+$0xB0]  }
0x381: {  	v1 =	vadd.f32 v1, v4;
	v4 =	vld [tilespmem:s17+$0x130];
	v2 =	vmax.f32 v2, $0.0e+00  }
0x382: {  	v6 =	vld [tilespmem:s14+$0x130];
	[tilespmem:s13+$0x1E0] =	vst v2  }
0x383: {  	v1 =	vmax.f32 v1, $0.0e+00;
	v2 =	vadd.f32 v3, v7;
	v3 =	vld [tilespmem:s17+$0x1F0]  }
0x384: {  	[tilespmem:s13+$0xFFFFFFB0] =	vst v1;
	v1 =	vld [tilespmem:s14+$0x1F0]  }
0x385: {  	v7 =	vld [tilespmem:s17+$0xFFFFFE40];
	v2 =	vmax.f32 v2, $0.0e+00;
	v5 =	vadd.f32 v5, v8  }
0x386: {  	v8 =	vld [tilespmem:s14+$0xFFFFFE40];
	[tilespmem:s13+$0x30] =	vst v2  }
0x387: {  	v2 =	vld [tilespmem:s17+$0xFFFFFEC0];
	v5 =	vmax.f32 v5, $0.0e+00;
	v4 =	vadd.f32 v6, v4  }
0x388: {  	v6 =	vld [tilespmem:s14+$0xFFFFFEC0];
	[tilespmem:s13+$0xB0] =	vst v5  }
0x389: {  	v5 =	vld [tilespmem:s17+$0xFFFFFF40];
	v4 =	vmax.f32 v4, $0.0e+00;
	v1 =	vadd.f32 v1, v3  }
0x38a: {  	v3 =	vld [tilespmem:s14+$0xFFFFFF40];
	[tilespmem:s13+$0x130] =	vst v4  }
0x38b: {  	v4 =	vadd.f32 v8, v7;
	v7 =	vld [tilespmem:s17+$0xFFFFFFC0];
	v1 =	vmax.f32 v1, $0.0e+00  }
0x38c: {  	v8 =	vld [tilespmem:s14+$0xFFFFFFC0];
	[tilespmem:s13+$0x1F0] =	vst v1  }
0x38d: {  	v1 =	vmax.f32 v4, $0.0e+00;
	v2 =	vadd.f32 v6, v2;
	v4 =	vld [tilespmem:s17+$0x40]  }
0x38e: {  	[tilespmem:s13+$0xFFFFFE40] =	vst v1;
	v1 =	vld [tilespmem:s14+$0x40]  }
0x38f: {  	v2 =	vmax.f32 v2, $0.0e+00;
	v3 =	vadd.f32 v3, v5;
	v5 =	vld [tilespmem:s17+$0xC0]  }
0x390: {  	[tilespmem:s13+$0xFFFFFEC0] =	vst v2;
	v2 =	vld [tilespmem:s14+$0xC0]  }
0x391: {  	v3 =	vmax.f32 v3, $0.0e+00;
	v6 =	vadd.f32 v8, v7;
	v7 =	vld [tilespmem:s17+$0x140]  }
0x392: {  	[tilespmem:s13+$0xFFFFFF40] =	vst v3;
	v3 =	vld [tilespmem:s14+$0x140]  }
0x393: {  	v8 =	vld [tilespmem:s17+$0xFFFFFE50];
	v6 =	vmax.f32 v6, $0.0e+00;
	v1 =	vadd.f32 v1, v4  }
0x394: {  	v4 =	vld [tilespmem:s14+$0xFFFFFE50];
	[tilespmem:s13+$0xFFFFFFC0] =	vst v6  }
0x395: {  	v6 =	vld [tilespmem:s17+$0xFFFFFED0];
	v1 =	vmax.f32 v1, $0.0e+00;
	v2 =	vadd.f32 v2, v5  }
0x396: {  	v5 =	vld [tilespmem:s14+$0xFFFFFED0];
	[tilespmem:s13+$0x40] =	vst v1  }
0x397: {  	v1 =	vld [tilespmem:s17+$0xFFFFFF50];
	v2 =	vmax.f32 v2, $0.0e+00;
	v3 =	vadd.f32 v3, v7  }
0x398: {  	v7 =	vld [tilespmem:s14+$0xFFFFFF50];
	[tilespmem:s13+$0xC0] =	vst v2  }
0x399: {  	v2 =	vadd.f32 v4, v8;
	v4 =	vld [tilespmem:s17+$0xFFFFFFD0];
	v3 =	vmax.f32 v3, $0.0e+00  }
0x39a: {  	v8 =	vld [tilespmem:s14+$0xFFFFFFD0];
	[tilespmem:s13+$0x140] =	vst v3  }
0x39b: {  	v2 =	vmax.f32 v2, $0.0e+00;
	v3 =	vadd.f32 v5, v6;
	v5 =	vld [tilespmem:s17+$0x50]  }
0x39c: {  	[tilespmem:s13+$0xFFFFFE50] =	vst v2;
	v2 =	vld [tilespmem:s14+$0x50]  }
0x39d: {  	v3 =	vmax.f32 v3, $0.0e+00;
	v1 =	vadd.f32 v7, v1;
	v6 =	vld [tilespmem:s17+$0xD0]  }
0x39e: {  	[tilespmem:s13+$0xFFFFFED0] =	vst v3;
	v3 =	vld [tilespmem:s14+$0xD0]  }
0x39f: {  	v1 =	vmax.f32 v1, $0.0e+00;
	v4 =	vadd.f32 v8, v4;
	v7 =	vld [tilespmem:s17+$0x150]  }
0x3a0: {  	[tilespmem:s13+$0xFFFFFF50] =	vst v1;
	v1 =	vld [tilespmem:s14+$0x150]  }
0x3a1: {  	v8 =	vld [tilespmem:s17+$0xFFFFFE60];
	v4 =	vmax.f32 v4, $0.0e+00;
	v2 =	vadd.f32 v2, v5  }
0x3a2: {  	v5 =	vld [tilespmem:s14+$0xFFFFFE60];
	[tilespmem:s13+$0xFFFFFFD0] =	vst v4  }
0x3a3: {  	v4 =	vld [tilespmem:s17+$0xFFFFFEE0];
	v2 =	vmax.f32 v2, $0.0e+00;
	v3 =	vadd.f32 v3, v6  }
0x3a4: {  	v6 =	vld [tilespmem:s14+$0xFFFFFEE0];
	[tilespmem:s13+$0x50] =	vst v2  }
0x3a5: {  	v2 =	vld [tilespmem:s17+$0xFFFFFF60];
	v3 =	vmax.f32 v3, $0.0e+00;
	v1 =	vadd.f32 v1, v7  }
0x3a6: {  	v7 =	vld [tilespmem:s14+$0xFFFFFF60];
	[tilespmem:s13+$0xD0] =	vst v3  }
0x3a7: {  	v3 =	vadd.f32 v5, v8;
	v5 =	vld [tilespmem:s17+$0xFFFFFFE0];
	v1 =	vmax.f32 v1, $0.0e+00  }
0x3a8: {  	v8 =	vld [tilespmem:s14+$0xFFFFFFE0];
	[tilespmem:s13+$0x150] =	vst v1  }
0x3a9: {  	v1 =	vmax.f32 v3, $0.0e+00;
	v3 =	vadd.f32 v6, v4;
	v4 =	vld [tilespmem:s17+$0x60]  }
0x3aa: {  	[tilespmem:s13+$0xFFFFFE60] =	vst v1;
	v1 =	vld [tilespmem:s14+$0x60]  }
0x3ab: {  	v3 =	vmax.f32 v3, $0.0e+00;
	v2 =	vadd.f32 v7, v2;
	v6 =	vld [tilespmem:s17+$0xE0]  }
0x3ac: {  	[tilespmem:s13+$0xFFFFFEE0] =	vst v3;
	v3 =	vld [tilespmem:s14+$0xE0]  }
0x3ad: {  	v2 =	vmax.f32 v2, $0.0e+00;
	v5 =	vadd.f32 v8, v5;
	v7 =	vld [tilespmem:s17+$0x160]  }
0x3ae: {  	[tilespmem:s13+$0xFFFFFF60] =	vst v2;
	v2 =	vld [tilespmem:s14+$0x160]  }
0x3af: {  	v8 =	vld [tilespmem:s17+$0xFFFFFE70];
	v5 =	vmax.f32 v5, $0.0e+00;
	v1 =	vadd.f32 v1, v4  }
0x3b0: {  	v4 =	vld [tilespmem:s14+$0xFFFFFE70];
	[tilespmem:s13+$0xFFFFFFE0] =	vst v5  }
0x3b1: {  	v5 =	vld [tilespmem:s17+$0xFFFFFEF0];
	v1 =	vmax.f32 v1, $0.0e+00;
	v3 =	vadd.f32 v3, v6  }
0x3b2: {  	v6 =	vld [tilespmem:s14+$0xFFFFFEF0];
	[tilespmem:s13+$0x60] =	vst v1  }
0x3b3: {  	v9 =	vld [tilespmem:s17+$0xFFFFFF70];
	v1 =	vmax.f32 v3, $0.0e+00;
	v2 =	vadd.f32 v2, v7  }
0x3b4: {  	v7 =	vld [tilespmem:s14+$0xFFFFFF70];
	[tilespmem:s13+$0xE0] =	vst v1  }
0x3b5: {  	v1 =	vadd.f32 v4, v8;
	v4 =	vld [tilespmem:s17+$0xFFFFFFF0];
	v2 =	vmax.f32 v2, $0.0e+00  }
0x3b6: {  	v8 =	vld [tilespmem:s14+$0xFFFFFFF0];
	[tilespmem:s13+$0x160] =	vst v2  }
0x3b7: {  	v2 =	vmax.f32 v1, $0.0e+00;
	v5 =	vadd.f32 v6, v5;
	v1 =	vld [tilespmem:s17+$0x70]  }
.Ltmp10:
0x3b8: {  	[tilespmem:s13+$0xFFFFFE70] =	vst v2;
	v3 =	vld [tilespmem:s14+$0x70];
	(pc) =	sbr.rel @p1 .LBB2_14-.Ltmp10, $4  }
0x3b9: {  	v5 =	vmax.f32 v5, $0.0e+00;
	v6 =	vadd.f32 v7, v9;
	v2 =	vld [tilespmem:s17+$0xF0]  }
0x3ba: {  	[tilespmem:s13+$0xFFFFFEF0] =	vst v5;
	v5 =	vld [tilespmem:s14+$0xF0]  }
0x3bb: {  	v6 =	vmax.f32 v6, $0.0e+00;
	v7 =	vadd.f32 v8, v4;
	v4 =	vld [tilespmem:s17+$0x170]  }
0x3bc: {  	s17 =	sadd.s32 $0x400, s17;
	[tilespmem:s13+$0xFFFFFF70] =	vst v6;
	v6 =	vld [tilespmem:s14+$0x170]  }
0x3bd: {  	_ =	sdelay $0x1  }
0x3be: {  	v1 =	vadd.f32 v3, v1  }
0x3bf: {  	v3 =	vmax.f32 v7, $0.0e+00;
	v2 =	vadd.f32 v5, v2  }
0x3c0: {  	[tilespmem:s13+$0xFFFFFFF0] =	vst v3;
	v1 =	vmax.f32 v1, $0.0e+00;
	v3 =	vadd.f32 v6, v4  }
0x3c1: {  	s10 =	sshll.u32 s10, $0x7;
	[tilespmem:s13+$0x70] =	vst v1;
	v1 =	vmax.f32 v2, $0.0e+00  }
0x3c2: {  	s10 =	sand.u32 $0x3FFFFF80, s10;
	[tilespmem:s13+$0xF0] =	vst v1;
	v1 =	vmax.f32 v3, $0.0e+00  }
0x3c3: {  	s10 =	sadd.s32 $0x2800, s10;
	[tilespmem:s13+$0x170] =	vst v1  }
0x3c4: {  	[spmem:s2] =	stream.indirect.scatter.add.f32 [tilespmem:s30], [sflag:$0x9], $0x20, s10, s23, $0xb8;
	[tilespmem:$0x13000] =	vst v63  }
0x3c5: {  	_ =	swait.ge [sflag:s22], $0x1000  }
0x3c6: {  	[sflag:s22] =	ssyncset.done $0x0  }
0x3c7: {  	[sflag:s22] =	ssyncadd.s32 $0xFFFFF000  }
.LBB2_16:
0x3c8: {  	s10 =	sadd.s32 $0x4, s9  }
0x3c9: {  	p1 =	sge.u32 s10, s7  }
0x3ca: {  	s13 =	sshll.u32 @!p1 s10, $0x7  }
0x3cb: {  	s14 =	simm.s32 @!p1 $0x80;
	s16 =	simm.s32 @!p1 $0x5000;
	s10 =	sadd.s32 @!p1 s6, s10  }
.Ltmp11:
0x3cc: {  	s13 =	sand.u32 @!p1 $0x3FFFFF80, s13;
	s10 =	sshll.u32 @!p1 s10, $0x9;
	(pc) =	sbr.rel @p2 .LBB2_20-.Ltmp11, $4  }
0x3cd: {  	[tilespmem:s16], [sflag:$0x1] =	stream.indirect.gather @!p1 [hbm4b:s4+s14], $0x20, s13, s14, $0xb8;
	[tilespmem:$0x13000] =	vst v63  }
0x3ce: {  	s10 =	sand.u32 @!p1 $0x1FFFF800, s10  }
0x3cf: {  	s13 =	simm.s32 @!p1 $0x0;
	s14 =	simm.s32 @!p1 $0x9000;
	s10 =	sadd.s32 @!p1 s5, s10  }
0x3d0: {  	[tilespmem:s14], [sflag:$0x5] =	stream.linear.gather @!p1 [hbm4b:s10+s13], $0x1000, $0x38;
	[tilespmem:$0x13000] =	vst v63  }
0x3d1: {  	_ =	swait.ge [sflag:s26], $0x1000  }
0x3d2: {  	[sflag:s26] =	ssyncset.done $0x0  }
0x3d3: {  	[sflag:s26] =	ssyncadd.s32 $0xFFFFF000  }
0x3d4: {  	_ =	swait.ge [sflag:s0], $0x1000  }
0x3d5: {  	[sflag:s0] =	ssyncset.done $0x0  }
0x3d6: {  	s14 =	simm.s32 $0x8200;
	[sflag:s0] =	ssyncadd.s32 $0xFFFFF000  }
0x3d7: {  	s13 =	simm.s32 $0xC200;
	v1 =	vld [tilespmem:s14+$0x180]  }
0x3d8: {  	v2 =	vld [tilespmem:s13+$0x180]  }
0x3d9: {  	v3 =	vld [tilespmem:s13+$0xFFFFFE00]  }
0x3da: {  	v4 =	vld [tilespmem:s14+$0xFFFFFE80]  }
0x3db: {  	v5 =	vld [tilespmem:s13+$0xFFFFFE80]  }
0x3dc: {  	v6 =	vld [tilespmem:s14+$0xFFFFFF00]  }
0x3dd: {  	v7 =	vld [tilespmem:s13+$0xFFFFFF00]  }
0x3de: {  	v8 =	vld [tilespmem:s13+$0xFFFFFF80]  }
0x3df: {  	v9 =	vld [tilespmem:s14+$0x0]  }
0x3e0: {  	v11 =	vld [tilespmem:s13+$0x0]  }
0x3e1: {  	v12 =	vld [tilespmem:s14+$0x80];
	v1 =	vadd.f32 v2, v1  }
0x3e2: {  	v13 =	vld [tilespmem:s14+$0x100];
	v4 =	vadd.f32 v5, v4  }
0x3e3: {  	s10 =	simm.s32 $0xD200;
	v2 =	vld [tilespmem:s14+$0xFFFFFF80];
	v1 =	vmax.f32 v1, $0.0e+00  }
0x3e4: {  	v5 =	vld [tilespmem:s13+$0x80];
	v4 =	vmax.f32 v4, $0.0e+00;
	[tilespmem:s10+$0x180] =	vst v1  }
0x3e5: {  	[tilespmem:s10+$0xFFFFFE80] =	vst v4;
	v4 =	vld [tilespmem:s14+$0xFFFFFE00]  }
0x3e6: {  	v9 =	vadd.f32 v11, v9;
	v1 =	vld [tilespmem:s14+$0x190]  }
0x3e7: {  	v6 =	vadd.f32 v7, v6;
	v10 =	vld [tilespmem:s13+$0x190]  }
0x3e8: {  	v22 =	vld [tilespmem:s13+$0x100];
	v9 =	vmax.f32 v9, $0.0e+00  }
0x3e9: {  	v6 =	vmax.f32 v6, $0.0e+00;
	[tilespmem:s10+$0x0] =	vst v9;
	v7 =	vld [tilespmem:s14+$0xFFFFFE90];
	v2 =	vadd.f32 v8, v2  }
0x3ea: {  	[tilespmem:s10+$0xFFFFFF00] =	vst v6;
	v25 =	vld [tilespmem:s14+$0x10];
	v5 =	vadd.f32 v5, v12  }
0x3eb: {  	v2 =	vmax.f32 v2, $0.0e+00;
	v3 =	vadd.f32 v3, v4;
	v4 =	vld [tilespmem:s14+$0xFFFFFF10]  }
0x3ec: {  	v5 =	vmax.f32 v5, $0.0e+00;
	[tilespmem:s10+$0xFFFFFF80] =	vst v2;
	v2 =	vld [tilespmem:s13+$0xFFFFFF10];
	v1 =	vadd.f32 v10, v1  }
0x3ed: {  	[tilespmem:s10+$0x80] =	vst v5;
	v23 =	vld [tilespmem:s14+$0xFFFFFF90];
	v3 =	vmax.f32 v3, $0.0e+00  }
0x3ee: {  	v27 =	vld [tilespmem:s14+$0x90];
	v1 =	vmax.f32 v1, $0.0e+00;
	[tilespmem:s10+$0xFFFFFE00] =	vst v3  }
0x3ef: {  	v3 =	vld [tilespmem:s13+$0xFFFFFF90];
	[tilespmem:s10+$0x190] =	vst v1  }
0x3f0: {  	v8 =	vld [tilespmem:s14+$0x1A0]  }
0x3f1: {  	v6 =	vld [tilespmem:s13+$0x1A0];
	v2 =	vadd.f32 v2, v4  }
0x3f2: {  	v28 =	vld [tilespmem:s13+$0x90]  }
0x3f3: {  	v1 =	vld [tilespmem:s13+$0xFFFFFE90];
	v2 =	vmax.f32 v2, $0.0e+00  }
0x3f4: {  	v24 =	vld [tilespmem:s13+$0xFFFFFE10];
	v3 =	vadd.f32 v3, v23;
	[tilespmem:s10+$0xFFFFFF10] =	vst v2  }
0x3f5: {  	v31 =	vld [tilespmem:s14+$0xFFFFFF20]  }
0x3f6: {  	v6 =	vadd.f32 v6, v8;
	v8 =	vld [tilespmem:s14+$0xFFFFFE10];
	v3 =	vmax.f32 v3, $0.0e+00  }
0x3f7: {  	[tilespmem:s10+$0xFFFFFF90] =	vst v3;
	v3 =	vld [tilespmem:s13+$0xFFFFFF20]  }
0x3f8: {  	v1 =	vadd.f32 v1, v7;
	v6 =	vmax.f32 v6, $0.0e+00;
	v32 =	vld [tilespmem:s14+$0xFFFFFFA0]  }
0x3f9: {  	v10 =	vadd.f32 v22, v13;
	[tilespmem:s10+$0x1A0] =	vst v6;
	v6 =	vld [tilespmem:s13+$0x10]  }
0x3fa: {  	v1 =	vmax.f32 v1, $0.0e+00;
	v26 =	vld [tilespmem:s14+$0x1B0]  }
0x3fb: {  	v10 =	vmax.f32 v10, $0.0e+00;
	[tilespmem:s10+$0xFFFFFE90] =	vst v1;
	v5 =	vld [tilespmem:s13+$0x1B0];
	v8 =	vadd.f32 v24, v8  }
0x3fc: {  	[tilespmem:s10+$0x100] =	vst v10;
	v4 =	vld [tilespmem:s14+$0xFFFFFEA0]  }
0x3fd: {  	v3 =	vadd.f32 v3, v31;
	v7 =	vmax.f32 v8, $0.0e+00;
	v8 =	vld [tilespmem:s14+$0x110]  }
0x3fe: {  	[tilespmem:s10+$0xFFFFFE10] =	vst v7;
	v7 =	vld [tilespmem:s13+$0x110]  }
0x3ff: {  	v6 =	vadd.f32 v6, v25;
	v3 =	vmax.f32 v3, $0.0e+00;
	v29 =	vld [tilespmem:s14+$0xFFFFFE20]  }
0x400: {  	v5 =	vadd.f32 v5, v26;
	v1 =	vld [tilespmem:s13+$0xFFFFFE20];
	[tilespmem:s10+$0xFFFFFF20] =	vst v3  }
0x401: {  	v6 =	vmax.f32 v6, $0.0e+00;
	v38 =	vld [tilespmem:s14+$0xFFFFFF30]  }
0x402: {  	v5 =	vmax.f32 v5, $0.0e+00;
	[tilespmem:s10+$0x10] =	vst v6;
	v6 =	vld [tilespmem:s13+$0xFFFFFFA0]  }
0x403: {  	[tilespmem:s10+$0x1B0] =	vst v5;
	v5 =	vld [tilespmem:s13+$0xFFFFFEA0]  }
0x404: {  	v9 =	vadd.f32 v28, v27;
	v30 =	vld [tilespmem:s14+$0x1C0]  }
0x405: {  	v2 =	vld [tilespmem:s13+$0x1C0];
	v7 =	vadd.f32 v7, v8  }
0x406: {  	v9 =	vmax.f32 v9, $0.0e+00;
	v33 =	vld [tilespmem:s14+$0x20]  }
0x407: {  	[tilespmem:s10+$0x90] =	vst v9;
	v34 =	vld [tilespmem:s13+$0x20];
	v1 =	vadd.f32 v1, v29;
	v7 =	vmax.f32 v7, $0.0e+00  }
0x408: {  	v8 =	vld [tilespmem:s14+$0xA0];
	[tilespmem:s10+$0x110] =	vst v7  }
0x409: {  	v1 =	vmax.f32 v1, $0.0e+00;
	v4 =	vadd.f32 v5, v4;
	v5 =	vld [tilespmem:s14+$0x120]  }
0x40a: {  	[tilespmem:s10+$0xFFFFFE20] =	vst v1;
	v1 =	vld [tilespmem:s13+$0x120];
	v2 =	vadd.f32 v2, v30  }
0x40b: {  	v36 =	vld [tilespmem:s14+$0xFFFFFE30];
	v4 =	vmax.f32 v4, $0.0e+00  }
0x40c: {  	v2 =	vmax.f32 v2, $0.0e+00;
	[tilespmem:s10+$0xFFFFFEA0] =	vst v4;
	v4 =	vld [tilespmem:s13+$0xFFFFFE30]  }
0x40d: {  	[tilespmem:s10+$0x1C0] =	vst v2;
	v2 =	vld [tilespmem:s13+$0xA0]  }
0x40e: {  	v6 =	vadd.f32 v6, v32;
	v37 =	vld [tilespmem:s14+$0xFFFFFEB0]  }
0x40f: {  	v9 =	vadd.f32 v34, v33;
	v3 =	vld [tilespmem:s13+$0xFFFFFEB0]  }
0x410: {  	v6 =	vmax.f32 v6, $0.0e+00;
	v35 =	vld [tilespmem:s14+$0x1D0]  }
0x411: {  	[tilespmem:s10+$0xFFFFFFA0] =	vst v6;
	v9 =	vmax.f32 v9, $0.0e+00;
	v7 =	vld [tilespmem:s13+$0x1D0];
	v1 =	vadd.f32 v1, v5  }
0x412: {  	[tilespmem:s10+$0x20] =	vst v9;
	v40 =	vld [tilespmem:s13+$0xFFFFFFB0];
	v4 =	vadd.f32 v4, v36  }
0x413: {  	v5 =	vld [tilespmem:s14+$0x30];
	v1 =	vmax.f32 v1, $0.0e+00;
	v2 =	vadd.f32 v2, v8  }
0x414: {  	[tilespmem:s10+$0x120] =	vst v1;
	v8 =	vld [tilespmem:s14+$0xFFFFFFB0];
	v4 =	vmax.f32 v4, $0.0e+00  }
0x415: {  	v42 =	vld [tilespmem:s14+$0x130];
	v3 =	vadd.f32 v3, v37;
	v2 =	vmax.f32 v2, $0.0e+00;
	[tilespmem:s10+$0xFFFFFE30] =	vst v4  }
0x416: {  	v7 =	vadd.f32 v7, v35;
	[tilespmem:s10+$0xA0] =	vst v2;
	v2 =	vld [tilespmem:s13+$0x30]  }
0x417: {  	v3 =	vmax.f32 v3, $0.0e+00;
	v44 =	vld [tilespmem:s14+$0xFFFFFE40]  }
0x418: {  	v7 =	vmax.f32 v7, $0.0e+00;
	[tilespmem:s10+$0xFFFFFEB0] =	vst v3;
	v3 =	vld [tilespmem:s13+$0xFFFFFE40]  }
0x419: {  	[tilespmem:s10+$0x1D0] =	vst v7;
	v7 =	vld [tilespmem:s13+$0xFFFFFF30]  }
0x41a: {  	v41 =	vld [tilespmem:s14+$0xB0]  }
0x41b: {  	v1 =	vld [tilespmem:s13+$0xB0];
	v8 =	vadd.f32 v40, v8  }
0x41c: {  	v45 =	vld [tilespmem:s14+$0xFFFFFEC0]  }
0x41d: {  	v39 =	vld [tilespmem:s14+$0x1E0];
	v8 =	vmax.f32 v8, $0.0e+00;
	v2 =	vadd.f32 v2, v5  }
0x41e: {  	v6 =	vld [tilespmem:s13+$0x1E0];
	[tilespmem:s10+$0xFFFFFFB0] =	vst v8;
	v7 =	vadd.f32 v7, v38  }
0x41f: {  	v46 =	vld [tilespmem:s14+$0xFFFFFFC0];
	v2 =	vmax.f32 v2, $0.0e+00  }
0x420: {  	v1 =	vadd.f32 v1, v41;
	v7 =	vmax.f32 v7, $0.0e+00;
	[tilespmem:s10+$0x30] =	vst v2;
	v2 =	vld [tilespmem:s13+$0xFFFFFFC0]  }
0x421: {  	[tilespmem:s10+$0xFFFFFF30] =	vst v7;
	v7 =	vld [tilespmem:s13+$0xFFFFFEC0]  }
0x422: {  	v1 =	vmax.f32 v1, $0.0e+00;
	v47 =	vld [tilespmem:s14+$0x40]  }
0x423: {  	v6 =	vadd.f32 v6, v39;
	[tilespmem:s10+$0xB0] =	vst v1;
	v1 =	vld [tilespmem:s13+$0x40]  }
0x424: {  	v5 =	vld [tilespmem:s14+$0xFFFFFF40]  }
0x425: {  	v6 =	vmax.f32 v6, $0.0e+00;
	v8 =	vld [tilespmem:s13+$0xFFFFFF40]  }
0x426: {  	v3 =	vadd.f32 v3, v44;
	[tilespmem:s10+$0x1E0] =	vst v6;
	v6 =	vld [tilespmem:s13+$0x130]  }
0x427: {  	v48 =	vld [tilespmem:s14+$0xC0];
	v2 =	vadd.f32 v2, v46  }
0x428: {  	v3 =	vmax.f32 v3, $0.0e+00;
	v43 =	vld [tilespmem:s14+$0x1F0];
	v7 =	vadd.f32 v7, v45  }
0x429: {  	[tilespmem:s10+$0xFFFFFE40] =	vst v3;
	v4 =	vld [tilespmem:s13+$0x1F0];
	v2 =	vmax.f32 v2, $0.0e+00  }
0x42a: {  	v1 =	vadd.f32 v1, v47;
	v5 =	vadd.f32 v8, v5;
	v8 =	vld [tilespmem:s14+$0xFFFFFE50];
	v7 =	vmax.f32 v7, $0.0e+00;
	[tilespmem:s10+$0xFFFFFFC0] =	vst v2  }
0x42b: {  	v6 =	vadd.f32 v6, v42;
	[tilespmem:s10+$0xFFFFFEC0] =	vst v7;
	v7 =	vld [tilespmem:s13+$0xFFFFFE50]  }
0x42c: {  	v1 =	vmax.f32 v1, $0.0e+00;
	v52 =	vld [tilespmem:s14+$0xFFFFFFD0]  }
0x42d: {  	v6 =	vmax.f32 v6, $0.0e+00;
	[tilespmem:s10+$0x40] =	vst v1;
	v1 =	vld [tilespmem:s13+$0xFFFFFFD0]  }
0x42e: {  	[tilespmem:s10+$0x130] =	vst v6;
	v6 =	vld [tilespmem:s13+$0xC0]  }
0x42f: {  	v5 =	vmax.f32 v5, $0.0e+00;
	v50 =	vld [tilespmem:s14+$0xFFFFFED0]  }
0x430: {  	[tilespmem:s10+$0xFFFFFF40] =	vst v5;
	v5 =	vld [tilespmem:s13+$0xFFFFFED0]  }
0x431: {  	v49 =	vld [tilespmem:s14+$0x140]  }
0x432: {  	v3 =	vld [tilespmem:s13+$0x140];
	v7 =	vadd.f32 v7, v8  }
0x433: {  	v51 =	vld [tilespmem:s14+$0xFFFFFF50];
	v6 =	vadd.f32 v6, v48  }
0x434: {  	v2 =	vld [tilespmem:s13+$0xFFFFFF50];
	v7 =	vmax.f32 v7, $0.0e+00  }
0x435: {  	v53 =	vld [tilespmem:s14+$0x50];
	v5 =	vadd.f32 v5, v50;
	v6 =	vmax.f32 v6, $0.0e+00;
	[tilespmem:s10+$0xFFFFFE50] =	vst v7  }
0x436: {  	[tilespmem:s10+$0xC0] =	vst v6;
	v6 =	vld [tilespmem:s13+$0x50]  }
0x437: {  	v3 =	vadd.f32 v3, v49;
	v5 =	vmax.f32 v5, $0.0e+00;
	v55 =	vld [tilespmem:s14+$0xFFFFFE60]  }
0x438: {  	[tilespmem:s10+$0xFFFFFED0] =	vst v5;
	v5 =	vld [tilespmem:s13+$0xFFFFFE60]  }
0x439: {  	v2 =	vadd.f32 v2, v51;
	v3 =	vmax.f32 v3, $0.0e+00;
	v8 =	vld [tilespmem:s14+$0xD0]  }
0x43a: {  	[tilespmem:s10+$0x140] =	vst v3;
	v3 =	vld [tilespmem:s13+$0xD0]  }
0x43b: {  	v2 =	vmax.f32 v2, $0.0e+00;
	v56 =	vld [tilespmem:s14+$0xFFFFFEE0]  }
0x43c: {  	[tilespmem:s10+$0xFFFFFF50] =	vst v2;
	v2 =	vld [tilespmem:s13+$0xFFFFFEE0]  }
0x43d: {  	v1 =	vadd.f32 v1, v52;
	v54 =	vld [tilespmem:s14+$0x150]  }
0x43e: {  	v7 =	vld [tilespmem:s13+$0x150]  }
0x43f: {  	v1 =	vmax.f32 v1, $0.0e+00;
	v57 =	vld [tilespmem:s14+$0xFFFFFF60];
	v6 =	vadd.f32 v6, v53  }
0x440: {  	[tilespmem:s10+$0xFFFFFFD0] =	vst v1;
	v1 =	vld [tilespmem:s13+$0xFFFFFF60];
	v5 =	vadd.f32 v5, v55  }
0x441: {  	v3 =	vadd.f32 v3, v8;
	v8 =	vld [tilespmem:s14+$0xFFFFFFE0];
	v6 =	vmax.f32 v6, $0.0e+00  }
0x442: {  	v5 =	vmax.f32 v5, $0.0e+00;
	[tilespmem:s10+$0x50] =	vst v6;
	v6 =	vld [tilespmem:s13+$0xFFFFFFE0]  }
0x443: {  	v2 =	vadd.f32 v2, v56;
	v3 =	vmax.f32 v3, $0.0e+00;
	[tilespmem:s10+$0xFFFFFE60] =	vst v5;
	v58 =	vld [tilespmem:s14+$0x60]  }
0x444: {  	[tilespmem:s10+$0xD0] =	vst v3;
	v3 =	vld [tilespmem:s13+$0x60]  }
0x445: {  	v7 =	vadd.f32 v7, v54;
	v2 =	vmax.f32 v2, $0.0e+00;
	v61 =	vld [tilespmem:s14+$0xFFFFFE70]  }
0x446: {  	[tilespmem:s10+$0xFFFFFEE0] =	vst v2;
	v2 =	vld [tilespmem:s13+$0xFFFFFE70]  }
0x447: {  	v7 =	vmax.f32 v7, $0.0e+00;
	v59 =	vld [tilespmem:s14+$0xE0]  }
0x448: {  	v1 =	vadd.f32 v1, v57;
	[tilespmem:s10+$0x150] =	vst v7;
	v7 =	vld [tilespmem:s13+$0xE0]  }
0x449: {  	v14 =	vld [tilespmem:s13+$0xFFFFFEF0]  }
0x44a: {  	v1 =	vmax.f32 v1, $0.0e+00;
	v60 =	vld [tilespmem:s14+$0x160]  }
0x44b: {  	[tilespmem:s10+$0xFFFFFF60] =	vst v1;
	v5 =	vld [tilespmem:s13+$0x160];
	v6 =	vadd.f32 v6, v8  }
0x44c: {  	v62 =	vld [tilespmem:s13+$0xFFFFFF70]  }
0x44d: {  	v8 =	vld [tilespmem:s14+$0xFFFFFEF0];
	v3 =	vadd.f32 v3, v58;
	v1 =	vmax.f32 v6, $0.0e+00  }
0x44e: {  	v4 =	vadd.f32 v4, v43;
	v6 =	vld [tilespmem:s14+$0xFFFFFF70];
	[tilespmem:s10+$0xFFFFFFE0] =	vst v1  }
0x44f: {  	v1 =	vmax.f32 v3, $0.0e+00;
	v3 =	vadd.f32 v7, v59;
	v7 =	vld [tilespmem:s14+$0xFFFFFFF0]  }
0x450: {  	[tilespmem:s10+$0x60] =	vst v1;
	v1 =	vmax.f32 v4, $0.0e+00;
	v4 =	vadd.f32 v5, v60;
	v63 =	vld [tilespmem:s13+$0xFFFFFFF0]  }
0x451: {  	v2 =	vadd.f32 v2, v61;
	[tilespmem:s10+$0x1F0] =	vst v1;
	v3 =	vmax.f32 v3, $0.0e+00;
	v1 =	vld [tilespmem:s14+$0x70]  }
0x452: {  	v5 =	vadd.f32 v14, v8;
	[tilespmem:s10+$0xE0] =	vst v3;
	v4 =	vmax.f32 v4, $0.0e+00;
	v3 =	vld [tilespmem:s13+$0x70]  }
0x453: {  	[tilespmem:s10+$0x160] =	vst v4;
	v4 =	vmax.f32 v2, $0.0e+00;
	v6 =	vadd.f32 v62, v6;
	v2 =	vld [tilespmem:s14+$0xF0]  }
0x454: {  	[tilespmem:s10+$0xFFFFFE70] =	vst v4;
	v4 =	vmax.f32 v5, $0.0e+00;
	v5 =	vld [tilespmem:s13+$0xF0]  }
0x455: {  	[tilespmem:s10+$0xFFFFFEF0] =	vst v4;
	v6 =	vmax.f32 v6, $0.0e+00;
	v4 =	vld [tilespmem:s14+$0x170];
	v7 =	vadd.f32 v63, v7  }
0x456: {  	s16 =	simm.s32 $0x8600;
	s14 =	simm.s32 $0x0;
	[tilespmem:s10+$0xFFFFFF70] =	vst v6;
	v6 =	vld [tilespmem:s13+$0x170]  }
.LBB2_18:
0x457: {  	v8 =	vld [tilespmem:s16+$0x180];
	v7 =	vmax.f32 v7, $0.0e+00;
	v1 =	vadd.f32 v3, v1;
	s13 =	sadd.s32 $0x400, s13  }
0x458: {  	v3 =	vld [tilespmem:s13+$0x180];
	[tilespmem:s10+$0xFFFFFFF0] =	vst v7  }
0x459: {  	v7 =	vld [tilespmem:s13+$0xFFFFFE00];
	v1 =	vmax.f32 v1, $0.0e+00;
	v2 =	vadd.f32 v5, v2  }
0x45a: {  	v5 =	vld [tilespmem:s16+$0xFFFFFE80];
	[tilespmem:s10+$0x70] =	vst v1  }
0x45b: {  	v1 =	vld [tilespmem:s13+$0xFFFFFE80];
	v2 =	vmax.f32 v2, $0.0e+00;
	v4 =	vadd.f32 v6, v4  }
0x45c: {  	v6 =	vld [tilespmem:s16+$0xFFFFFF00];
	[tilespmem:s10+$0xF0] =	vst v2  }
0x45d: {  	v2 =	vld [tilespmem:s13+$0xFFFFFF00];
	v3 =	vadd.f32 v3, v8;
	v4 =	vmax.f32 v4, $0.0e+00  }
0x45e: {  	v8 =	vld [tilespmem:s16+$0xFFFFFF80];
	[tilespmem:s10+$0x170] =	vst v4  }
0x45f: {  	s14 =	sadd.s32 $0x8, s14;
	s10 =	sadd.s32 $0x400, s10;
	v4 =	vld [tilespmem:s13+$0xFFFFFF80];
	v3 =	vmax.f32 v3, $0.0e+00  }
0x460: {  	p1 =	slt.u32 s14, $0x18;
	v1 =	vadd.f32 v1, v5;
	v5 =	vld [tilespmem:s16+$0x0];
	[tilespmem:s10+$0x180] =	vst v3  }
0x461: {  	v3 =	vld [tilespmem:s16+$0x190]  }
0x462: {  	v1 =	vmax.f32 v1, $0.0e+00;
	v2 =	vadd.f32 v2, v6;
	v6 =	vld [tilespmem:s13+$0x190]  }
0x463: {  	[tilespmem:s10+$0xFFFFFE80] =	vst v1;
	v1 =	vld [tilespmem:s13+$0x0]  }
0x464: {  	v2 =	vmax.f32 v2, $0.0e+00;
	v4 =	vadd.f32 v4, v8;
	v8 =	vld [tilespmem:s16+$0x80]  }
0x465: {  	[tilespmem:s10+$0xFFFFFF00] =	vst v2;
	v2 =	vld [tilespmem:s13+$0x80]  }
0x466: {  	v4 =	vmax.f32 v4, $0.0e+00;
	v9 =	vld [tilespmem:s16+$0x100]  }
0x467: {  	[tilespmem:s10+$0xFFFFFF80] =	vst v4;
	v4 =	vld [tilespmem:s13+$0x100];
	v3 =	vadd.f32 v6, v3  }
0x468: {  	v6 =	vld [tilespmem:s16+$0xFFFFFE00];
	v1 =	vadd.f32 v1, v5  }
0x469: {  	v5 =	vld [tilespmem:s16+$0xFFFFFE90];
	v3 =	vmax.f32 v3, $0.0e+00  }
0x46a: {  	v10 =	vld [tilespmem:s13+$0xFFFFFE90];
	v1 =	vmax.f32 v1, $0.0e+00;
	v2 =	vadd.f32 v2, v8;
	[tilespmem:s10+$0x190] =	vst v3  }
0x46b: {  	[tilespmem:s10+$0x0] =	vst v1;
	v1 =	vld [tilespmem:s16+$0x1A0]  }
0x46c: {  	v2 =	vmax.f32 v2, $0.0e+00;
	v3 =	vadd.f32 v4, v9;
	v4 =	vld [tilespmem:s13+$0x1A0]  }
0x46d: {  	v6 =	vadd.f32 v7, v6;
	v7 =	vld [tilespmem:s16+$0xFFFFFF10];
	[tilespmem:s10+$0x80] =	vst v2  }
0x46e: {  	v2 =	vld [tilespmem:s13+$0xFFFFFF10];
	v3 =	vmax.f32 v3, $0.0e+00  }
0x46f: {  	v6 =	vmax.f32 v6, $0.0e+00;
	v5 =	vadd.f32 v10, v5;
	v8 =	vld [tilespmem:s16+$0xFFFFFF90];
	[tilespmem:s10+$0x100] =	vst v3  }
0x470: {  	[tilespmem:s10+$0xFFFFFE00] =	vst v6;
	v3 =	vld [tilespmem:s13+$0xFFFFFF90]  }
0x471: {  	v6 =	vld [tilespmem:s16+$0xFFFFFE10];
	v5 =	vmax.f32 v5, $0.0e+00;
	v1 =	vadd.f32 v4, v1  }
0x472: {  	v4 =	vld [tilespmem:s13+$0xFFFFFE10];
	[tilespmem:s10+$0xFFFFFE90] =	vst v5  }
0x473: {  	v2 =	vadd.f32 v2, v7;
	v5 =	vld [tilespmem:s16+$0x10];
	v1 =	vmax.f32 v1, $0.0e+00  }
0x474: {  	v7 =	vld [tilespmem:s13+$0x10];
	[tilespmem:s10+$0x1A0] =	vst v1  }
0x475: {  	v1 =	vmax.f32 v2, $0.0e+00;
	v2 =	vadd.f32 v3, v8;
	v3 =	vld [tilespmem:s16+$0x1B0]  }
0x476: {  	[tilespmem:s10+$0xFFFFFF10] =	vst v1;
	v1 =	vld [tilespmem:s13+$0x1B0]  }
0x477: {  	v4 =	vadd.f32 v4, v6;
	v2 =	vmax.f32 v2, $0.0e+00;
	v6 =	vld [tilespmem:s16+$0x90]  }
0x478: {  	[tilespmem:s10+$0xFFFFFF90] =	vst v2;
	v2 =	vld [tilespmem:s13+$0x90]  }
0x479: {  	v4 =	vmax.f32 v4, $0.0e+00;
	v5 =	vadd.f32 v7, v5;
	v7 =	vld [tilespmem:s16+$0x110]  }
0x47a: {  	[tilespmem:s10+$0xFFFFFE10] =	vst v4;
	v4 =	vld [tilespmem:s13+$0x110]  }
0x47b: {  	v8 =	vld [tilespmem:s16+$0xFFFFFE20];
	v5 =	vmax.f32 v5, $0.0e+00;
	v1 =	vadd.f32 v1, v3  }
0x47c: {  	v3 =	vld [tilespmem:s13+$0xFFFFFE20];
	[tilespmem:s10+$0x10] =	vst v5  }
0x47d: {  	v5 =	vld [tilespmem:s16+$0xFFFFFEA0];
	v2 =	vadd.f32 v2, v6;
	v1 =	vmax.f32 v1, $0.0e+00  }
0x47e: {  	v6 =	vld [tilespmem:s13+$0xFFFFFEA0];
	[tilespmem:s10+$0x1B0] =	vst v1  }
0x47f: {  	v1 =	vmax.f32 v2, $0.0e+00;
	v2 =	vadd.f32 v4, v7;
	v4 =	vld [tilespmem:s16+$0x1C0]  }
0x480: {  	[tilespmem:s10+$0x90] =	vst v1;
	v1 =	vld [tilespmem:s13+$0x1C0]  }
0x481: {  	v3 =	vadd.f32 v3, v8;
	v7 =	vld [tilespmem:s16+$0xFFFFFF20];
	v2 =	vmax.f32 v2, $0.0e+00  }
0x482: {  	v8 =	vld [tilespmem:s13+$0xFFFFFF20];
	[tilespmem:s10+$0x110] =	vst v2  }
0x483: {  	v2 =	vmax.f32 v3, $0.0e+00;
	v3 =	vadd.f32 v6, v5;
	v5 =	vld [tilespmem:s16+$0xFFFFFFA0]  }
0x484: {  	[tilespmem:s10+$0xFFFFFE20] =	vst v2;
	v2 =	vld [tilespmem:s13+$0xFFFFFFA0]  }
0x485: {  	v3 =	vmax.f32 v3, $0.0e+00;
	v6 =	vld [tilespmem:s16+$0x20];
	v1 =	vadd.f32 v1, v4  }
0x486: {  	[tilespmem:s10+$0xFFFFFEA0] =	vst v3;
	v3 =	vld [tilespmem:s13+$0x20]  }
0x487: {  	v4 =	vadd.f32 v8, v7;
	v7 =	vld [tilespmem:s16+$0xA0];
	v1 =	vmax.f32 v1, $0.0e+00  }
0x488: {  	v8 =	vld [tilespmem:s13+$0xA0];
	[tilespmem:s10+$0x1C0] =	vst v1  }
0x489: {  	v1 =	vmax.f32 v4, $0.0e+00;
	v2 =	vadd.f32 v2, v5;
	v4 =	vld [tilespmem:s16+$0x1D0]  }
0x48a: {  	[tilespmem:s10+$0xFFFFFF20] =	vst v1;
	v1 =	vld [tilespmem:s13+$0x1D0]  }
0x48b: {  	v2 =	vmax.f32 v2, $0.0e+00;
	v3 =	vadd.f32 v3, v6;
	v5 =	vld [tilespmem:s16+$0x120]  }
0x48c: {  	[tilespmem:s10+$0xFFFFFFA0] =	vst v2;
	v2 =	vld [tilespmem:s13+$0x120]  }
0x48d: {  	v6 =	vld [tilespmem:s16+$0xFFFFFE30];
	v3 =	vmax.f32 v3, $0.0e+00;
	v7 =	vadd.f32 v8, v7  }
0x48e: {  	v8 =	vld [tilespmem:s13+$0xFFFFFE30];
	[tilespmem:s10+$0x20] =	vst v3  }
0x48f: {  	v3 =	vld [tilespmem:s16+$0xFFFFFEB0];
	v7 =	vmax.f32 v7, $0.0e+00;
	v1 =	vadd.f32 v1, v4  }
0x490: {  	v4 =	vld [tilespmem:s13+$0xFFFFFEB0];
	[tilespmem:s10+$0xA0] =	vst v7  }
0x491: {  	v7 =	vld [tilespmem:s16+$0xFFFFFF30];
	v2 =	vadd.f32 v2, v5;
	v1 =	vmax.f32 v1, $0.0e+00  }
0x492: {  	v5 =	vld [tilespmem:s13+$0xFFFFFF30];
	[tilespmem:s10+$0x1D0] =	vst v1  }
0x493: {  	v1 =	vadd.f32 v8, v6;
	v2 =	vmax.f32 v2, $0.0e+00;
	v6 =	vld [tilespmem:s16+$0x1E0]  }
0x494: {  	[tilespmem:s10+$0x120] =	vst v2;
	v2 =	vld [tilespmem:s13+$0x1E0]  }
0x495: {  	v1 =	vmax.f32 v1, $0.0e+00;
	v3 =	vadd.f32 v4, v3;
	v4 =	vld [tilespmem:s16+$0xFFFFFFB0]  }
0x496: {  	[tilespmem:s10+$0xFFFFFE30] =	vst v1;
	v1 =	vld [tilespmem:s13+$0xFFFFFFB0]  }
0x497: {  	v3 =	vmax.f32 v3, $0.0e+00;
	v5 =	vadd.f32 v5, v7;
	v7 =	vld [tilespmem:s16+$0x30]  }
0x498: {  	[tilespmem:s10+$0xFFFFFEB0] =	vst v3;
	v3 =	vld [tilespmem:s13+$0x30]  }
0x499: {  	v5 =	vmax.f32 v5, $0.0e+00;
	v8 =	vld [tilespmem:s16+$0xB0];
	v2 =	vadd.f32 v2, v6  }
0x49a: {  	[tilespmem:s10+$0xFFFFFF30] =	vst v5;
	v5 =	vld [tilespmem:s13+$0xB0]  }
0x49b: {  	v1 =	vadd.f32 v1, v4;
	v4 =	vld [tilespmem:s16+$0x130];
	v2 =	vmax.f32 v2, $0.0e+00  }
0x49c: {  	v6 =	vld [tilespmem:s13+$0x130];
	[tilespmem:s10+$0x1E0] =	vst v2  }
0x49d: {  	v1 =	vmax.f32 v1, $0.0e+00;
	v2 =	vadd.f32 v3, v7;
	v3 =	vld [tilespmem:s16+$0x1F0]  }
0x49e: {  	[tilespmem:s10+$0xFFFFFFB0] =	vst v1;
	v1 =	vld [tilespmem:s13+$0x1F0]  }
0x49f: {  	v7 =	vld [tilespmem:s16+$0xFFFFFE40];
	v2 =	vmax.f32 v2, $0.0e+00;
	v5 =	vadd.f32 v5, v8  }
0x4a0: {  	v8 =	vld [tilespmem:s13+$0xFFFFFE40];
	[tilespmem:s10+$0x30] =	vst v2  }
0x4a1: {  	v2 =	vld [tilespmem:s16+$0xFFFFFEC0];
	v5 =	vmax.f32 v5, $0.0e+00;
	v4 =	vadd.f32 v6, v4  }
0x4a2: {  	v6 =	vld [tilespmem:s13+$0xFFFFFEC0];
	[tilespmem:s10+$0xB0] =	vst v5  }
0x4a3: {  	v5 =	vld [tilespmem:s16+$0xFFFFFF40];
	v4 =	vmax.f32 v4, $0.0e+00;
	v1 =	vadd.f32 v1, v3  }
0x4a4: {  	v3 =	vld [tilespmem:s13+$0xFFFFFF40];
	[tilespmem:s10+$0x130] =	vst v4  }
0x4a5: {  	v4 =	vadd.f32 v8, v7;
	v7 =	vld [tilespmem:s16+$0xFFFFFFC0];
	v1 =	vmax.f32 v1, $0.0e+00  }
0x4a6: {  	v8 =	vld [tilespmem:s13+$0xFFFFFFC0];
	[tilespmem:s10+$0x1F0] =	vst v1  }
0x4a7: {  	v1 =	vmax.f32 v4, $0.0e+00;
	v2 =	vadd.f32 v6, v2;
	v4 =	vld [tilespmem:s16+$0x40]  }
0x4a8: {  	[tilespmem:s10+$0xFFFFFE40] =	vst v1;
	v1 =	vld [tilespmem:s13+$0x40]  }
0x4a9: {  	v2 =	vmax.f32 v2, $0.0e+00;
	v3 =	vadd.f32 v3, v5;
	v5 =	vld [tilespmem:s16+$0xC0]  }
0x4aa: {  	[tilespmem:s10+$0xFFFFFEC0] =	vst v2;
	v2 =	vld [tilespmem:s13+$0xC0]  }
0x4ab: {  	v3 =	vmax.f32 v3, $0.0e+00;
	v6 =	vadd.f32 v8, v7;
	v7 =	vld [tilespmem:s16+$0x140]  }
0x4ac: {  	[tilespmem:s10+$0xFFFFFF40] =	vst v3;
	v3 =	vld [tilespmem:s13+$0x140]  }
0x4ad: {  	v8 =	vld [tilespmem:s16+$0xFFFFFE50];
	v6 =	vmax.f32 v6, $0.0e+00;
	v1 =	vadd.f32 v1, v4  }
0x4ae: {  	v4 =	vld [tilespmem:s13+$0xFFFFFE50];
	[tilespmem:s10+$0xFFFFFFC0] =	vst v6  }
0x4af: {  	v6 =	vld [tilespmem:s16+$0xFFFFFED0];
	v1 =	vmax.f32 v1, $0.0e+00;
	v2 =	vadd.f32 v2, v5  }
0x4b0: {  	v5 =	vld [tilespmem:s13+$0xFFFFFED0];
	[tilespmem:s10+$0x40] =	vst v1  }
0x4b1: {  	v1 =	vld [tilespmem:s16+$0xFFFFFF50];
	v2 =	vmax.f32 v2, $0.0e+00;
	v3 =	vadd.f32 v3, v7  }
0x4b2: {  	v7 =	vld [tilespmem:s13+$0xFFFFFF50];
	[tilespmem:s10+$0xC0] =	vst v2  }
0x4b3: {  	v2 =	vadd.f32 v4, v8;
	v4 =	vld [tilespmem:s16+$0xFFFFFFD0];
	v3 =	vmax.f32 v3, $0.0e+00  }
0x4b4: {  	v8 =	vld [tilespmem:s13+$0xFFFFFFD0];
	[tilespmem:s10+$0x140] =	vst v3  }
0x4b5: {  	v2 =	vmax.f32 v2, $0.0e+00;
	v3 =	vadd.f32 v5, v6;
	v5 =	vld [tilespmem:s16+$0x50]  }
0x4b6: {  	[tilespmem:s10+$0xFFFFFE50] =	vst v2;
	v2 =	vld [tilespmem:s13+$0x50]  }
0x4b7: {  	v3 =	vmax.f32 v3, $0.0e+00;
	v1 =	vadd.f32 v7, v1;
	v6 =	vld [tilespmem:s16+$0xD0]  }
0x4b8: {  	[tilespmem:s10+$0xFFFFFED0] =	vst v3;
	v3 =	vld [tilespmem:s13+$0xD0]  }
0x4b9: {  	v1 =	vmax.f32 v1, $0.0e+00;
	v4 =	vadd.f32 v8, v4;
	v7 =	vld [tilespmem:s16+$0x150]  }
0x4ba: {  	[tilespmem:s10+$0xFFFFFF50] =	vst v1;
	v1 =	vld [tilespmem:s13+$0x150]  }
0x4bb: {  	v8 =	vld [tilespmem:s16+$0xFFFFFE60];
	v4 =	vmax.f32 v4, $0.0e+00;
	v2 =	vadd.f32 v2, v5  }
0x4bc: {  	v5 =	vld [tilespmem:s13+$0xFFFFFE60];
	[tilespmem:s10+$0xFFFFFFD0] =	vst v4  }
0x4bd: {  	v4 =	vld [tilespmem:s16+$0xFFFFFEE0];
	v2 =	vmax.f32 v2, $0.0e+00;
	v3 =	vadd.f32 v3, v6  }
0x4be: {  	v6 =	vld [tilespmem:s13+$0xFFFFFEE0];
	[tilespmem:s10+$0x50] =	vst v2  }
0x4bf: {  	v2 =	vld [tilespmem:s16+$0xFFFFFF60];
	v3 =	vmax.f32 v3, $0.0e+00;
	v1 =	vadd.f32 v1, v7  }
0x4c0: {  	v7 =	vld [tilespmem:s13+$0xFFFFFF60];
	[tilespmem:s10+$0xD0] =	vst v3  }
0x4c1: {  	v3 =	vadd.f32 v5, v8;
	v5 =	vld [tilespmem:s16+$0xFFFFFFE0];
	v1 =	vmax.f32 v1, $0.0e+00  }
0x4c2: {  	v8 =	vld [tilespmem:s13+$0xFFFFFFE0];
	[tilespmem:s10+$0x150] =	vst v1  }
0x4c3: {  	v1 =	vmax.f32 v3, $0.0e+00;
	v3 =	vadd.f32 v6, v4;
	v4 =	vld [tilespmem:s16+$0x60]  }
0x4c4: {  	[tilespmem:s10+$0xFFFFFE60] =	vst v1;
	v1 =	vld [tilespmem:s13+$0x60]  }
0x4c5: {  	v3 =	vmax.f32 v3, $0.0e+00;
	v2 =	vadd.f32 v7, v2;
	v6 =	vld [tilespmem:s16+$0xE0]  }
0x4c6: {  	[tilespmem:s10+$0xFFFFFEE0] =	vst v3;
	v3 =	vld [tilespmem:s13+$0xE0]  }
0x4c7: {  	v2 =	vmax.f32 v2, $0.0e+00;
	v5 =	vadd.f32 v8, v5;
	v7 =	vld [tilespmem:s16+$0x160]  }
0x4c8: {  	[tilespmem:s10+$0xFFFFFF60] =	vst v2;
	v2 =	vld [tilespmem:s13+$0x160]  }
0x4c9: {  	v8 =	vld [tilespmem:s16+$0xFFFFFE70];
	v5 =	vmax.f32 v5, $0.0e+00;
	v1 =	vadd.f32 v1, v4  }
0x4ca: {  	v4 =	vld [tilespmem:s13+$0xFFFFFE70];
	[tilespmem:s10+$0xFFFFFFE0] =	vst v5  }
0x4cb: {  	v5 =	vld [tilespmem:s16+$0xFFFFFEF0];
	v1 =	vmax.f32 v1, $0.0e+00;
	v3 =	vadd.f32 v3, v6  }
0x4cc: {  	v6 =	vld [tilespmem:s13+$0xFFFFFEF0];
	[tilespmem:s10+$0x60] =	vst v1  }
0x4cd: {  	v9 =	vld [tilespmem:s16+$0xFFFFFF70];
	v1 =	vmax.f32 v3, $0.0e+00;
	v2 =	vadd.f32 v2, v7  }
0x4ce: {  	v7 =	vld [tilespmem:s13+$0xFFFFFF70];
	[tilespmem:s10+$0xE0] =	vst v1  }
0x4cf: {  	v1 =	vadd.f32 v4, v8;
	v4 =	vld [tilespmem:s16+$0xFFFFFFF0];
	v2 =	vmax.f32 v2, $0.0e+00  }
0x4d0: {  	v8 =	vld [tilespmem:s13+$0xFFFFFFF0];
	[tilespmem:s10+$0x160] =	vst v2  }
0x4d1: {  	v2 =	vmax.f32 v1, $0.0e+00;
	v5 =	vadd.f32 v6, v5;
	v1 =	vld [tilespmem:s16+$0x70]  }
.Ltmp12:
0x4d2: {  	[tilespmem:s10+$0xFFFFFE70] =	vst v2;
	v3 =	vld [tilespmem:s13+$0x70];
	(pc) =	sbr.rel @p1 .LBB2_18-.Ltmp12, $4  }
0x4d3: {  	v5 =	vmax.f32 v5, $0.0e+00;
	v6 =	vadd.f32 v7, v9;
	v2 =	vld [tilespmem:s16+$0xF0]  }
0x4d4: {  	[tilespmem:s10+$0xFFFFFEF0] =	vst v5;
	v5 =	vld [tilespmem:s13+$0xF0]  }
0x4d5: {  	v6 =	vmax.f32 v6, $0.0e+00;
	v7 =	vadd.f32 v8, v4;
	v4 =	vld [tilespmem:s16+$0x170]  }
0x4d6: {  	s16 =	sadd.s32 $0x400, s16;
	[tilespmem:s10+$0xFFFFFF70] =	vst v6;
	v6 =	vld [tilespmem:s13+$0x170]  }
0x4d7: {  	_ =	sdelay $0x1  }
0x4d8: {  	v1 =	vadd.f32 v3, v1  }
0x4d9: {  	v3 =	vmax.f32 v7, $0.0e+00;
	v2 =	vadd.f32 v5, v2  }
0x4da: {  	[tilespmem:s10+$0xFFFFFFF0] =	vst v3;
	v1 =	vmax.f32 v1, $0.0e+00;
	v3 =	vadd.f32 v6, v4  }
0x4db: {  	s11 =	sshll.u32 s11, $0x7;
	[tilespmem:s10+$0x70] =	vst v1;
	v1 =	vmax.f32 v2, $0.0e+00  }
0x4dc: {  	s11 =	sand.u32 $0x3FFFFF80, s11;
	[tilespmem:s10+$0xF0] =	vst v1;
	v1 =	vmax.f32 v3, $0.0e+00  }
.Ltmp13:
0x4dd: {  	s17 =	sadd.s32 $0x2800, s11;
	[tilespmem:s10+$0x170] =	vst v1;
	(pc) =	sbr.rel .LBB2_20-.Ltmp13, $4  }
0x4de: {  	[spmem:s2] =	stream.indirect.scatter.add.f32 [tilespmem:s30], [sflag:$0x9], $0x20, s17, s23, $0xb8;
	[tilespmem:$0x13000] =	vst v63  }
0x4df: {  	_ =	swait.ge [sflag:s22], $0x1000  }
0x4e0: {  	[sflag:s22] =	ssyncset.done $0x0  }
0x4e1: {  	[sflag:s22] =	ssyncadd.s32 $0xFFFFF000  }
.LBB2_22:
0x4e2: {  	_ =	sfence.sel $0x180000  }
0x4e3: {  	[bflag:$0x0] =	sbarrier.arrive $0xFFFF  }
0x4e4: {  	_ =	strace $0x90000047  }
0x4e5: {  	s0 =	stileid.u32;
	[bflag:$0x2] =	sbarrier.arrive $0xFFFF  }
0x4e6: {  	p0 =	sne.s32 s0, $0x0;
	s0 =	rddreg [dreg:$0x2]  }
0x4e7: {  	s0 =	sadd.s32 @!p0 $0x100000, s0  }
0x4e8: {  	[sflag:s0] =	ssyncadd.tile.s32 @!p0 $0x1;
	_ =	shalt  }
.Lfunc_end2:
_tile_overlayer_lowered:
.L_overlay_start_2:
0x4e9: {  	(tag) =	ssettag $0x2  }
0x4ea: {  	s0 =	rddreg [dreg:$0x0];
	s2 =	stileid.u32  }
0x4eb: {  	s1 =	rddreg [dreg:$0x1];
	p0 =	sne.s32 s2, $0x0  }
0x4ec: {  	s3 =	rddreg [dreg:$0x2];
	[bflag:$0x3] =	sbarrier.arrive $0xFFFF;
	s2 =	simm.s32 @!p0 $0x1C09  }
0x4ed: {  	[timem:s3], [sflag:s2] =	dma.local @!p0 [hbm:s0], s1  }
0x4ee: {  	s0 =	simm.s32 @!p0 $0x9  }
0x4ef: {  	_ =	swait.ge @!p0 [sflag:s0], s1  }
0x4f0: {  	s1 =	ssub.s32 @!p0 $0x0, s1;
	[sflag:s0] =	ssyncset.done @!p0 $0x0  }
0x4f1: {  	[sflag:s0] =	ssyncadd.s32 @!p0 s1  }
0x4f2: {  	[bflag:$0x3] =	sbarrier.arrive $0xFFFF  }
0x4f3: {  	_ =	shalt  }

</sc_bundles>
